<compile_context>
chip_gen: v7x
topology: tpu7x:2x2x1
jax: 0.10.2.dev20260603
libtpu: 0.0.44.dev20260713+nightly
codegen_flags: <defaults>
</compile_context>

<pallas_src>
import functools

import jax
import jax.numpy as jnp
from jax import lax
from jax.experimental import pallas as pl
from jax.experimental.pallas import tpu as pltpu
from jax.experimental.pallas import tpu_sc as plsc

VOCAB = 30
DIM = 2048
NC = 2
NS = 16
NW = NC * NS


@functools.lru_cache(maxsize=None)
def _make_gather(n_flat: int):
    b_per_w = n_flat // NW
    assert n_flat == b_per_w * NW and b_per_w % 16 == 0
    mesh = plsc.VectorSubcoreMesh(core_axis_name="c", subcore_axis_name="s")

    @functools.partial(
        pl.kernel,
        mesh=mesh,
        out_type=jax.ShapeDtypeStruct((n_flat, DIM), jnp.float32),
        scratch_types=[
            pltpu.VMEM((b_per_w,), jnp.int32),
            pltpu.VMEM((VOCAB, DIM), jnp.float32),
            pltpu.SemaphoreType.DMA,
        ],
    )
    def k(idx_hbm, table_hbm, out_hbm, idx_s, table_v, ssem):
        wid = lax.axis_index("s") * NC + lax.axis_index("c")
        base = wid * b_per_w
        pltpu.sync_copy(idx_hbm.at[pl.ds(base, b_per_w)], idx_s)
        pltpu.sync_copy(table_hbm, table_v)

        def issue(i, r):
            pltpu.make_async_copy(
                table_v.at[r], out_hbm.at[base + i], ssem
            ).start()

        def drain_one():
            pltpu.make_async_copy(
                table_v.at[0], out_hbm.at[base], ssem
            ).wait()

        def group(g, drain):
            v = idx_s[pl.ds(g * 16, 16)]
            for lane in range(16):
                if drain:
                    drain_one()
                issue(g * 16 + lane, v[lane])

        group(0, drain=False)

        def step(g, carry):
            group(g, drain=True)
            return carry

        lax.fori_loop(1, b_per_w // 16, step, 0)

        def drain_loop(i, carry):
            drain_one()
            return carry

        lax.fori_loop(0, 16, drain_loop, 0)

    return k


def kernel(x, table):
    B, L = x.shape
    idx = x.T.reshape(B * L).astype(jnp.int32)
    out = _make_gather(B * L)(idx, table)
    return jnp.swapaxes(out.reshape(L, B, table.shape[1]), 0, 1)

# --- scband reference (transcript-rebuilt; emitter-appended) ---
"""Pipeline reference for scband-codebook-17085379903553 (READ-ONLY COPY).

The authoritative reference and input builder live on the scoring server;
editing this copy changes nothing except your own understanding.
"""

import jax, jax.numpy as jnp
import numpy as np

VOCAB = 30
DIM = 2048
B = 1024
L = 50

def _build_table(key):
    # Emulate: rows initialized from pretrained token embeddings, 'p' (index 0) zeroed,
    # then all rows L2-normalized along dim=-1 (padding_idx=0 stays zero).
    w = jax.random.normal(key, (VOCAB, DIM), dtype=jnp.float32)
    w = w.at[0].set(0.0)
    norm = jnp.linalg.norm(w, axis=-1, keepdims=True)
    w = w / jnp.maximum(norm, 1e-12)
    return w

def setup_inputs(seed: int = 0) -> dict:
    key = jax.random.key(seed)
    k_idx, k_tab = jax.random.split(key)
    x = jax.random.randint(k_idx, (B, L), 0, VOCAB, dtype=jnp.int64 if jax.config.jax_enable_x64 else jnp.int32)
    table = _build_table(k_tab)
    return {"x": x, "table": table}

def reference(x, table):
    # forward: self.embedding(x) -> gather rows of the (frozen, normalized) table
    return jnp.take(table, x, axis=0)

if __name__ == "__main__":
    import jax
    _d = setup_inputs()
    print(jax.jit(kernel)(*tuple(_d.values())))

</pallas_src>

<mosaic_0001>
#map = affine_map<(d0, d1) -> (0)>
#map1 = affine_map<(d0, d1) -> (0, 0)>
module attributes {stable_mosaic.version = 14 : i64} {
  func.func @k(%arg0: i32, %arg1: i32, %arg2: memref<51200xi32, #tpu.memory_space<hbm>>, %arg3: memref<30x2048xf32, #tpu.memory_space<hbm>>, %arg4: memref<51200x2048xf32, #tpu.memory_space<hbm>>, %arg5: memref<1600xi32, #tpu.memory_space<vmem>>, %arg6: memref<30x2048xf32, #tpu.memory_space<vmem>>, %arg7: memref<!tpu.dma_semaphore, #tpu.memory_space<semaphore_mem>>) attributes {dimension_semantics = [#tpu.dimension_semantics<core_parallel>, #tpu.dimension_semantics<subcore_parallel>], iteration_bounds = array<i64: 2, 16>, scalar_prefetch = 0 : i64, scratch_operands = 3 : i64, tpu.core_type = #tpu.core_type<sc_vector_subcore>, window_params = [{transform_indices = #map}, {transform_indices = #map1}, {transform_indices = #map1}]} {
    %mul3A = arith.constant 2 : i32
    %mul3A_0 = arith.muli %arg1, %mul3A : i32
    %add3A = arith.addi %mul3A_0, %arg0 : i32
    %mul3A_1 = arith.constant 1600 : i32
    %mul3A_2 = arith.muli %add3A, %mul3A_1 : i32
    "tpu.region"() ({
      %run_scoped3A = tpu.sem_alloc : memref<!tpu.dma_semaphore, #tpu.memory_space<semaphore_mem>>
      %dma_start3A_269 = tpu.memref_slice %arg2[%mul3A_2] : memref<51200xi32, #tpu.memory_space<hbm>> -> memref<1600xi32, #tpu.memory_space<hbm>>
      %dma_start3A_270 = tpu.memref_slice %arg2[%mul3A_2] : memref<51200xi32, #tpu.memory_space<hbm>> -> memref<1600xi32, #tpu.memory_space<hbm>>
      tpu.enqueue_dma source(%dma_start3A_270 : memref<1600xi32, #tpu.memory_space<hbm>>) target(%arg5 : memref<1600xi32, #tpu.memory_space<vmem>>) target_semaphore(%run_scoped3A : memref<!tpu.dma_semaphore, #tpu.memory_space<semaphore_mem>>)
      %dma_wait3A = tpu.memref_slice %arg2[%mul3A_2] : memref<51200xi32, #tpu.memory_space<hbm>> -> memref<1600xi32, #tpu.memory_space<hbm>>
      %dma_wait3A_271 = tpu.memref_slice %arg2[%mul3A_2] : memref<51200xi32, #tpu.memory_space<hbm>> -> memref<1600xi32, #tpu.memory_space<hbm>>
      tpu.wait_dma2 semaphore(%run_scoped3A : memref<!tpu.dma_semaphore, #tpu.memory_space<semaphore_mem>>) src(%dma_wait3A_271 : memref<1600xi32, #tpu.memory_space<hbm>>) dst(%arg5 : memref<1600xi32, #tpu.memory_space<vmem>>)
      tpu.yield
    }) : () -> ()
    "tpu.region"() ({
      %run_scoped3A = tpu.sem_alloc : memref<!tpu.dma_semaphore, #tpu.memory_space<semaphore_mem>>
      tpu.enqueue_dma source(%arg3 : memref<30x2048xf32, #tpu.memory_space<hbm>>) target(%arg6 : memref<30x2048xf32, #tpu.memory_space<vmem>>) target_semaphore(%run_scoped3A : memref<!tpu.dma_semaphore, #tpu.memory_space<semaphore_mem>>)
      tpu.wait_dma2 semaphore(%run_scoped3A : memref<!tpu.dma_semaphore, #tpu.memory_space<semaphore_mem>>) src(%arg3 : memref<30x2048xf32, #tpu.memory_space<hbm>>) dst(%arg6 : memref<30x2048xf32, #tpu.memory_space<vmem>>)
      tpu.yield
    }) : () -> ()
    %get3A = arith.constant 0 : index
    %get3A_3 = tpu.vector_load %arg5[%get3A] {strides = array<i32>} : memref<1600xi32, #tpu.memory_space<vmem>>, vector<16xi32>,
    %get3A_4 = vector.shape_cast %get3A_3 : vector<16xi32> to vector<16xi32>
    %slice3A = vector.extract_strided_slice %get3A_4 {offsets = [0], sizes = [1], strides = [1]} : vector<16xi32> to vector<1xi32>
    %squeeze3A = vector.extract %slice3A[0] : i32 from vector<1xi32>
    %add3A_5 = arith.constant 0 : i32
    %add3A_6 = arith.addi %mul3A_2, %add3A_5 : i32
    %dma_start3A = arith.constant 0 : i32
    %dma_start3A_7 = tpu.memref_slice %arg6[%squeeze3A, %dma_start3A] : memref<30x2048xf32, #tpu.memory_space<vmem>> -> memref<1x2048xf32, #tpu.memory_space<vmem>>
    %dma_start3A_8 = tpu.memref_squeeze %dma_start3A_7 : memref<1x2048xf32, #tpu.memory_space<vmem>> -> memref<2048xf32, #tpu.memory_space<vmem>>
    %dma_start3A_9 = arith.constant 0 : i32
    %dma_start3A_10 = tpu.memref_slice %arg4[%add3A_6, %dma_start3A_9] : memref<51200x2048xf32, #tpu.memory_space<hbm>> -> memref<1x2048xf32, #tpu.memory_space<hbm>>
    %dma_start3A_11 = tpu.memref_squeeze %dma_start3A_10 : memref<1x2048xf32, #tpu.memory_space<hbm>> -> memref<2048xf32, #tpu.memory_space<hbm>>
    %dma_start3A_12 = arith.constant 0 : i32
    %dma_start3A_13 = tpu.memref_slice %arg4[%add3A_6, %dma_start3A_12] : memref<51200x2048xf32, #tpu.memory_space<hbm>> -> memref<1x2048xf32, #tpu.memory_space<hbm>>
    %dma_start3A_14 = tpu.memref_squeeze %dma_start3A_13 : memref<1x2048xf32, #tpu.memory_space<hbm>> -> memref<2048xf32, #tpu.memory_space<hbm>>
    %dma_start3A_15 = arith.constant 0 : i32
    %dma_start3A_16 = tpu.memref_slice %arg6[%squeeze3A, %dma_start3A_15] : memref<30x2048xf32, #tpu.memory_space<vmem>> -> memref<1x2048xf32, #tpu.memory_space<vmem>>
    %dma_start3A_17 = tpu.memref_squeeze %dma_start3A_16 : memref<1x2048xf32, #tpu.memory_space<vmem>> -> memref<2048xf32, #tpu.memory_space<vmem>>
    tpu.enqueue_dma source(%dma_start3A_17 : memref<2048xf32, #tpu.memory_space<vmem>>) target(%dma_start3A_14 : memref<2048xf32, #tpu.memory_space<hbm>>) target_semaphore(%arg7 : memref<!tpu.dma_semaphore, #tpu.memory_space<semaphore_mem>>)
    %slice3A_18 = vector.extract_strided_slice %get3A_4 {offsets = [1], sizes = [1], strides = [1]} : vector<16xi32> to vector<1xi32>
    %squeeze3A_19 = vector.extract %slice3A_18[0] : i32 from vector<1xi32>
    %add3A_20 = arith.constant 1 : i32
    %add3A_21 = arith.addi %mul3A_2, %add3A_20 : i32
    %dma_start3A_22 = arith.constant 0 : i32
    %dma_start3A_23 = tpu.memref_slice %arg6[%squeeze3A_19, %dma_start3A_22] : memref<30x2048xf32, #tpu.memory_space<vmem>> -> memref<1x2048xf32, #tpu.memory_space<vmem>>
    %dma_start3A_24 = tpu.memref_squeeze %dma_start3A_23 : memref<1x2048xf32, #tpu.memory_space<vmem>> -> memref<2048xf32, #tpu.memory_space<vmem>>
    %dma_start3A_25 = arith.constant 0 : i32
    %dma_start3A_26 = tpu.memref_slice %arg4[%add3A_21, %dma_start3A_25] : memref<51200x2048xf32, #tpu.memory_space<hbm>> -> memref<1x2048xf32, #tpu.memory_space<hbm>>
    %dma_start3A_27 = tpu.memref_squeeze %dma_start3A_26 : memref<1x2048xf32, #tpu.memory_space<hbm>> -> memref<2048xf32, #tpu.memory_space<hbm>>
    %dma_start3A_28 = arith.constant 0 : i32
    %dma_start3A_29 = tpu.memref_slice %arg4[%add3A_21, %dma_start3A_28] : memref<51200x2048xf32, #tpu.memory_space<hbm>> -> memref<1x2048xf32, #tpu.memory_space<hbm>>
    %dma_start3A_30 = tpu.memref_squeeze %dma_start3A_29 : memref<1x2048xf32, #tpu.memory_space<hbm>> -> memref<2048xf32, #tpu.memory_space<hbm>>
    %dma_start3A_31 = arith.constant 0 : i32
    %dma_start3A_32 = tpu.memref_slice %arg6[%squeeze3A_19, %dma_start3A_31] : memref<30x2048xf32, #tpu.memory_space<vmem>> -> memref<1x2048xf32, #tpu.memory_space<vmem>>
    %dma_start3A_33 = tpu.memref_squeeze %dma_start3A_32 : memref<1x2048xf32, #tpu.memory_space<vmem>> -> memref<2048xf32, #tpu.memory_space<vmem>>
    tpu.enqueue_dma source(%dma_start3A_33 : memref<2048xf32, #tpu.memory_space<vmem>>) target(%dma_start3A_30 : memref<2048xf32, #tpu.memory_space<hbm>>) target_semaphore(%arg7 : memref<!tpu.dma_semaphore, #tpu.memory_space<semaphore_mem>>)
    %slice3A_34 = vector.extract_strided_slice %get3A_4 {offsets = [2], sizes = [1], strides = [1]} : vector<16xi32> to vector<1xi32>
    %squeeze3A_35 = vector.extract %slice3A_34[0] : i32 from vector<1xi32>
    %add3A_36 = arith.constant 2 : i32
    %add3A_37 = arith.addi %mul3A_2, %add3A_36 : i32
    %dma_start3A_38 = arith.constant 0 : i32
    %dma_start3A_39 = tpu.memref_slice %arg6[%squeeze3A_35, %dma_start3A_38] : memref<30x2048xf32, #tpu.memory_space<vmem>> -> memref<1x2048xf32, #tpu.memory_space<vmem>>
    %dma_start3A_40 = tpu.memref_squeeze %dma_start3A_39 : memref<1x2048xf32, #tpu.memory_space<vmem>> -> memref<2048xf32, #tpu.memory_space<vmem>>
    %dma_start3A_41 = arith.constant 0 : i32
    %dma_start3A_42 = tpu.memref_slice %arg4[%add3A_37, %dma_start3A_41] : memref<51200x2048xf32, #tpu.memory_space<hbm>> -> memref<1x2048xf32, #tpu.memory_space<hbm>>
    %dma_start3A_43 = tpu.memref_squeeze %dma_start3A_42 : memref<1x2048xf32, #tpu.memory_space<hbm>> -> memref<2048xf32, #tpu.memory_space<hbm>>
    %dma_start3A_44 = arith.constant 0 : i32
    %dma_start3A_45 = tpu.memref_slice %arg4[%add3A_37, %dma_start3A_44] : memref<51200x2048xf32, #tpu.memory_space<hbm>> -> memref<1x2048xf32, #tpu.memory_space<hbm>>
    %dma_start3A_46 = tpu.memref_squeeze %dma_start3A_45 : memref<1x2048xf32, #tpu.memory_space<hbm>> -> memref<2048xf32, #tpu.memory_space<hbm>>
    %dma_start3A_47 = arith.constant 0 : i32
    %dma_start3A_48 = tpu.memref_slice %arg6[%squeeze3A_35, %dma_start3A_47] : memref<30x2048xf32, #tpu.memory_space<vmem>> -> memref<1x2048xf32, #tpu.memory_space<vmem>>
    %dma_start3A_49 = tpu.memref_squeeze %dma_start3A_48 : memref<1x2048xf32, #tpu.memory_space<vmem>> -> memref<2048xf32, #tpu.memory_space<vmem>>
    tpu.enqueue_dma source(%dma_start3A_49 : memref<2048xf32, #tpu.memory_space<vmem>>) target(%dma_start3A_46 : memref<2048xf32, #tpu.memory_space<hbm>>) target_semaphore(%arg7 : memref<!tpu.dma_semaphore, #tpu.memory_space<semaphore_mem>>)
    %slice3A_50 = vector.extract_strided_slice %get3A_4 {offsets = [3], sizes = [1], strides = [1]} : vector<16xi32> to vector<1xi32>
    %squeeze3A_51 = vector.extract %slice3A_50[0] : i32 from vector<1xi32>
    %add3A_52 = arith.constant 3 : i32
    %add3A_53 = arith.addi %mul3A_2, %add3A_52 : i32
    %dma_start3A_54 = arith.constant 0 : i32
    %dma_start3A_55 = tpu.memref_slice %arg6[%squeeze3A_51, %dma_start3A_54] : memref<30x2048xf32, #tpu.memory_space<vmem>> -> memref<1x2048xf32, #tpu.memory_space<vmem>>
    %dma_start3A_56 = tpu.memref_squeeze %dma_start3A_55 : memref<1x2048xf32, #tpu.memory_space<vmem>> -> memref<2048xf32, #tpu.memory_space<vmem>>
    %dma_start3A_57 = arith.constant 0 : i32
    %dma_start3A_58 = tpu.memref_slice %arg4[%add3A_53, %dma_start3A_57] : memref<51200x2048xf32, #tpu.memory_space<hbm>> -> memref<1x2048xf32, #tpu.memory_space<hbm>>
    %dma_start3A_59 = tpu.memref_squeeze %dma_start3A_58 : memref<1x2048xf32, #tpu.memory_space<hbm>> -> memref<2048xf32, #tpu.memory_space<hbm>>
    %dma_start3A_60 = arith.constant 0 : i32
    %dma_start3A_61 = tpu.memref_slice %arg4[%add3A_53, %dma_start3A_60] : memref<51200x2048xf32, #tpu.memory_space<hbm>> -> memref<1x2048xf32, #tpu.memory_space<hbm>>
    %dma_start3A_62 = tpu.memref_squeeze %dma_start3A_61 : memref<1x2048xf32, #tpu.memory_space<hbm>> -> memref<2048xf32, #tpu.memory_space<hbm>>
    %dma_start3A_63 = arith.constant 0 : i32
    %dma_start3A_64 = tpu.memref_slice %arg6[%squeeze3A_51, %dma_start3A_63] : memref<30x2048xf32, #tpu.memory_space<vmem>> -> memref<1x2048xf32, #tpu.memory_space<vmem>>
    %dma_start3A_65 = tpu.memref_squeeze %dma_start3A_64 : memref<1x2048xf32, #tpu.memory_space<vmem>> -> memref<2048xf32, #tpu.memory_space<vmem>>
    tpu.enqueue_dma source(%dma_start3A_65 : memref<2048xf32, #tpu.memory_space<vmem>>) target(%dma_start3A_62 : memref<2048xf32, #tpu.memory_space<hbm>>) target_semaphore(%arg7 : memref<!tpu.dma_semaphore, #tpu.memory_space<semaphore_mem>>)
    %slice3A_66 = vector.extract_strided_slice %get3A_4 {offsets = [4], sizes = [1], strides = [1]} : vector<16xi32> to vector<1xi32>
    %squeeze3A_67 = vector.extract %slice3A_66[0] : i32 from vector<1xi32>
    %add3A_68 = arith.constant 4 : i32
    %add3A_69 = arith.addi %mul3A_2, %add3A_68 : i32
    %dma_start3A_70 = arith.constant 0 : i32
    %dma_start3A_71 = tpu.memref_slice %arg6[%squeeze3A_67, %dma_start3A_70] : memref<30x2048xf32, #tpu.memory_space<vmem>> -> memref<1x2048xf32, #tpu.memory_space<vmem>>
    %dma_start3A_72 = tpu.memref_squeeze %dma_start3A_71 : memref<1x2048xf32, #tpu.memory_space<vmem>> -> memref<2048xf32, #tpu.memory_space<vmem>>
    %dma_start3A_73 = arith.constant 0 : i32
    %dma_start3A_74 = tpu.memref_slice %arg4[%add3A_69, %dma_start3A_73] : memref<51200x2048xf32, #tpu.memory_space<hbm>> -> memref<1x2048xf32, #tpu.memory_space<hbm>>
    %dma_start3A_75 = tpu.memref_squeeze %dma_start3A_74 : memref<1x2048xf32, #tpu.memory_space<hbm>> -> memref<2048xf32, #tpu.memory_space<hbm>>
    %dma_start3A_76 = arith.constant 0 : i32
    %dma_start3A_77 = tpu.memref_slice %arg4[%add3A_69, %dma_start3A_76] : memref<51200x2048xf32, #tpu.memory_space<hbm>> -> memref<1x2048xf32, #tpu.memory_space<hbm>>
    %dma_start3A_78 = tpu.memref_squeeze %dma_start3A_77 : memref<1x2048xf32, #tpu.memory_space<hbm>> -> memref<2048xf32, #tpu.memory_space<hbm>>
    %dma_start3A_79 = arith.constant 0 : i32
    %dma_start3A_80 = tpu.memref_slice %arg6[%squeeze3A_67, %dma_start3A_79] : memref<30x2048xf32, #tpu.memory_space<vmem>> -> memref<1x2048xf32, #tpu.memory_space<vmem>>
    %dma_start3A_81 = tpu.memref_squeeze %dma_start3A_80 : memref<1x2048xf32, #tpu.memory_space<vmem>> -> memref<2048xf32, #tpu.memory_space<vmem>>
    tpu.enqueue_dma source(%dma_start3A_81 : memref<2048xf32, #tpu.memory_space<vmem>>) target(%dma_start3A_78 : memref<2048xf32, #tpu.memory_space<hbm>>) target_semaphore(%arg7 : memref<!tpu.dma_semaphore, #tpu.memory_space<semaphore_mem>>)
    %slice3A_82 = vector.extract_strided_slice %get3A_4 {offsets = [5], sizes = [1], strides = [1]} : vector<16xi32> to vector<1xi32>
    %squeeze3A_83 = vector.extract %slice3A_82[0] : i32 from vector<1xi32>
    %add3A_84 = arith.constant 5 : i32
    %add3A_85 = arith.addi %mul3A_2, %add3A_84 : i32
    %dma_start3A_86 = arith.constant 0 : i32
    %dma_start3A_87 = tpu.memref_slice %arg6[%squeeze3A_83, %dma_start3A_86] : memref<30x2048xf32, #tpu.memory_space<vmem>> -> memref<1x2048xf32, #tpu.memory_space<vmem>>
    %dma_start3A_88 = tpu.memref_squeeze %dma_start3A_87 : memref<1x2048xf32, #tpu.memory_space<vmem>> -> memref<2048xf32, #tpu.memory_space<vmem>>
    %dma_start3A_89 = arith.constant 0 : i32
    %dma_start3A_90 = tpu.memref_slice %arg4[%add3A_85, %dma_start3A_89] : memref<51200x2048xf32, #tpu.memory_space<hbm>> -> memref<1x2048xf32, #tpu.memory_space<hbm>>
    %dma_start3A_91 = tpu.memref_squeeze %dma_start3A_90 : memref<1x2048xf32, #tpu.memory_space<hbm>> -> memref<2048xf32, #tpu.memory_space<hbm>>
    %dma_start3A_92 = arith.constant 0 : i32
    %dma_start3A_93 = tpu.memref_slice %arg4[%add3A_85, %dma_start3A_92] : memref<51200x2048xf32, #tpu.memory_space<hbm>> -> memref<1x2048xf32, #tpu.memory_space<hbm>>
    %dma_start3A_94 = tpu.memref_squeeze %dma_start3A_93 : memref<1x2048xf32, #tpu.memory_space<hbm>> -> memref<2048xf32, #tpu.memory_space<hbm>>
    %dma_start3A_95 = arith.constant 0 : i32
    %dma_start3A_96 = tpu.memref_slice %arg6[%squeeze3A_83, %dma_start3A_95] : memref<30x2048xf32, #tpu.memory_space<vmem>> -> memref<1x2048xf32, #tpu.memory_space<vmem>>
    %dma_start3A_97 = tpu.memref_squeeze %dma_start3A_96 : memref<1x2048xf32, #tpu.memory_space<vmem>> -> memref<2048xf32, #tpu.memory_space<vmem>>
    tpu.enqueue_dma source(%dma_start3A_97 : memref<2048xf32, #tpu.memory_space<vmem>>) target(%dma_start3A_94 : memref<2048xf32, #tpu.memory_space<hbm>>) target_semaphore(%arg7 : memref<!tpu.dma_semaphore, #tpu.memory_space<semaphore_mem>>)
    %slice3A_98 = vector.extract_strided_slice %get3A_4 {offsets = [6], sizes = [1], strides = [1]} : vector<16xi32> to vector<1xi32>
    %squeeze3A_99 = vector.extract %slice3A_98[0] : i32 from vector<1xi32>
    %add3A_100 = arith.constant 6 : i32
    %add3A_101 = arith.addi %mul3A_2, %add3A_100 : i32
    %dma_start3A_102 = arith.constant 0 : i32
    %dma_start3A_103 = tpu.memref_slice %arg6[%squeeze3A_99, %dma_start3A_102] : memref<30x2048xf32, #tpu.memory_space<vmem>> -> memref<1x2048xf32, #tpu.memory_space<vmem>>
    %dma_start3A_104 = tpu.memref_squeeze %dma_start3A_103 : memref<1x2048xf32, #tpu.memory_space<vmem>> -> memref<2048xf32, #tpu.memory_space<vmem>>
    %dma_start3A_105 = arith.constant 0 : i32
    %dma_start3A_106 = tpu.memref_slice %arg4[%add3A_101, %dma_start3A_105] : memref<51200x2048xf32, #tpu.memory_space<hbm>> -> memref<1x2048xf32, #tpu.memory_space<hbm>>
    %dma_start3A_107 = tpu.memref_squeeze %dma_start3A_106 : memref<1x2048xf32, #tpu.memory_space<hbm>> -> memref<2048xf32, #tpu.memory_space<hbm>>
    %dma_start3A_108 = arith.constant 0 : i32
    %dma_start3A_109 = tpu.memref_slice %arg4[%add3A_101, %dma_start3A_108] : memref<51200x2048xf32, #tpu.memory_space<hbm>> -> memref<1x2048xf32, #tpu.memory_space<hbm>>
    %dma_start3A_110 = tpu.memref_squeeze %dma_start3A_109 : memref<1x2048xf32, #tpu.memory_space<hbm>> -> memref<2048xf32, #tpu.memory_space<hbm>>
    %dma_start3A_111 = arith.constant 0 : i32
    %dma_start3A_112 = tpu.memref_slice %arg6[%squeeze3A_99, %dma_start3A_111] : memref<30x2048xf32, #tpu.memory_space<vmem>> -> memref<1x2048xf32, #tpu.memory_space<vmem>>
    %dma_start3A_113 = tpu.memref_squeeze %dma_start3A_112 : memref<1x2048xf32, #tpu.memory_space<vmem>> -> memref<2048xf32, #tpu.memory_space<vmem>>
    tpu.enqueue_dma source(%dma_start3A_113 : memref<2048xf32, #tpu.memory_space<vmem>>) target(%dma_start3A_110 : memref<2048xf32, #tpu.memory_space<hbm>>) target_semaphore(%arg7 : memref<!tpu.dma_semaphore, #tpu.memory_space<semaphore_mem>>)
    %slice3A_114 = vector.extract_strided_slice %get3A_4 {offsets = [7], sizes = [1], strides = [1]} : vector<16xi32> to vector<1xi32>
    %squeeze3A_115 = vector.extract %slice3A_114[0] : i32 from vector<1xi32>
    %add3A_116 = arith.constant 7 : i32
    %add3A_117 = arith.addi %mul3A_2, %add3A_116 : i32
    %dma_start3A_118 = arith.constant 0 : i32
    %dma_start3A_119 = tpu.memref_slice %arg6[%squeeze3A_115, %dma_start3A_118] : memref<30x2048xf32, #tpu.memory_space<vmem>> -> memref<1x2048xf32, #tpu.memory_space<vmem>>
    %dma_start3A_120 = tpu.memref_squeeze %dma_start3A_119 : memref<1x2048xf32, #tpu.memory_space<vmem>> -> memref<2048xf32, #tpu.memory_space<vmem>>
    %dma_start3A_121 = arith.constant 0 : i32
    %dma_start3A_122 = tpu.memref_slice %arg4[%add3A_117, %dma_start3A_121] : memref<51200x2048xf32, #tpu.memory_space<hbm>> -> memref<1x2048xf32, #tpu.memory_space<hbm>>
    %dma_start3A_123 = tpu.memref_squeeze %dma_start3A_122 : memref<1x2048xf32, #tpu.memory_space<hbm>> -> memref<2048xf32, #tpu.memory_space<hbm>>
    %dma_start3A_124 = arith.constant 0 : i32
    %dma_start3A_125 = tpu.memref_slice %arg4[%add3A_117, %dma_start3A_124] : memref<51200x2048xf32, #tpu.memory_space<hbm>> -> memref<1x2048xf32, #tpu.memory_space<hbm>>
    %dma_start3A_126 = tpu.memref_squeeze %dma_start3A_125 : memref<1x2048xf32, #tpu.memory_space<hbm>> -> memref<2048xf32, #tpu.memory_space<hbm>>
    %dma_start3A_127 = arith.constant 0 : i32
    %dma_start3A_128 = tpu.memref_slice %arg6[%squeeze3A_115, %dma_start3A_127] : memref<30x2048xf32, #tpu.memory_space<vmem>> -> memref<1x2048xf32, #tpu.memory_space<vmem>>
    %dma_start3A_129 = tpu.memref_squeeze %dma_start3A_128 : memref<1x2048xf32, #tpu.memory_space<vmem>> -> memref<2048xf32, #tpu.memory_space<vmem>>
    tpu.enqueue_dma source(%dma_start3A_129 : memref<2048xf32, #tpu.memory_space<vmem>>) target(%dma_start3A_126 : memref<2048xf32, #tpu.memory_space<hbm>>) target_semaphore(%arg7 : memref<!tpu.dma_semaphore, #tpu.memory_space<semaphore_mem>>)
    %slice3A_130 = vector.extract_strided_slice %get3A_4 {offsets = [8], sizes = [1], strides = [1]} : vector<16xi32> to vector<1xi32>
    %squeeze3A_131 = vector.extract %slice3A_130[0] : i32 from vector<1xi32>
    %add3A_132 = arith.constant 8 : i32
    %add3A_133 = arith.addi %mul3A_2, %add3A_132 : i32
    %dma_start3A_134 = arith.constant 0 : i32
    %dma_start3A_135 = tpu.memref_slice %arg6[%squeeze3A_131, %dma_start3A_134] : memref<30x2048xf32, #tpu.memory_space<vmem>> -> memref<1x2048xf32, #tpu.memory_space<vmem>>
    %dma_start3A_136 = tpu.memref_squeeze %dma_start3A_135 : memref<1x2048xf32, #tpu.memory_space<vmem>> -> memref<2048xf32, #tpu.memory_space<vmem>>
    %dma_start3A_137 = arith.constant 0 : i32
    %dma_start3A_138 = tpu.memref_slice %arg4[%add3A_133, %dma_start3A_137] : memref<51200x2048xf32, #tpu.memory_space<hbm>> -> memref<1x2048xf32, #tpu.memory_space<hbm>>
    %dma_start3A_139 = tpu.memref_squeeze %dma_start3A_138 : memref<1x2048xf32, #tpu.memory_space<hbm>> -> memref<2048xf32, #tpu.memory_space<hbm>>
    %dma_start3A_140 = arith.constant 0 : i32
    %dma_start3A_141 = tpu.memref_slice %arg4[%add3A_133, %dma_start3A_140] : memref<51200x2048xf32, #tpu.memory_space<hbm>> -> memref<1x2048xf32, #tpu.memory_space<hbm>>
    %dma_start3A_142 = tpu.memref_squeeze %dma_start3A_141 : memref<1x2048xf32, #tpu.memory_space<hbm>> -> memref<2048xf32, #tpu.memory_space<hbm>>
    %dma_start3A_143 = arith.constant 0 : i32
    %dma_start3A_144 = tpu.memref_slice %arg6[%squeeze3A_131, %dma_start3A_143] : memref<30x2048xf32, #tpu.memory_space<vmem>> -> memref<1x2048xf32, #tpu.memory_space<vmem>>
    %dma_start3A_145 = tpu.memref_squeeze %dma_start3A_144 : memref<1x2048xf32, #tpu.memory_space<vmem>> -> memref<2048xf32, #tpu.memory_space<vmem>>
    tpu.enqueue_dma source(%dma_start3A_145 : memref<2048xf32, #tpu.memory_space<vmem>>) target(%dma_start3A_142 : memref<2048xf32, #tpu.memory_space<hbm>>) target_semaphore(%arg7 : memref<!tpu.dma_semaphore, #tpu.memory_space<semaphore_mem>>)
    %slice3A_146 = vector.extract_strided_slice %get3A_4 {offsets = [9], sizes = [1], strides = [1]} : vector<16xi32> to vector<1xi32>
    %squeeze3A_147 = vector.extract %slice3A_146[0] : i32 from vector<1xi32>
    %add3A_148 = arith.constant 9 : i32
    %add3A_149 = arith.addi %mul3A_2, %add3A_148 : i32
    %dma_start3A_150 = arith.constant 0 : i32
    %dma_start3A_151 = tpu.memref_slice %arg6[%squeeze3A_147, %dma_start3A_150] : memref<30x2048xf32, #tpu.memory_space<vmem>> -> memref<1x2048xf32, #tpu.memory_space<vmem>>
    %dma_start3A_152 = tpu.memref_squeeze %dma_start3A_151 : memref<1x2048xf32, #tpu.memory_space<vmem>> -> memref<2048xf32, #tpu.memory_space<vmem>>
    %dma_start3A_153 = arith.constant 0 : i32
    %dma_start3A_154 = tpu.memref_slice %arg4[%add3A_149, %dma_start3A_153] : memref<51200x2048xf32, #tpu.memory_space<hbm>> -> memref<1x2048xf32, #tpu.memory_space<hbm>>
    %dma_start3A_155 = tpu.memref_squeeze %dma_start3A_154 : memref<1x2048xf32, #tpu.memory_space<hbm>> -> memref<2048xf32, #tpu.memory_space<hbm>>
    %dma_start3A_156 = arith.constant 0 : i32
    %dma_start3A_157 = tpu.memref_slice %arg4[%add3A_149, %dma_start3A_156] : memref<51200x2048xf32, #tpu.memory_space<hbm>> -> memref<1x2048xf32, #tpu.memory_space<hbm>>
    %dma_start3A_158 = tpu.memref_squeeze %dma_start3A_157 : memref<1x2048xf32, #tpu.memory_space<hbm>> -> memref<2048xf32, #tpu.memory_space<hbm>>
    %dma_start3A_159 = arith.constant 0 : i32
    %dma_start3A_160 = tpu.memref_slice %arg6[%squeeze3A_147, %dma_start3A_159] : memref<30x2048xf32, #tpu.memory_space<vmem>> -> memref<1x2048xf32, #tpu.memory_space<vmem>>
    %dma_start3A_161 = tpu.memref_squeeze %dma_start3A_160 : memref<1x2048xf32, #tpu.memory_space<vmem>> -> memref<2048xf32, #tpu.memory_space<vmem>>
    tpu.enqueue_dma source(%dma_start3A_161 : memref<2048xf32, #tpu.memory_space<vmem>>) target(%dma_start3A_158 : memref<2048xf32, #tpu.memory_space<hbm>>) target_semaphore(%arg7 : memref<!tpu.dma_semaphore, #tpu.memory_space<semaphore_mem>>)
    %slice3A_162 = vector.extract_strided_slice %get3A_4 {offsets = [10], sizes = [1], strides = [1]} : vector<16xi32> to vector<1xi32>
    %squeeze3A_163 = vector.extract %slice3A_162[0] : i32 from vector<1xi32>
    %add3A_164 = arith.constant 10 : i32
    %add3A_165 = arith.addi %mul3A_2, %add3A_164 : i32
    %dma_start3A_166 = arith.constant 0 : i32
    %dma_start3A_167 = tpu.memref_slice %arg6[%squeeze3A_163, %dma_start3A_166] : memref<30x2048xf32, #tpu.memory_space<vmem>> -> memref<1x2048xf32, #tpu.memory_space<vmem>>
    %dma_start3A_168 = tpu.memref_squeeze %dma_start3A_167 : memref<1x2048xf32, #tpu.memory_space<vmem>> -> memref<2048xf32, #tpu.memory_space<vmem>>
    %dma_start3A_169 = arith.constant 0 : i32
    %dma_start3A_170 = tpu.memref_slice %arg4[%add3A_165, %dma_start3A_169] : memref<51200x2048xf32, #tpu.memory_space<hbm>> -> memref<1x2048xf32, #tpu.memory_space<hbm>>
    %dma_start3A_171 = tpu.memref_squeeze %dma_start3A_170 : memref<1x2048xf32, #tpu.memory_space<hbm>> -> memref<2048xf32, #tpu.memory_space<hbm>>
    %dma_start3A_172 = arith.constant 0 : i32
    %dma_start3A_173 = tpu.memref_slice %arg4[%add3A_165, %dma_start3A_172] : memref<51200x2048xf32, #tpu.memory_space<hbm>> -> memref<1x2048xf32, #tpu.memory_space<hbm>>
    %dma_start3A_174 = tpu.memref_squeeze %dma_start3A_173 : memref<1x2048xf32, #tpu.memory_space<hbm>> -> memref<2048xf32, #tpu.memory_space<hbm>>
    %dma_start3A_175 = arith.constant 0 : i32
    %dma_start3A_176 = tpu.memref_slice %arg6[%squeeze3A_163, %dma_start3A_175] : memref<30x2048xf32, #tpu.memory_space<vmem>> -> memref<1x2048xf32, #tpu.memory_space<vmem>>
    %dma_start3A_177 = tpu.memref_squeeze %dma_start3A_176 : memref<1x2048xf32, #tpu.memory_space<vmem>> -> memref<2048xf32, #tpu.memory_space<vmem>>
    tpu.enqueue_dma source(%dma_start3A_177 : memref<2048xf32, #tpu.memory_space<vmem>>) target(%dma_start3A_174 : memref<2048xf32, #tpu.memory_space<hbm>>) target_semaphore(%arg7 : memref<!tpu.dma_semaphore, #tpu.memory_space<semaphore_mem>>)
    %slice3A_178 = vector.extract_strided_slice %get3A_4 {offsets = [11], sizes = [1], strides = [1]} : vector<16xi32> to vector<1xi32>
    %squeeze3A_179 = vector.extract %slice3A_178[0] : i32 from vector<1xi32>
    %add3A_180 = arith.constant 11 : i32
    %add3A_181 = arith.addi %mul3A_2, %add3A_180 : i32
    %dma_start3A_182 = arith.constant 0 : i32
    %dma_start3A_183 = tpu.memref_slice %arg6[%squeeze3A_179, %dma_start3A_182] : memref<30x2048xf32, #tpu.memory_space<vmem>> -> memref<1x2048xf32, #tpu.memory_space<vmem>>
    %dma_start3A_184 = tpu.memref_squeeze %dma_start3A_183 : memref<1x2048xf32, #tpu.memory_space<vmem>> -> memref<2048xf32, #tpu.memory_space<vmem>>
    %dma_start3A_185 = arith.constant 0 : i32
    %dma_start3A_186 = tpu.memref_slice %arg4[%add3A_181, %dma_start3A_185] : memref<51200x2048xf32, #tpu.memory_space<hbm>> -> memref<1x2048xf32, #tpu.memory_space<hbm>>
    %dma_start3A_187 = tpu.memref_squeeze %dma_start3A_186 : memref<1x2048xf32, #tpu.memory_space<hbm>> -> memref<2048xf32, #tpu.memory_space<hbm>>
    %dma_start3A_188 = arith.constant 0 : i32
    %dma_start3A_189 = tpu.memref_slice %arg4[%add3A_181, %dma_start3A_188] : memref<51200x2048xf32, #tpu.memory_space<hbm>> -> memref<1x2048xf32, #tpu.memory_space<hbm>>
    %dma_start3A_190 = tpu.memref_squeeze %dma_start3A_189 : memref<1x2048xf32, #tpu.memory_space<hbm>> -> memref<2048xf32, #tpu.memory_space<hbm>>
    %dma_start3A_191 = arith.constant 0 : i32
    %dma_start3A_192 = tpu.memref_slice %arg6[%squeeze3A_179, %dma_start3A_191] : memref<30x2048xf32, #tpu.memory_space<vmem>> -> memref<1x2048xf32, #tpu.memory_space<vmem>>
    %dma_start3A_193 = tpu.memref_squeeze %dma_start3A_192 : memref<1x2048xf32, #tpu.memory_space<vmem>> -> memref<2048xf32, #tpu.memory_space<vmem>>
    tpu.enqueue_dma source(%dma_start3A_193 : memref<2048xf32, #tpu.memory_space<vmem>>) target(%dma_start3A_190 : memref<2048xf32, #tpu.memory_space<hbm>>) target_semaphore(%arg7 : memref<!tpu.dma_semaphore, #tpu.memory_space<semaphore_mem>>)
    %slice3A_194 = vector.extract_strided_slice %get3A_4 {offsets = [12], sizes = [1], strides = [1]} : vector<16xi32> to vector<1xi32>
    %squeeze3A_195 = vector.extract %slice3A_194[0] : i32 from vector<1xi32>
    %add3A_196 = arith.constant 12 : i32
    %add3A_197 = arith.addi %mul3A_2, %add3A_196 : i32
    %dma_start3A_198 = arith.constant 0 : i32
    %dma_start3A_199 = tpu.memref_slice %arg6[%squeeze3A_195, %dma_start3A_198] : memref<30x2048xf32, #tpu.memory_space<vmem>> -> memref<1x2048xf32, #tpu.memory_space<vmem>>
    %dma_start3A_200 = tpu.memref_squeeze %dma_start3A_199 : memref<1x2048xf32, #tpu.memory_space<vmem>> -> memref<2048xf32, #tpu.memory_space<vmem>>
    %dma_start3A_201 = arith.constant 0 : i32
    %dma_start3A_202 = tpu.memref_slice %arg4[%add3A_197, %dma_start3A_201] : memref<51200x2048xf32, #tpu.memory_space<hbm>> -> memref<1x2048xf32, #tpu.memory_space<hbm>>
    %dma_start3A_203 = tpu.memref_squeeze %dma_start3A_202 : memref<1x2048xf32, #tpu.memory_space<hbm>> -> memref<2048xf32, #tpu.memory_space<hbm>>
    %dma_start3A_204 = arith.constant 0 : i32
    %dma_start3A_205 = tpu.memref_slice %arg4[%add3A_197, %dma_start3A_204] : memref<51200x2048xf32, #tpu.memory_space<hbm>> -> memref<1x2048xf32, #tpu.memory_space<hbm>>
    %dma_start3A_206 = tpu.memref_squeeze %dma_start3A_205 : memref<1x2048xf32, #tpu.memory_space<hbm>> -> memref<2048xf32, #tpu.memory_space<hbm>>
    %dma_start3A_207 = arith.constant 0 : i32
    %dma_start3A_208 = tpu.memref_slice %arg6[%squeeze3A_195, %dma_start3A_207] : memref<30x2048xf32, #tpu.memory_space<vmem>> -> memref<1x2048xf32, #tpu.memory_space<vmem>>
    %dma_start3A_209 = tpu.memref_squeeze %dma_start3A_208 : memref<1x2048xf32, #tpu.memory_space<vmem>> -> memref<2048xf32, #tpu.memory_space<vmem>>
    tpu.enqueue_dma source(%dma_start3A_209 : memref<2048xf32, #tpu.memory_space<vmem>>) target(%dma_start3A_206 : memref<2048xf32, #tpu.memory_space<hbm>>) target_semaphore(%arg7 : memref<!tpu.dma_semaphore, #tpu.memory_space<semaphore_mem>>)
    %slice3A_210 = vector.extract_strided_slice %get3A_4 {offsets = [13], sizes = [1], strides = [1]} : vector<16xi32> to vector<1xi32>
    %squeeze3A_211 = vector.extract %slice3A_210[0] : i32 from vector<1xi32>
    %add3A_212 = arith.constant 13 : i32
    %add3A_213 = arith.addi %mul3A_2, %add3A_212 : i32
    %dma_start3A_214 = arith.constant 0 : i32
    %dma_start3A_215 = tpu.memref_slice %arg6[%squeeze3A_211, %dma_start3A_214] : memref<30x2048xf32, #tpu.memory_space<vmem>> -> memref<1x2048xf32, #tpu.memory_space<vmem>>
    %dma_start3A_216 = tpu.memref_squeeze %dma_start3A_215 : memref<1x2048xf32, #tpu.memory_space<vmem>> -> memref<2048xf32, #tpu.memory_space<vmem>>
    %dma_start3A_217 = arith.constant 0 : i32
    %dma_start3A_218 = tpu.memref_slice %arg4[%add3A_213, %dma_start3A_217] : memref<51200x2048xf32, #tpu.memory_space<hbm>> -> memref<1x2048xf32, #tpu.memory_space<hbm>>
    %dma_start3A_219 = tpu.memref_squeeze %dma_start3A_218 : memref<1x2048xf32, #tpu.memory_space<hbm>> -> memref<2048xf32, #tpu.memory_space<hbm>>
    %dma_start3A_220 = arith.constant 0 : i32
    %dma_start3A_221 = tpu.memref_slice %arg4[%add3A_213, %dma_start3A_220] : memref<51200x2048xf32, #tpu.memory_space<hbm>> -> memref<1x2048xf32, #tpu.memory_space<hbm>>
    %dma_start3A_222 = tpu.memref_squeeze %dma_start3A_221 : memref<1x2048xf32, #tpu.memory_space<hbm>> -> memref<2048xf32, #tpu.memory_space<hbm>>
    %dma_start3A_223 = arith.constant 0 : i32
    %dma_start3A_224 = tpu.memref_slice %arg6[%squeeze3A_211, %dma_start3A_223] : memref<30x2048xf32, #tpu.memory_space<vmem>> -> memref<1x2048xf32, #tpu.memory_space<vmem>>
    %dma_start3A_225 = tpu.memref_squeeze %dma_start3A_224 : memref<1x2048xf32, #tpu.memory_space<vmem>> -> memref<2048xf32, #tpu.memory_space<vmem>>
    tpu.enqueue_dma source(%dma_start3A_225 : memref<2048xf32, #tpu.memory_space<vmem>>) target(%dma_start3A_222 : memref<2048xf32, #tpu.memory_space<hbm>>) target_semaphore(%arg7 : memref<!tpu.dma_semaphore, #tpu.memory_space<semaphore_mem>>)
    %slice3A_226 = vector.extract_strided_slice %get3A_4 {offsets = [14], sizes = [1], strides = [1]} : vector<16xi32> to vector<1xi32>
    %squeeze3A_227 = vector.extract %slice3A_226[0] : i32 from vector<1xi32>
    %add3A_228 = arith.constant 14 : i32
    %add3A_229 = arith.addi %mul3A_2, %add3A_228 : i32
    %dma_start3A_230 = arith.constant 0 : i32
    %dma_start3A_231 = tpu.memref_slice %arg6[%squeeze3A_227, %dma_start3A_230] : memref<30x2048xf32, #tpu.memory_space<vmem>> -> memref<1x2048xf32, #tpu.memory_space<vmem>>
    %dma_start3A_232 = tpu.memref_squeeze %dma_start3A_231 : memref<1x2048xf32, #tpu.memory_space<vmem>> -> memref<2048xf32, #tpu.memory_space<vmem>>
    %dma_start3A_233 = arith.constant 0 : i32
    %dma_start3A_234 = tpu.memref_slice %arg4[%add3A_229, %dma_start3A_233] : memref<51200x2048xf32, #tpu.memory_space<hbm>> -> memref<1x2048xf32, #tpu.memory_space<hbm>>
    %dma_start3A_235 = tpu.memref_squeeze %dma_start3A_234 : memref<1x2048xf32, #tpu.memory_space<hbm>> -> memref<2048xf32, #tpu.memory_space<hbm>>
    %dma_start3A_236 = arith.constant 0 : i32
    %dma_start3A_237 = tpu.memref_slice %arg4[%add3A_229, %dma_start3A_236] : memref<51200x2048xf32, #tpu.memory_space<hbm>> -> memref<1x2048xf32, #tpu.memory_space<hbm>>
    %dma_start3A_238 = tpu.memref_squeeze %dma_start3A_237 : memref<1x2048xf32, #tpu.memory_space<hbm>> -> memref<2048xf32, #tpu.memory_space<hbm>>
    %dma_start3A_239 = arith.constant 0 : i32
    %dma_start3A_240 = tpu.memref_slice %arg6[%squeeze3A_227, %dma_start3A_239] : memref<30x2048xf32, #tpu.memory_space<vmem>> -> memref<1x2048xf32, #tpu.memory_space<vmem>>
    %dma_start3A_241 = tpu.memref_squeeze %dma_start3A_240 : memref<1x2048xf32, #tpu.memory_space<vmem>> -> memref<2048xf32, #tpu.memory_space<vmem>>
    tpu.enqueue_dma source(%dma_start3A_241 : memref<2048xf32, #tpu.memory_space<vmem>>) target(%dma_start3A_238 : memref<2048xf32, #tpu.memory_space<hbm>>) target_semaphore(%arg7 : memref<!tpu.dma_semaphore, #tpu.memory_space<semaphore_mem>>)
    %slice3A_242 = vector.extract_strided_slice %get3A_4 {offsets = [15], sizes = [1], strides = [1]} : vector<16xi32> to vector<1xi32>
    %squeeze3A_243 = vector.extract %slice3A_242[0] : i32 from vector<1xi32>
    %add3A_244 = arith.constant 15 : i32
    %add3A_245 = arith.addi %mul3A_2, %add3A_244 : i32
    %dma_start3A_246 = arith.constant 0 : i32
    %dma_start3A_247 = tpu.memref_slice %arg6[%squeeze3A_243, %dma_start3A_246] : memref<30x2048xf32, #tpu.memory_space<vmem>> -> memref<1x2048xf32, #tpu.memory_space<vmem>>
    %dma_start3A_248 = tpu.memref_squeeze %dma_start3A_247 : memref<1x2048xf32, #tpu.memory_space<vmem>> -> memref<2048xf32, #tpu.memory_space<vmem>>
    %dma_start3A_249 = arith.constant 0 : i32
    %dma_start3A_250 = tpu.memref_slice %arg4[%add3A_245, %dma_start3A_249] : memref<51200x2048xf32, #tpu.memory_space<hbm>> -> memref<1x2048xf32, #tpu.memory_space<hbm>>
    %dma_start3A_251 = tpu.memref_squeeze %dma_start3A_250 : memref<1x2048xf32, #tpu.memory_space<hbm>> -> memref<2048xf32, #tpu.memory_space<hbm>>
    %dma_start3A_252 = arith.constant 0 : i32
    %dma_start3A_253 = tpu.memref_slice %arg4[%add3A_245, %dma_start3A_252] : memref<51200x2048xf32, #tpu.memory_space<hbm>> -> memref<1x2048xf32, #tpu.memory_space<hbm>>
    %dma_start3A_254 = tpu.memref_squeeze %dma_start3A_253 : memref<1x2048xf32, #tpu.memory_space<hbm>> -> memref<2048xf32, #tpu.memory_space<hbm>>
    %dma_start3A_255 = arith.constant 0 : i32
    %dma_start3A_256 = tpu.memref_slice %arg6[%squeeze3A_243, %dma_start3A_255] : memref<30x2048xf32, #tpu.memory_space<vmem>> -> memref<1x2048xf32, #tpu.memory_space<vmem>>
    %dma_start3A_257 = tpu.memref_squeeze %dma_start3A_256 : memref<1x2048xf32, #tpu.memory_space<vmem>> -> memref<2048xf32, #tpu.memory_space<vmem>>
    tpu.enqueue_dma source(%dma_start3A_257 : memref<2048xf32, #tpu.memory_space<vmem>>) target(%dma_start3A_254 : memref<2048xf32, #tpu.memory_space<hbm>>) target_semaphore(%arg7 : memref<!tpu.dma_semaphore, #tpu.memory_space<semaphore_mem>>)
    %scan3A = arith.constant 0 : i32
    %scan3A_258 = arith.constant 1 : i32
    %scan3A_259 = arith.constant 99 : i32
    %scan3A_260 = arith.addi %scan3A_258, %scan3A_259 : i32
    %scan3A_261 = arith.constant 1 : i32
    scf.for %scan3A_269 = %scan3A_258 to %scan3A_260 step %scan3A_261  : i32 {
      %mul3A_270 = arith.constant 16 : i32
      %mul3A_271 = arith.muli %scan3A_269, %mul3A_270 : i32
      %get3A_272 = arith.index_cast %mul3A_271 : i32 to index
      %get3A_273 = tpu.vector_load %arg5[%get3A_272] {strides = array<i32>} : memref<1600xi32, #tpu.memory_space<vmem>>, vector<16xi32>,
      %get3A_274 = vector.shape_cast %get3A_273 : vector<16xi32> to vector<16xi32>
      %dma_wait3A = arith.constant 0 : i32
      %dma_wait3A_275 = arith.constant 0 : i32
      %dma_wait3A_276 = tpu.memref_slice %arg6[%dma_wait3A, %dma_wait3A_275] : memref<30x2048xf32, #tpu.memory_space<vmem>> -> memref<1x2048xf32, #tpu.memory_space<vmem>>
      %dma_wait3A_277 = tpu.memref_squeeze %dma_wait3A_276 : memref<1x2048xf32, #tpu.memory_space<vmem>> -> memref<2048xf32, #tpu.memory_space<vmem>>
      %dma_wait3A_278 = arith.constant 0 : i32
      %dma_wait3A_279 = tpu.memref_slice %arg4[%mul3A_2, %dma_wait3A_278] : memref<51200x2048xf32, #tpu.memory_space<hbm>> -> memref<1x2048xf32, #tpu.memory_space<hbm>>
      %dma_wait3A_280 = tpu.memref_squeeze %dma_wait3A_279 : memref<1x2048xf32, #tpu.memory_space<hbm>> -> memref<2048xf32, #tpu.memory_space<hbm>>
      %dma_wait3A_281 = arith.constant 0 : i32
      %dma_wait3A_282 = tpu.memref_slice %arg4[%mul3A_2, %dma_wait3A_281] : memref<51200x2048xf32, #tpu.memory_space<hbm>> -> memref<1x2048xf32, #tpu.memory_space<hbm>>
      %dma_wait3A_283 = tpu.memref_squeeze %dma_wait3A_282 : memref<1x2048xf32, #tpu.memory_space<hbm>> -> memref<2048xf32, #tpu.memory_space<hbm>>
      %dma_wait3A_284 = arith.constant 0 : i32
      %dma_wait3A_285 = tpu.memref_slice %arg6[%dma_wait3A, %dma_wait3A_284] : memref<30x2048xf32, #tpu.memory_space<vmem>> -> memref<1x2048xf32, #tpu.memory_space<vmem>>
      %dma_wait3A_286 = tpu.memref_squeeze %dma_wait3A_285 : memref<1x2048xf32, #tpu.memory_space<vmem>> -> memref<2048xf32, #tpu.memory_space<vmem>>
      tpu.wait_dma2 semaphore(%arg7 : memref<!tpu.dma_semaphore, #tpu.memory_space<semaphore_mem>>) src(%dma_wait3A_286 : memref<2048xf32, #tpu.memory_space<vmem>>) dst(%dma_wait3A_283 : memref<2048xf32, #tpu.memory_space<hbm>>)
      %mul3A_287 = arith.constant 16 : i32
      %mul3A_288 = arith.muli %scan3A_269, %mul3A_287 : i32
      %add3A_289 = arith.constant 0 : i32
      %add3A_290 = arith.addi %mul3A_288, %add3A_289 : i32
      %slice3A_291 = vector.extract_strided_slice %get3A_274 {offsets = [0], sizes = [1], strides = [1]} : vector<16xi32> to vector<1xi32>
      %squeeze3A_292 = vector.extract %slice3A_291[0] : i32 from vector<1xi32>
      %add3A_293 = arith.addi %mul3A_2, %add3A_290 : i32
      %dma_start3A_294 = arith.constant 0 : i32
      %dma_start3A_295 = tpu.memref_slice %arg6[%squeeze3A_292, %dma_start3A_294] : memref<30x2048xf32, #tpu.memory_space<vmem>> -> memref<1x2048xf32, #tpu.memory_space<vmem>>
      %dma_start3A_296 = tpu.memref_squeeze %dma_start3A_295 : memref<1x2048xf32, #tpu.memory_space<vmem>> -> memref<2048xf32, #tpu.memory_space<vmem>>
      %dma_start3A_297 = arith.constant 0 : i32
      %dma_start3A_298 = tpu.memref_slice %arg4[%add3A_293, %dma_start3A_297] : memref<51200x2048xf32, #tpu.memory_space<hbm>> -> memref<1x2048xf32, #tpu.memory_space<hbm>>
      %dma_start3A_299 = tpu.memref_squeeze %dma_start3A_298 : memref<1x2048xf32, #tpu.memory_space<hbm>> -> memref<2048xf32, #tpu.memory_space<hbm>>
      %dma_start3A_300 = arith.constant 0 : i32
      %dma_start3A_301 = tpu.memref_slice %arg4[%add3A_293, %dma_start3A_300] : memref<51200x2048xf32, #tpu.memory_space<hbm>> -> memref<1x2048xf32, #tpu.memory_space<hbm>>
      %dma_start3A_302 = tpu.memref_squeeze %dma_start3A_301 : memref<1x2048xf32, #tpu.memory_space<hbm>> -> memref<2048xf32, #tpu.memory_space<hbm>>
      %dma_start3A_303 = arith.constant 0 : i32
      %dma_start3A_304 = tpu.memref_slice %arg6[%squeeze3A_292, %dma_start3A_303] : memref<30x2048xf32, #tpu.memory_space<vmem>> -> memref<1x2048xf32, #tpu.memory_space<vmem>>
      %dma_start3A_305 = tpu.memref_squeeze %dma_start3A_304 : memref<1x2048xf32, #tpu.memory_space<vmem>> -> memref<2048xf32, #tpu.memory_space<vmem>>
      tpu.enqueue_dma source(%dma_start3A_305 : memref<2048xf32, #tpu.memory_space<vmem>>) target(%dma_start3A_302 : memref<2048xf32, #tpu.memory_space<hbm>>) target_semaphore(%arg7 : memref<!tpu.dma_semaphore, #tpu.memory_space<semaphore_mem>>)
      %dma_wait3A_306 = arith.constant 0 : i32
      %dma_wait3A_307 = arith.constant 0 : i32
      %dma_wait3A_308 = tpu.memref_slice %arg6[%dma_wait3A_306, %dma_wait3A_307] : memref<30x2048xf32, #tpu.memory_space<vmem>> -> memref<1x2048xf32, #tpu.memory_space<vmem>>
      %dma_wait3A_309 = tpu.memref_squeeze %dma_wait3A_308 : memref<1x2048xf32, #tpu.memory_space<vmem>> -> memref<2048xf32, #tpu.memory_space<vmem>>
      %dma_wait3A_310 = arith.constant 0 : i32
      %dma_wait3A_311 = tpu.memref_slice %arg4[%mul3A_2, %dma_wait3A_310] : memref<51200x2048xf32, #tpu.memory_space<hbm>> -> memref<1x2048xf32, #tpu.memory_space<hbm>>
      %dma_wait3A_312 = tpu.memref_squeeze %dma_wait3A_311 : memref<1x2048xf32, #tpu.memory_space<hbm>> -> memref<2048xf32, #tpu.memory_space<hbm>>
      %dma_wait3A_313 = arith.constant 0 : i32
      %dma_wait3A_314 = tpu.memref_slice %arg4[%mul3A_2, %dma_wait3A_313] : memref<51200x2048xf32, #tpu.memory_space<hbm>> -> memref<1x2048xf32, #tpu.memory_space<hbm>>
      %dma_wait3A_315 = tpu.memref_squeeze %dma_wait3A_314 : memref<1x2048xf32, #tpu.memory_space<hbm>> -> memref<2048xf32, #tpu.memory_space<hbm>>
      %dma_wait3A_316 = arith.constant 0 : i32
      %dma_wait3A_317 = tpu.memref_slice %arg6[%dma_wait3A_306, %dma_wait3A_316] : memref<30x2048xf32, #tpu.memory_space<vmem>> -> memref<1x2048xf32, #tpu.memory_space<vmem>>
      %dma_wait3A_318 = tpu.memref_squeeze %dma_wait3A_317 : memref<1x2048xf32, #tpu.memory_space<vmem>> -> memref<2048xf32, #tpu.memory_space<vmem>>
      tpu.wait_dma2 semaphore(%arg7 : memref<!tpu.dma_semaphore, #tpu.memory_space<semaphore_mem>>) src(%dma_wait3A_318 : memref<2048xf32, #tpu.memory_space<vmem>>) dst(%dma_wait3A_315 : memref<2048xf32, #tpu.memory_space<hbm>>)
      %mul3A_319 = arith.constant 16 : i32
      %mul3A_320 = arith.muli %scan3A_269, %mul3A_319 : i32
      %add3A_321 = arith.constant 1 : i32
      %add3A_322 = arith.addi %mul3A_320, %add3A_321 : i32
      %slice3A_323 = vector.extract_strided_slice %get3A_274 {offsets = [1], sizes = [1], strides = [1]} : vector<16xi32> to vector<1xi32>
      %squeeze3A_324 = vector.extract %slice3A_323[0] : i32 from vector<1xi32>
      %add3A_325 = arith.addi %mul3A_2, %add3A_322 : i32
      %dma_start3A_326 = arith.constant 0 : i32
      %dma_start3A_327 = tpu.memref_slice %arg6[%squeeze3A_324, %dma_start3A_326] : memref<30x2048xf32, #tpu.memory_space<vmem>> -> memref<1x2048xf32, #tpu.memory_space<vmem>>
      %dma_start3A_328 = tpu.memref_squeeze %dma_start3A_327 : memref<1x2048xf32, #tpu.memory_space<vmem>> -> memref<2048xf32, #tpu.memory_space<vmem>>
      %dma_start3A_329 = arith.constant 0 : i32
      %dma_start3A_330 = tpu.memref_slice %arg4[%add3A_325, %dma_start3A_329] : memref<51200x2048xf32, #tpu.memory_space<hbm>> -> memref<1x2048xf32, #tpu.memory_space<hbm>>
      %dma_start3A_331 = tpu.memref_squeeze %dma_start3A_330 : memref<1x2048xf32, #tpu.memory_space<hbm>> -> memref<2048xf32, #tpu.memory_space<hbm>>
      %dma_start3A_332 = arith.constant 0 : i32
      %dma_start3A_333 = tpu.memref_slice %arg4[%add3A_325, %dma_start3A_332] : memref<51200x2048xf32, #tpu.memory_space<hbm>> -> memref<1x2048xf32, #tpu.memory_space<hbm>>
      %dma_start3A_334 = tpu.memref_squeeze %dma_start3A_333 : memref<1x2048xf32, #tpu.memory_space<hbm>> -> memref<2048xf32, #tpu.memory_space<hbm>>
      %dma_start3A_335 = arith.constant 0 : i32
      %dma_start3A_336 = tpu.memref_slice %arg6[%squeeze3A_324, %dma_start3A_335] : memref<30x2048xf32, #tpu.memory_space<vmem>> -> memref<1x2048xf32, #tpu.memory_space<vmem>>
      %dma_start3A_337 = tpu.memref_squeeze %dma_start3A_336 : memref<1x2048xf32, #tpu.memory_space<vmem>> -> memref<2048xf32, #tpu.memory_space<vmem>>
      tpu.enqueue_dma source(%dma_start3A_337 : memref<2048xf32, #tpu.memory_space<vmem>>) target(%dma_start3A_334 : memref<2048xf32, #tpu.memory_space<hbm>>) target_semaphore(%arg7 : memref<!tpu.dma_semaphore, #tpu.memory_space<semaphore_mem>>)
      %dma_wait3A_338 = arith.constant 0 : i32
      %dma_wait3A_339 = arith.constant 0 : i32
      %dma_wait3A_340 = tpu.memref_slice %arg6[%dma_wait3A_338, %dma_wait3A_339] : memref<30x2048xf32, #tpu.memory_space<vmem>> -> memref<1x2048xf32, #tpu.memory_space<vmem>>
      %dma_wait3A_341 = tpu.memref_squeeze %dma_wait3A_340 : memref<1x2048xf32, #tpu.memory_space<vmem>> -> memref<2048xf32, #tpu.memory_space<vmem>>
      %dma_wait3A_342 = arith.constant 0 : i32
      %dma_wait3A_343 = tpu.memref_slice %arg4[%mul3A_2, %dma_wait3A_342] : memref<51200x2048xf32, #tpu.memory_space<hbm>> -> memref<1x2048xf32, #tpu.memory_space<hbm>>
      %dma_wait3A_344 = tpu.memref_squeeze %dma_wait3A_343 : memref<1x2048xf32, #tpu.memory_space<hbm>> -> memref<2048xf32, #tpu.memory_space<hbm>>
      %dma_wait3A_345 = arith.constant 0 : i32
      %dma_wait3A_346 = tpu.memref_slice %arg4[%mul3A_2, %dma_wait3A_345] : memref<51200x2048xf32, #tpu.memory_space<hbm>> -> memref<1x2048xf32, #tpu.memory_space<hbm>>
      %dma_wait3A_347 = tpu.memref_squeeze %dma_wait3A_346 : memref<1x2048xf32, #tpu.memory_space<hbm>> -> memref<2048xf32, #tpu.memory_space<hbm>>
      %dma_wait3A_348 = arith.constant 0 : i32
      %dma_wait3A_349 = tpu.memref_slice %arg6[%dma_wait3A_338, %dma_wait3A_348] : memref<30x2048xf32, #tpu.memory_space<vmem>> -> memref<1x2048xf32, #tpu.memory_space<vmem>>
      %dma_wait3A_350 = tpu.memref_squeeze %dma_wait3A_349 : memref<1x2048xf32, #tpu.memory_space<vmem>> -> memref<2048xf32, #tpu.memory_space<vmem>>
      tpu.wait_dma2 semaphore(%arg7 : memref<!tpu.dma_semaphore, #tpu.memory_space<semaphore_mem>>) src(%dma_wait3A_350 : memref<2048xf32, #tpu.memory_space<vmem>>) dst(%dma_wait3A_347 : memref<2048xf32, #tpu.memory_space<hbm>>)
      %mul3A_351 = arith.constant 16 : i32
      %mul3A_352 = arith.muli %scan3A_269, %mul3A_351 : i32
      %add3A_353 = arith.constant 2 : i32
      %add3A_354 = arith.addi %mul3A_352, %add3A_353 : i32
      %slice3A_355 = vector.extract_strided_slice %get3A_274 {offsets = [2], sizes = [1], strides = [1]} : vector<16xi32> to vector<1xi32>
      %squeeze3A_356 = vector.extract %slice3A_355[0] : i32 from vector<1xi32>
      %add3A_357 = arith.addi %mul3A_2, %add3A_354 : i32
      %dma_start3A_358 = arith.constant 0 : i32
      %dma_start3A_359 = tpu.memref_slice %arg6[%squeeze3A_356, %dma_start3A_358] : memref<30x2048xf32, #tpu.memory_space<vmem>> -> memref<1x2048xf32, #tpu.memory_space<vmem>>
      %dma_start3A_360 = tpu.memref_squeeze %dma_start3A_359 : memref<1x2048xf32, #tpu.memory_space<vmem>> -> memref<2048xf32, #tpu.memory_space<vmem>>
      %dma_start3A_361 = arith.constant 0 : i32
      %dma_start3A_362 = tpu.memref_slice %arg4[%add3A_357, %dma_start3A_361] : memref<51200x2048xf32, #tpu.memory_space<hbm>> -> memref<1x2048xf32, #tpu.memory_space<hbm>>
      %dma_start3A_363 = tpu.memref_squeeze %dma_start3A_362 : memref<1x2048xf32, #tpu.memory_space<hbm>> -> memref<2048xf32, #tpu.memory_space<hbm>>
      %dma_start3A_364 = arith.constant 0 : i32
      %dma_start3A_365 = tpu.memref_slice %arg4[%add3A_357, %dma_start3A_364] : memref<51200x2048xf32, #tpu.memory_space<hbm>> -> memref<1x2048xf32, #tpu.memory_space<hbm>>
      %dma_start3A_366 = tpu.memref_squeeze %dma_start3A_365 : memref<1x2048xf32, #tpu.memory_space<hbm>> -> memref<2048xf32, #tpu.memory_space<hbm>>
      %dma_start3A_367 = arith.constant 0 : i32
      %dma_start3A_368 = tpu.memref_slice %arg6[%squeeze3A_356, %dma_start3A_367] : memref<30x2048xf32, #tpu.memory_space<vmem>> -> memref<1x2048xf32, #tpu.memory_space<vmem>>
      %dma_start3A_369 = tpu.memref_squeeze %dma_start3A_368 : memref<1x2048xf32, #tpu.memory_space<vmem>> -> memref<2048xf32, #tpu.memory_space<vmem>>
      tpu.enqueue_dma source(%dma_start3A_369 : memref<2048xf32, #tpu.memory_space<vmem>>) target(%dma_start3A_366 : memref<2048xf32, #tpu.memory_space<hbm>>) target_semaphore(%arg7 : memref<!tpu.dma_semaphore, #tpu.memory_space<semaphore_mem>>)
      %dma_wait3A_370 = arith.constant 0 : i32
      %dma_wait3A_371 = arith.constant 0 : i32
      %dma_wait3A_372 = tpu.memref_slice %arg6[%dma_wait3A_370, %dma_wait3A_371] : memref<30x2048xf32, #tpu.memory_space<vmem>> -> memref<1x2048xf32, #tpu.memory_space<vmem>>
      %dma_wait3A_373 = tpu.memref_squeeze %dma_wait3A_372 : memref<1x2048xf32, #tpu.memory_space<vmem>> -> memref<2048xf32, #tpu.memory_space<vmem>>
      %dma_wait3A_374 = arith.constant 0 : i32
      %dma_wait3A_375 = tpu.memref_slice %arg4[%mul3A_2, %dma_wait3A_374] : memref<51200x2048xf32, #tpu.memory_space<hbm>> -> memref<1x2048xf32, #tpu.memory_space<hbm>>
      %dma_wait3A_376 = tpu.memref_squeeze %dma_wait3A_375 : memref<1x2048xf32, #tpu.memory_space<hbm>> -> memref<2048xf32, #tpu.memory_space<hbm>>
      %dma_wait3A_377 = arith.constant 0 : i32
      %dma_wait3A_378 = tpu.memref_slice %arg4[%mul3A_2, %dma_wait3A_377] : memref<51200x2048xf32, #tpu.memory_space<hbm>> -> memref<1x2048xf32, #tpu.memory_space<hbm>>
      %dma_wait3A_379 = tpu.memref_squeeze %dma_wait3A_378 : memref<1x2048xf32, #tpu.memory_space<hbm>> -> memref<2048xf32, #tpu.memory_space<hbm>>
      %dma_wait3A_380 = arith.constant 0 : i32
      %dma_wait3A_381 = tpu.memref_slice %arg6[%dma_wait3A_370, %dma_wait3A_380] : memref<30x2048xf32, #tpu.memory_space<vmem>> -> memref<1x2048xf32, #tpu.memory_space<vmem>>
      %dma_wait3A_382 = tpu.memref_squeeze %dma_wait3A_381 : memref<1x2048xf32, #tpu.memory_space<vmem>> -> memref<2048xf32, #tpu.memory_space<vmem>>
      tpu.wait_dma2 semaphore(%arg7 : memref<!tpu.dma_semaphore, #tpu.memory_space<semaphore_mem>>) src(%dma_wait3A_382 : memref<2048xf32, #tpu.memory_space<vmem>>) dst(%dma_wait3A_379 : memref<2048xf32, #tpu.memory_space<hbm>>)
      %mul3A_383 = arith.constant 16 : i32
      %mul3A_384 = arith.muli %scan3A_269, %mul3A_383 : i32
      %add3A_385 = arith.constant 3 : i32
      %add3A_386 = arith.addi %mul3A_384, %add3A_385 : i32
      %slice3A_387 = vector.extract_strided_slice %get3A_274 {offsets = [3], sizes = [1], strides = [1]} : vector<16xi32> to vector<1xi32>
      %squeeze3A_388 = vector.extract %slice3A_387[0] : i32 from vector<1xi32>
      %add3A_389 = arith.addi %mul3A_2, %add3A_386 : i32
      %dma_start3A_390 = arith.constant 0 : i32
      %dma_start3A_391 = tpu.memref_slice %arg6[%squeeze3A_388, %dma_start3A_390] : memref<30x2048xf32, #tpu.memory_space<vmem>> -> memref<1x2048xf32, #tpu.memory_space<vmem>>
      %dma_start3A_392 = tpu.memref_squeeze %dma_start3A_391 : memref<1x2048xf32, #tpu.memory_space<vmem>> -> memref<2048xf32, #tpu.memory_space<vmem>>
      %dma_start3A_393 = arith.constant 0 : i32
      %dma_start3A_394 = tpu.memref_slice %arg4[%add3A_389, %dma_start3A_393] : memref<51200x2048xf32, #tpu.memory_space<hbm>> -> memref<1x2048xf32, #tpu.memory_space<hbm>>
      %dma_start3A_395 = tpu.memref_squeeze %dma_start3A_394 : memref<1x2048xf32, #tpu.memory_space<hbm>> -> memref<2048xf32, #tpu.memory_space<hbm>>
      %dma_start3A_396 = arith.constant 0 : i32
      %dma_start3A_397 = tpu.memref_slice %arg4[%add3A_389, %dma_start3A_396] : memref<51200x2048xf32, #tpu.memory_space<hbm>> -> memref<1x2048xf32, #tpu.memory_space<hbm>>
      %dma_start3A_398 = tpu.memref_squeeze %dma_start3A_397 : memref<1x2048xf32, #tpu.memory_space<hbm>> -> memref<2048xf32, #tpu.memory_space<hbm>>
      %dma_start3A_399 = arith.constant 0 : i32
      %dma_start3A_400 = tpu.memref_slice %arg6[%squeeze3A_388, %dma_start3A_399] : memref<30x2048xf32, #tpu.memory_space<vmem>> -> memref<1x2048xf32, #tpu.memory_space<vmem>>
      %dma_start3A_401 = tpu.memref_squeeze %dma_start3A_400 : memref<1x2048xf32, #tpu.memory_space<vmem>> -> memref<2048xf32, #tpu.memory_space<vmem>>
      tpu.enqueue_dma source(%dma_start3A_401 : memref<2048xf32, #tpu.memory_space<vmem>>) target(%dma_start3A_398 : memref<2048xf32, #tpu.memory_space<hbm>>) target_semaphore(%arg7 : memref<!tpu.dma_semaphore, #tpu.memory_space<semaphore_mem>>)
      %dma_wait3A_402 = arith.constant 0 : i32
      %dma_wait3A_403 = arith.constant 0 : i32
      %dma_wait3A_404 = tpu.memref_slice %arg6[%dma_wait3A_402, %dma_wait3A_403] : memref<30x2048xf32, #tpu.memory_space<vmem>> -> memref<1x2048xf32, #tpu.memory_space<vmem>>
      %dma_wait3A_405 = tpu.memref_squeeze %dma_wait3A_404 : memref<1x2048xf32, #tpu.memory_space<vmem>> -> memref<2048xf32, #tpu.memory_space<vmem>>
      %dma_wait3A_406 = arith.constant 0 : i32
      %dma_wait3A_407 = tpu.memref_slice %arg4[%mul3A_2, %dma_wait3A_406] : memref<51200x2048xf32, #tpu.memory_space<hbm>> -> memref<1x2048xf32, #tpu.memory_space<hbm>>
      %dma_wait3A_408 = tpu.memref_squeeze %dma_wait3A_407 : memref<1x2048xf32, #tpu.memory_space<hbm>> -> memref<2048xf32, #tpu.memory_space<hbm>>
      %dma_wait3A_409 = arith.constant 0 : i32
      %dma_wait3A_410 = tpu.memref_slice %arg4[%mul3A_2, %dma_wait3A_409] : memref<51200x2048xf32, #tpu.memory_space<hbm>> -> memref<1x2048xf32, #tpu.memory_space<hbm>>
      %dma_wait3A_411 = tpu.memref_squeeze %dma_wait3A_410 : memref<1x2048xf32, #tpu.memory_space<hbm>> -> memref<2048xf32, #tpu.memory_space<hbm>>
      %dma_wait3A_412 = arith.constant 0 : i32
      %dma_wait3A_413 = tpu.memref_slice %arg6[%dma_wait3A_402, %dma_wait3A_412] : memref<30x2048xf32, #tpu.memory_space<vmem>> -> memref<1x2048xf32, #tpu.memory_space<vmem>>
      %dma_wait3A_414 = tpu.memref_squeeze %dma_wait3A_413 : memref<1x2048xf32, #tpu.memory_space<vmem>> -> memref<2048xf32, #tpu.memory_space<vmem>>
      tpu.wait_dma2 semaphore(%arg7 : memref<!tpu.dma_semaphore, #tpu.memory_space<semaphore_mem>>) src(%dma_wait3A_414 : memref<2048xf32, #tpu.memory_space<vmem>>) dst(%dma_wait3A_411 : memref<2048xf32, #tpu.memory_space<hbm>>)
      %mul3A_415 = arith.constant 16 : i32
      %mul3A_416 = arith.muli %scan3A_269, %mul3A_415 : i32
      %add3A_417 = arith.constant 4 : i32
      %add3A_418 = arith.addi %mul3A_416, %add3A_417 : i32
      %slice3A_419 = vector.extract_strided_slice %get3A_274 {offsets = [4], sizes = [1], strides = [1]} : vector<16xi32> to vector<1xi32>
      %squeeze3A_420 = vector.extract %slice3A_419[0] : i32 from vector<1xi32>
      %add3A_421 = arith.addi %mul3A_2, %add3A_418 : i32
      %dma_start3A_422 = arith.constant 0 : i32
      %dma_start3A_423 = tpu.memref_slice %arg6[%squeeze3A_420, %dma_start3A_422] : memref<30x2048xf32, #tpu.memory_space<vmem>> -> memref<1x2048xf32, #tpu.memory_space<vmem>>
      %dma_start3A_424 = tpu.memref_squeeze %dma_start3A_423 : memref<1x2048xf32, #tpu.memory_space<vmem>> -> memref<2048xf32, #tpu.memory_space<vmem>>
      %dma_start3A_425 = arith.constant 0 : i32
      %dma_start3A_426 = tpu.memref_slice %arg4[%add3A_421, %dma_start3A_425] : memref<51200x2048xf32, #tpu.memory_space<hbm>> -> memref<1x2048xf32, #tpu.memory_space<hbm>>
      %dma_start3A_427 = tpu.memref_squeeze %dma_start3A_426 : memref<1x2048xf32, #tpu.memory_space<hbm>> -> memref<2048xf32, #tpu.memory_space<hbm>>
      %dma_start3A_428 = arith.constant 0 : i32
      %dma_start3A_429 = tpu.memref_slice %arg4[%add3A_421, %dma_start3A_428] : memref<51200x2048xf32, #tpu.memory_space<hbm>> -> memref<1x2048xf32, #tpu.memory_space<hbm>>
      %dma_start3A_430 = tpu.memref_squeeze %dma_start3A_429 : memref<1x2048xf32, #tpu.memory_space<hbm>> -> memref<2048xf32, #tpu.memory_space<hbm>>
      %dma_start3A_431 = arith.constant 0 : i32
      %dma_start3A_432 = tpu.memref_slice %arg6[%squeeze3A_420, %dma_start3A_431] : memref<30x2048xf32, #tpu.memory_space<vmem>> -> memref<1x2048xf32, #tpu.memory_space<vmem>>
      %dma_start3A_433 = tpu.memref_squeeze %dma_start3A_432 : memref<1x2048xf32, #tpu.memory_space<vmem>> -> memref<2048xf32, #tpu.memory_space<vmem>>
      tpu.enqueue_dma source(%dma_start3A_433 : memref<2048xf32, #tpu.memory_space<vmem>>) target(%dma_start3A_430 : memref<2048xf32, #tpu.memory_space<hbm>>) target_semaphore(%arg7 : memref<!tpu.dma_semaphore, #tpu.memory_space<semaphore_mem>>)
      %dma_wait3A_434 = arith.constant 0 : i32
      %dma_wait3A_435 = arith.constant 0 : i32
      %dma_wait3A_436 = tpu.memref_slice %arg6[%dma_wait3A_434, %dma_wait3A_435] : memref<30x2048xf32, #tpu.memory_space<vmem>> -> memref<1x2048xf32, #tpu.memory_space<vmem>>
      %dma_wait3A_437 = tpu.memref_squeeze %dma_wait3A_436 : memref<1x2048xf32, #tpu.memory_space<vmem>> -> memref<2048xf32, #tpu.memory_space<vmem>>
      %dma_wait3A_438 = arith.constant 0 : i32
      %dma_wait3A_439 = tpu.memref_slice %arg4[%mul3A_2, %dma_wait3A_438] : memref<51200x2048xf32, #tpu.memory_space<hbm>> -> memref<1x2048xf32, #tpu.memory_space<hbm>>
      %dma_wait3A_440 = tpu.memref_squeeze %dma_wait3A_439 : memref<1x2048xf32, #tpu.memory_space<hbm>> -> memref<2048xf32, #tpu.memory_space<hbm>>
      %dma_wait3A_441 = arith.constant 0 : i32
      %dma_wait3A_442 = tpu.memref_slice %arg4[%mul3A_2, %dma_wait3A_441] : memref<51200x2048xf32, #tpu.memory_space<hbm>> -> memref<1x2048xf32, #tpu.memory_space<hbm>>
      %dma_wait3A_443 = tpu.memref_squeeze %dma_wait3A_442 : memref<1x2048xf32, #tpu.memory_space<hbm>> -> memref<2048xf32, #tpu.memory_space<hbm>>
      %dma_wait3A_444 = arith.constant 0 : i32
      %dma_wait3A_445 = tpu.memref_slice %arg6[%dma_wait3A_434, %dma_wait3A_444] : memref<30x2048xf32, #tpu.memory_space<vmem>> -> memref<1x2048xf32, #tpu.memory_space<vmem>>
      %dma_wait3A_446 = tpu.memref_squeeze %dma_wait3A_445 : memref<1x2048xf32, #tpu.memory_space<vmem>> -> memref<2048xf32, #tpu.memory_space<vmem>>
      tpu.wait_dma2 semaphore(%arg7 : memref<!tpu.dma_semaphore, #tpu.memory_space<semaphore_mem>>) src(%dma_wait3A_446 : memref<2048xf32, #tpu.memory_space<vmem>>) dst(%dma_wait3A_443 : memref<2048xf32, #tpu.memory_space<hbm>>)
      %mul3A_447 = arith.constant 16 : i32
      %mul3A_448 = arith.muli %scan3A_269, %mul3A_447 : i32
      %add3A_449 = arith.constant 5 : i32
      %add3A_450 = arith.addi %mul3A_448, %add3A_449 : i32
      %slice3A_451 = vector.extract_strided_slice %get3A_274 {offsets = [5], sizes = [1], strides = [1]} : vector<16xi32> to vector<1xi32>
      %squeeze3A_452 = vector.extract %slice3A_451[0] : i32 from vector<1xi32>
      %add3A_453 = arith.addi %mul3A_2, %add3A_450 : i32
      %dma_start3A_454 = arith.constant 0 : i32
      %dma_start3A_455 = tpu.memref_slice %arg6[%squeeze3A_452, %dma_start3A_454] : memref<30x2048xf32, #tpu.memory_space<vmem>> -> memref<1x2048xf32, #tpu.memory_space<vmem>>
      %dma_start3A_456 = tpu.memref_squeeze %dma_start3A_455 : memref<1x2048xf32, #tpu.memory_space<vmem>> -> memref<2048xf32, #tpu.memory_space<vmem>>
      %dma_start3A_457 = arith.constant 0 : i32
      %dma_start3A_458 = tpu.memref_slice %arg4[%add3A_453, %dma_start3A_457] : memref<51200x2048xf32, #tpu.memory_space<hbm>> -> memref<1x2048xf32, #tpu.memory_space<hbm>>
      %dma_start3A_459 = tpu.memref_squeeze %dma_start3A_458 : memref<1x2048xf32, #tpu.memory_space<hbm>> -> memref<2048xf32, #tpu.memory_space<hbm>>
      %dma_start3A_460 = arith.constant 0 : i32
      %dma_start3A_461 = tpu.memref_slice %arg4[%add3A_453, %dma_start3A_460] : memref<51200x2048xf32, #tpu.memory_space<hbm>> -> memref<1x2048xf32, #tpu.memory_space<hbm>>
      %dma_start3A_462 = tpu.memref_squeeze %dma_start3A_461 : memref<1x2048xf32, #tpu.memory_space<hbm>> -> memref<2048xf32, #tpu.memory_space<hbm>>
      %dma_start3A_463 = arith.constant 0 : i32
      %dma_start3A_464 = tpu.memref_slice %arg6[%squeeze3A_452, %dma_start3A_463] : memref<30x2048xf32, #tpu.memory_space<vmem>> -> memref<1x2048xf32, #tpu.memory_space<vmem>>
      %dma_start3A_465 = tpu.memref_squeeze %dma_start3A_464 : memref<1x2048xf32, #tpu.memory_space<vmem>> -> memref<2048xf32, #tpu.memory_space<vmem>>
      tpu.enqueue_dma source(%dma_start3A_465 : memref<2048xf32, #tpu.memory_space<vmem>>) target(%dma_start3A_462 : memref<2048xf32, #tpu.memory_space<hbm>>) target_semaphore(%arg7 : memref<!tpu.dma_semaphore, #tpu.memory_space<semaphore_mem>>)
      %dma_wait3A_466 = arith.constant 0 : i32
      %dma_wait3A_467 = arith.constant 0 : i32
      %dma_wait3A_468 = tpu.memref_slice %arg6[%dma_wait3A_466, %dma_wait3A_467] : memref<30x2048xf32, #tpu.memory_space<vmem>> -> memref<1x2048xf32, #tpu.memory_space<vmem>>
      %dma_wait3A_469 = tpu.memref_squeeze %dma_wait3A_468 : memref<1x2048xf32, #tpu.memory_space<vmem>> -> memref<2048xf32, #tpu.memory_space<vmem>>
      %dma_wait3A_470 = arith.constant 0 : i32
      %dma_wait3A_471 = tpu.memref_slice %arg4[%mul3A_2, %dma_wait3A_470] : memref<51200x2048xf32, #tpu.memory_space<hbm>> -> memref<1x2048xf32, #tpu.memory_space<hbm>>
      %dma_wait3A_472 = tpu.memref_squeeze %dma_wait3A_471 : memref<1x2048xf32, #tpu.memory_space<hbm>> -> memref<2048xf32, #tpu.memory_space<hbm>>
      %dma_wait3A_473 = arith.constant 0 : i32
      %dma_wait3A_474 = tpu.memref_slice %arg4[%mul3A_2, %dma_wait3A_473] : memref<51200x2048xf32, #tpu.memory_space<hbm>> -> memref<1x2048xf32, #tpu.memory_space<hbm>>
      %dma_wait3A_475 = tpu.memref_squeeze %dma_wait3A_474 : memref<1x2048xf32, #tpu.memory_space<hbm>> -> memref<2048xf32, #tpu.memory_space<hbm>>
      %dma_wait3A_476 = arith.constant 0 : i32
      %dma_wait3A_477 = tpu.memref_slice %arg6[%dma_wait3A_466, %dma_wait3A_476] : memref<30x2048xf32, #tpu.memory_space<vmem>> -> memref<1x2048xf32, #tpu.memory_space<vmem>>
      %dma_wait3A_478 = tpu.memref_squeeze %dma_wait3A_477 : memref<1x2048xf32, #tpu.memory_space<vmem>> -> memref<2048xf32, #tpu.memory_space<vmem>>
      tpu.wait_dma2 semaphore(%arg7 : memref<!tpu.dma_semaphore, #tpu.memory_space<semaphore_mem>>) src(%dma_wait3A_478 : memref<2048xf32, #tpu.memory_space<vmem>>) dst(%dma_wait3A_475 : memref<2048xf32, #tpu.memory_space<hbm>>)
      %mul3A_479 = arith.constant 16 : i32
      %mul3A_480 = arith.muli %scan3A_269, %mul3A_479 : i32
      %add3A_481 = arith.constant 6 : i32
      %add3A_482 = arith.addi %mul3A_480, %add3A_481 : i32
      %slice3A_483 = vector.extract_strided_slice %get3A_274 {offsets = [6], sizes = [1], strides = [1]} : vector<16xi32> to vector<1xi32>
      %squeeze3A_484 = vector.extract %slice3A_483[0] : i32 from vector<1xi32>
      %add3A_485 = arith.addi %mul3A_2, %add3A_482 : i32
      %dma_start3A_486 = arith.constant 0 : i32
      %dma_start3A_487 = tpu.memref_slice %arg6[%squeeze3A_484, %dma_start3A_486] : memref<30x2048xf32, #tpu.memory_space<vmem>> -> memref<1x2048xf32, #tpu.memory_space<vmem>>
      %dma_start3A_488 = tpu.memref_squeeze %dma_start3A_487 : memref<1x2048xf32, #tpu.memory_space<vmem>> -> memref<2048xf32, #tpu.memory_space<vmem>>
      %dma_start3A_489 = arith.constant 0 : i32
      %dma_start3A_490 = tpu.memref_slice %arg4[%add3A_485, %dma_start3A_489] : memref<51200x2048xf32, #tpu.memory_space<hbm>> -> memref<1x2048xf32, #tpu.memory_space<hbm>>
      %dma_start3A_491 = tpu.memref_squeeze %dma_start3A_490 : memref<1x2048xf32, #tpu.memory_space<hbm>> -> memref<2048xf32, #tpu.memory_space<hbm>>
      %dma_start3A_492 = arith.constant 0 : i32
      %dma_start3A_493 = tpu.memref_slice %arg4[%add3A_485, %dma_start3A_492] : memref<51200x2048xf32, #tpu.memory_space<hbm>> -> memref<1x2048xf32, #tpu.memory_space<hbm>>
      %dma_start3A_494 = tpu.memref_squeeze %dma_start3A_493 : memref<1x2048xf32, #tpu.memory_space<hbm>> -> memref<2048xf32, #tpu.memory_space<hbm>>
      %dma_start3A_495 = arith.constant 0 : i32
      %dma_start3A_496 = tpu.memref_slice %arg6[%squeeze3A_484, %dma_start3A_495] : memref<30x2048xf32, #tpu.memory_space<vmem>> -> memref<1x2048xf32, #tpu.memory_space<vmem>>
      %dma_start3A_497 = tpu.memref_squeeze %dma_start3A_496 : memref<1x2048xf32, #tpu.memory_space<vmem>> -> memref<2048xf32, #tpu.memory_space<vmem>>
      tpu.enqueue_dma source(%dma_start3A_497 : memref<2048xf32, #tpu.memory_space<vmem>>) target(%dma_start3A_494 : memref<2048xf32, #tpu.memory_space<hbm>>) target_semaphore(%arg7 : memref<!tpu.dma_semaphore, #tpu.memory_space<semaphore_mem>>)
      %dma_wait3A_498 = arith.constant 0 : i32
      %dma_wait3A_499 = arith.constant 0 : i32
      %dma_wait3A_500 = tpu.memref_slice %arg6[%dma_wait3A_498, %dma_wait3A_499] : memref<30x2048xf32, #tpu.memory_space<vmem>> -> memref<1x2048xf32, #tpu.memory_space<vmem>>
      %dma_wait3A_501 = tpu.memref_squeeze %dma_wait3A_500 : memref<1x2048xf32, #tpu.memory_space<vmem>> -> memref<2048xf32, #tpu.memory_space<vmem>>
      %dma_wait3A_502 = arith.constant 0 : i32
      %dma_wait3A_503 = tpu.memref_slice %arg4[%mul3A_2, %dma_wait3A_502] : memref<51200x2048xf32, #tpu.memory_space<hbm>> -> memref<1x2048xf32, #tpu.memory_space<hbm>>
      %dma_wait3A_504 = tpu.memref_squeeze %dma_wait3A_503 : memref<1x2048xf32, #tpu.memory_space<hbm>> -> memref<2048xf32, #tpu.memory_space<hbm>>
      %dma_wait3A_505 = arith.constant 0 : i32
      %dma_wait3A_506 = tpu.memref_slice %arg4[%mul3A_2, %dma_wait3A_505] : memref<51200x2048xf32, #tpu.memory_space<hbm>> -> memref<1x2048xf32, #tpu.memory_space<hbm>>
      %dma_wait3A_507 = tpu.memref_squeeze %dma_wait3A_506 : memref<1x2048xf32, #tpu.memory_space<hbm>> -> memref<2048xf32, #tpu.memory_space<hbm>>
      %dma_wait3A_508 = arith.constant 0 : i32
      %dma_wait3A_509 = tpu.memref_slice %arg6[%dma_wait3A_498, %dma_wait3A_508] : memref<30x2048xf32, #tpu.memory_space<vmem>> -> memref<1x2048xf32, #tpu.memory_space<vmem>>
      %dma_wait3A_510 = tpu.memref_squeeze %dma_wait3A_509 : memref<1x2048xf32, #tpu.memory_space<vmem>> -> memref<2048xf32, #tpu.memory_space<vmem>>
      tpu.wait_dma2 semaphore(%arg7 : memref<!tpu.dma_semaphore, #tpu.memory_space<semaphore_mem>>) src(%dma_wait3A_510 : memref<2048xf32, #tpu.memory_space<vmem>>) dst(%dma_wait3A_507 : memref<2048xf32, #tpu.memory_space<hbm>>)
      %mul3A_511 = arith.constant 16 : i32
      %mul3A_512 = arith.muli %scan3A_269, %mul3A_511 : i32
      %add3A_513 = arith.constant 7 : i32
      %add3A_514 = arith.addi %mul3A_512, %add3A_513 : i32
      %slice3A_515 = vector.extract_strided_slice %get3A_274 {offsets = [7], sizes = [1], strides = [1]} : vector<16xi32> to vector<1xi32>
      %squeeze3A_516 = vector.extract %slice3A_515[0] : i32 from vector<1xi32>
      %add3A_517 = arith.addi %mul3A_2, %add3A_514 : i32
      %dma_start3A_518 = arith.constant 0 : i32
      %dma_start3A_519 = tpu.memref_slice %arg6[%squeeze3A_516, %dma_start3A_518] : memref<30x2048xf32, #tpu.memory_space<vmem>> -> memref<1x2048xf32, #tpu.memory_space<vmem>>
      %dma_start3A_520 = tpu.memref_squeeze %dma_start3A_519 : memref<1x2048xf32, #tpu.memory_space<vmem>> -> memref<2048xf32, #tpu.memory_space<vmem>>
      %dma_start3A_521 = arith.constant 0 : i32
      %dma_start3A_522 = tpu.memref_slice %arg4[%add3A_517, %dma_start3A_521] : memref<51200x2048xf32, #tpu.memory_space<hbm>> -> memref<1x2048xf32, #tpu.memory_space<hbm>>
      %dma_start3A_523 = tpu.memref_squeeze %dma_start3A_522 : memref<1x2048xf32, #tpu.memory_space<hbm>> -> memref<2048xf32, #tpu.memory_space<hbm>>
      %dma_start3A_524 = arith.constant 0 : i32
      %dma_start3A_525 = tpu.memref_slice %arg4[%add3A_517, %dma_start3A_524] : memref<51200x2048xf32, #tpu.memory_space<hbm>> -> memref<1x2048xf32, #tpu.memory_space<hbm>>
      %dma_start3A_526 = tpu.memref_squeeze %dma_start3A_525 : memref<1x2048xf32, #tpu.memory_space<hbm>> -> memref<2048xf32, #tpu.memory_space<hbm>>
      %dma_start3A_527 = arith.constant 0 : i32
      %dma_start3A_528 = tpu.memref_slice %arg6[%squeeze3A_516, %dma_start3A_527] : memref<30x2048xf32, #tpu.memory_space<vmem>> -> memref<1x2048xf32, #tpu.memory_space<vmem>>
      %dma_start3A_529 = tpu.memref_squeeze %dma_start3A_528 : memref<1x2048xf32, #tpu.memory_space<vmem>> -> memref<2048xf32, #tpu.memory_space<vmem>>
      tpu.enqueue_dma source(%dma_start3A_529 : memref<2048xf32, #tpu.memory_space<vmem>>) target(%dma_start3A_526 : memref<2048xf32, #tpu.memory_space<hbm>>) target_semaphore(%arg7 : memref<!tpu.dma_semaphore, #tpu.memory_space<semaphore_mem>>)
      %dma_wait3A_530 = arith.constant 0 : i32
      %dma_wait3A_531 = arith.constant 0 : i32
      %dma_wait3A_532 = tpu.memref_slice %arg6[%dma_wait3A_530, %dma_wait3A_531] : memref<30x2048xf32, #tpu.memory_space<vmem>> -> memref<1x2048xf32, #tpu.memory_space<vmem>>
      %dma_wait3A_533 = tpu.memref_squeeze %dma_wait3A_532 : memref<1x2048xf32, #tpu.memory_space<vmem>> -> memref<2048xf32, #tpu.memory_space<vmem>>
      %dma_wait3A_534 = arith.constant 0 : i32
      %dma_wait3A_535 = tpu.memref_slice %arg4[%mul3A_2, %dma_wait3A_534] : memref<51200x2048xf32, #tpu.memory_space<hbm>> -> memref<1x2048xf32, #tpu.memory_space<hbm>>
      %dma_wait3A_536 = tpu.memref_squeeze %dma_wait3A_535 : memref<1x2048xf32, #tpu.memory_space<hbm>> -> memref<2048xf32, #tpu.memory_space<hbm>>
      %dma_wait3A_537 = arith.constant 0 : i32
      %dma_wait3A_538 = tpu.memref_slice %arg4[%mul3A_2, %dma_wait3A_537] : memref<51200x2048xf32, #tpu.memory_space<hbm>> -> memref<1x2048xf32, #tpu.memory_space<hbm>>
      %dma_wait3A_539 = tpu.memref_squeeze %dma_wait3A_538 : memref<1x2048xf32, #tpu.memory_space<hbm>> -> memref<2048xf32, #tpu.memory_space<hbm>>
      %dma_wait3A_540 = arith.constant 0 : i32
      %dma_wait3A_541 = tpu.memref_slice %arg6[%dma_wait3A_530, %dma_wait3A_540] : memref<30x2048xf32, #tpu.memory_space<vmem>> -> memref<1x2048xf32, #tpu.memory_space<vmem>>
      %dma_wait3A_542 = tpu.memref_squeeze %dma_wait3A_541 : memref<1x2048xf32, #tpu.memory_space<vmem>> -> memref<2048xf32, #tpu.memory_space<vmem>>
      tpu.wait_dma2 semaphore(%arg7 : memref<!tpu.dma_semaphore, #tpu.memory_space<semaphore_mem>>) src(%dma_wait3A_542 : memref<2048xf32, #tpu.memory_space<vmem>>) dst(%dma_wait3A_539 : memref<2048xf32, #tpu.memory_space<hbm>>)
      %mul3A_543 = arith.constant 16 : i32
      %mul3A_544 = arith.muli %scan3A_269, %mul3A_543 : i32
      %add3A_545 = arith.constant 8 : i32
      %add3A_546 = arith.addi %mul3A_544, %add3A_545 : i32
      %slice3A_547 = vector.extract_strided_slice %get3A_274 {offsets = [8], sizes = [1], strides = [1]} : vector<16xi32> to vector<1xi32>
      %squeeze3A_548 = vector.extract %slice3A_547[0] : i32 from vector<1xi32>
      %add3A_549 = arith.addi %mul3A_2, %add3A_546 : i32
      %dma_start3A_550 = arith.constant 0 : i32
      %dma_start3A_551 = tpu.memref_slice %arg6[%squeeze3A_548, %dma_start3A_550] : memref<30x2048xf32, #tpu.memory_space<vmem>> -> memref<1x2048xf32, #tpu.memory_space<vmem>>
      %dma_start3A_552 = tpu.memref_squeeze %dma_start3A_551 : memref<1x2048xf32, #tpu.memory_space<vmem>> -> memref<2048xf32, #tpu.memory_space<vmem>>
      %dma_start3A_553 = arith.constant 0 : i32
      %dma_start3A_554 = tpu.memref_slice %arg4[%add3A_549, %dma_start3A_553] : memref<51200x2048xf32, #tpu.memory_space<hbm>> -> memref<1x2048xf32, #tpu.memory_space<hbm>>
      %dma_start3A_555 = tpu.memref_squeeze %dma_start3A_554 : memref<1x2048xf32, #tpu.memory_space<hbm>> -> memref<2048xf32, #tpu.memory_space<hbm>>
      %dma_start3A_556 = arith.constant 0 : i32
      %dma_start3A_557 = tpu.memref_slice %arg4[%add3A_549, %dma_start3A_556] : memref<51200x2048xf32, #tpu.memory_space<hbm>> -> memref<1x2048xf32, #tpu.memory_space<hbm>>
      %dma_start3A_558 = tpu.memref_squeeze %dma_start3A_557 : memref<1x2048xf32, #tpu.memory_space<hbm>> -> memref<2048xf32, #tpu.memory_space<hbm>>
      %dma_start3A_559 = arith.constant 0 : i32
      %dma_start3A_560 = tpu.memref_slice %arg6[%squeeze3A_548, %dma_start3A_559] : memref<30x2048xf32, #tpu.memory_space<vmem>> -> memref<1x2048xf32, #tpu.memory_space<vmem>>
      %dma_start3A_561 = tpu.memref_squeeze %dma_start3A_560 : memref<1x2048xf32, #tpu.memory_space<vmem>> -> memref<2048xf32, #tpu.memory_space<vmem>>
      tpu.enqueue_dma source(%dma_start3A_561 : memref<2048xf32, #tpu.memory_space<vmem>>) target(%dma_start3A_558 : memref<2048xf32, #tpu.memory_space<hbm>>) target_semaphore(%arg7 : memref<!tpu.dma_semaphore, #tpu.memory_space<semaphore_mem>>)
      %dma_wait3A_562 = arith.constant 0 : i32
      %dma_wait3A_563 = arith.constant 0 : i32
      %dma_wait3A_564 = tpu.memref_slice %arg6[%dma_wait3A_562, %dma_wait3A_563] : memref<30x2048xf32, #tpu.memory_space<vmem>> -> memref<1x2048xf32, #tpu.memory_space<vmem>>
      %dma_wait3A_565 = tpu.memref_squeeze %dma_wait3A_564 : memref<1x2048xf32, #tpu.memory_space<vmem>> -> memref<2048xf32, #tpu.memory_space<vmem>>
      %dma_wait3A_566 = arith.constant 0 : i32
      %dma_wait3A_567 = tpu.memref_slice %arg4[%mul3A_2, %dma_wait3A_566] : memref<51200x2048xf32, #tpu.memory_space<hbm>> -> memref<1x2048xf32, #tpu.memory_space<hbm>>
      %dma_wait3A_568 = tpu.memref_squeeze %dma_wait3A_567 : memref<1x2048xf32, #tpu.memory_space<hbm>> -> memref<2048xf32, #tpu.memory_space<hbm>>
      %dma_wait3A_569 = arith.constant 0 : i32
      %dma_wait3A_570 = tpu.memref_slice %arg4[%mul3A_2, %dma_wait3A_569] : memref<51200x2048xf32, #tpu.memory_space<hbm>> -> memref<1x2048xf32, #tpu.memory_space<hbm>>
      %dma_wait3A_571 = tpu.memref_squeeze %dma_wait3A_570 : memref<1x2048xf32, #tpu.memory_space<hbm>> -> memref<2048xf32, #tpu.memory_space<hbm>>
      %dma_wait3A_572 = arith.constant 0 : i32
      %dma_wait3A_573 = tpu.memref_slice %arg6[%dma_wait3A_562, %dma_wait3A_572] : memref<30x2048xf32, #tpu.memory_space<vmem>> -> memref<1x2048xf32, #tpu.memory_space<vmem>>
      %dma_wait3A_574 = tpu.memref_squeeze %dma_wait3A_573 : memref<1x2048xf32, #tpu.memory_space<vmem>> -> memref<2048xf32, #tpu.memory_space<vmem>>
      tpu.wait_dma2 semaphore(%arg7 : memref<!tpu.dma_semaphore, #tpu.memory_space<semaphore_mem>>) src(%dma_wait3A_574 : memref<2048xf32, #tpu.memory_space<vmem>>) dst(%dma_wait3A_571 : memref<2048xf32, #tpu.memory_space<hbm>>)
      %mul3A_575 = arith.constant 16 : i32
      %mul3A_576 = arith.muli %scan3A_269, %mul3A_575 : i32
      %add3A_577 = arith.constant 9 : i32
      %add3A_578 = arith.addi %mul3A_576, %add3A_577 : i32
      %slice3A_579 = vector.extract_strided_slice %get3A_274 {offsets = [9], sizes = [1], strides = [1]} : vector<16xi32> to vector<1xi32>
      %squeeze3A_580 = vector.extract %slice3A_579[0] : i32 from vector<1xi32>
      %add3A_581 = arith.addi %mul3A_2, %add3A_578 : i32
      %dma_start3A_582 = arith.constant 0 : i32
      %dma_start3A_583 = tpu.memref_slice %arg6[%squeeze3A_580, %dma_start3A_582] : memref<30x2048xf32, #tpu.memory_space<vmem>> -> memref<1x2048xf32, #tpu.memory_space<vmem>>
      %dma_start3A_584 = tpu.memref_squeeze %dma_start3A_583 : memref<1x2048xf32, #tpu.memory_space<vmem>> -> memref<2048xf32, #tpu.memory_space<vmem>>
      %dma_start3A_585 = arith.constant 0 : i32
      %dma_start3A_586 = tpu.memref_slice %arg4[%add3A_581, %dma_start3A_585] : memref<51200x2048xf32, #tpu.memory_space<hbm>> -> memref<1x2048xf32, #tpu.memory_space<hbm>>
      %dma_start3A_587 = tpu.memref_squeeze %dma_start3A_586 : memref<1x2048xf32, #tpu.memory_space<hbm>> -> memref<2048xf32, #tpu.memory_space<hbm>>
      %dma_start3A_588 = arith.constant 0 : i32
      %dma_start3A_589 = tpu.memref_slice %arg4[%add3A_581, %dma_start3A_588] : memref<51200x2048xf32, #tpu.memory_space<hbm>> -> memref<1x2048xf32, #tpu.memory_space<hbm>>
      %dma_start3A_590 = tpu.memref_squeeze %dma_start3A_589 : memref<1x2048xf32, #tpu.memory_space<hbm>> -> memref<2048xf32, #tpu.memory_space<hbm>>
      %dma_start3A_591 = arith.constant 0 : i32
      %dma_start3A_592 = tpu.memref_slice %arg6[%squeeze3A_580, %dma_start3A_591] : memref<30x2048xf32, #tpu.memory_space<vmem>> -> memref<1x2048xf32, #tpu.memory_space<vmem>>
      %dma_start3A_593 = tpu.memref_squeeze %dma_start3A_592 : memref<1x2048xf32, #tpu.memory_space<vmem>> -> memref<2048xf32, #tpu.memory_space<vmem>>
      tpu.enqueue_dma source(%dma_start3A_593 : memref<2048xf32, #tpu.memory_space<vmem>>) target(%dma_start3A_590 : memref<2048xf32, #tpu.memory_space<hbm>>) target_semaphore(%arg7 : memref<!tpu.dma_semaphore, #tpu.memory_space<semaphore_mem>>)
      %dma_wait3A_594 = arith.constant 0 : i32
      %dma_wait3A_595 = arith.constant 0 : i32
      %dma_wait3A_596 = tpu.memref_slice %arg6[%dma_wait3A_594, %dma_wait3A_595] : memref<30x2048xf32, #tpu.memory_space<vmem>> -> memref<1x2048xf32, #tpu.memory_space<vmem>>
      %dma_wait3A_597 = tpu.memref_squeeze %dma_wait3A_596 : memref<1x2048xf32, #tpu.memory_space<vmem>> -> memref<2048xf32, #tpu.memory_space<vmem>>
      %dma_wait3A_598 = arith.constant 0 : i32
      %dma_wait3A_599 = tpu.memref_slice %arg4[%mul3A_2, %dma_wait3A_598] : memref<51200x2048xf32, #tpu.memory_space<hbm>> -> memref<1x2048xf32, #tpu.memory_space<hbm>>
      %dma_wait3A_600 = tpu.memref_squeeze %dma_wait3A_599 : memref<1x2048xf32, #tpu.memory_space<hbm>> -> memref<2048xf32, #tpu.memory_space<hbm>>
      %dma_wait3A_601 = arith.constant 0 : i32
      %dma_wait3A_602 = tpu.memref_slice %arg4[%mul3A_2, %dma_wait3A_601] : memref<51200x2048xf32, #tpu.memory_space<hbm>> -> memref<1x2048xf32, #tpu.memory_space<hbm>>
      %dma_wait3A_603 = tpu.memref_squeeze %dma_wait3A_602 : memref<1x2048xf32, #tpu.memory_space<hbm>> -> memref<2048xf32, #tpu.memory_space<hbm>>
      %dma_wait3A_604 = arith.constant 0 : i32
      %dma_wait3A_605 = tpu.memref_slice %arg6[%dma_wait3A_594, %dma_wait3A_604] : memref<30x2048xf32, #tpu.memory_space<vmem>> -> memref<1x2048xf32, #tpu.memory_space<vmem>>
      %dma_wait3A_606 = tpu.memref_squeeze %dma_wait3A_605 : memref<1x2048xf32, #tpu.memory_space<vmem>> -> memref<2048xf32, #tpu.memory_space<vmem>>
      tpu.wait_dma2 semaphore(%arg7 : memref<!tpu.dma_semaphore, #tpu.memory_space<semaphore_mem>>) src(%dma_wait3A_606 : memref<2048xf32, #tpu.memory_space<vmem>>) dst(%dma_wait3A_603 : memref<2048xf32, #tpu.memory_space<hbm>>)
      %mul3A_607 = arith.constant 16 : i32
      %mul3A_608 = arith.muli %scan3A_269, %mul3A_607 : i32
      %add3A_609 = arith.constant 10 : i32
      %add3A_610 = arith.addi %mul3A_608, %add3A_609 : i32
      %slice3A_611 = vector.extract_strided_slice %get3A_274 {offsets = [10], sizes = [1], strides = [1]} : vector<16xi32> to vector<1xi32>
      %squeeze3A_612 = vector.extract %slice3A_611[0] : i32 from vector<1xi32>
      %add3A_613 = arith.addi %mul3A_2, %add3A_610 : i32
      %dma_start3A_614 = arith.constant 0 : i32
      %dma_start3A_615 = tpu.memref_slice %arg6[%squeeze3A_612, %dma_start3A_614] : memref<30x2048xf32, #tpu.memory_space<vmem>> -> memref<1x2048xf32, #tpu.memory_space<vmem>>
      %dma_start3A_616 = tpu.memref_squeeze %dma_start3A_615 : memref<1x2048xf32, #tpu.memory_space<vmem>> -> memref<2048xf32, #tpu.memory_space<vmem>>
      %dma_start3A_617 = arith.constant 0 : i32
      %dma_start3A_618 = tpu.memref_slice %arg4[%add3A_613, %dma_start3A_617] : memref<51200x2048xf32, #tpu.memory_space<hbm>> -> memref<1x2048xf32, #tpu.memory_space<hbm>>
      %dma_start3A_619 = tpu.memref_squeeze %dma_start3A_618 : memref<1x2048xf32, #tpu.memory_space<hbm>> -> memref<2048xf32, #tpu.memory_space<hbm>>
      %dma_start3A_620 = arith.constant 0 : i32
      %dma_start3A_621 = tpu.memref_slice %arg4[%add3A_613, %dma_start3A_620] : memref<51200x2048xf32, #tpu.memory_space<hbm>> -> memref<1x2048xf32, #tpu.memory_space<hbm>>
      %dma_start3A_622 = tpu.memref_squeeze %dma_start3A_621 : memref<1x2048xf32, #tpu.memory_space<hbm>> -> memref<2048xf32, #tpu.memory_space<hbm>>
      %dma_start3A_623 = arith.constant 0 : i32
      %dma_start3A_624 = tpu.memref_slice %arg6[%squeeze3A_612, %dma_start3A_623] : memref<30x2048xf32, #tpu.memory_space<vmem>> -> memref<1x2048xf32, #tpu.memory_space<vmem>>
      %dma_start3A_625 = tpu.memref_squeeze %dma_start3A_624 : memref<1x2048xf32, #tpu.memory_space<vmem>> -> memref<2048xf32, #tpu.memory_space<vmem>>
      tpu.enqueue_dma source(%dma_start3A_625 : memref<2048xf32, #tpu.memory_space<vmem>>) target(%dma_start3A_622 : memref<2048xf32, #tpu.memory_space<hbm>>) target_semaphore(%arg7 : memref<!tpu.dma_semaphore, #tpu.memory_space<semaphore_mem>>)
      %dma_wait3A_626 = arith.constant 0 : i32
      %dma_wait3A_627 = arith.constant 0 : i32
      %dma_wait3A_628 = tpu.memref_slice %arg6[%dma_wait3A_626, %dma_wait3A_627] : memref<30x2048xf32, #tpu.memory_space<vmem>> -> memref<1x2048xf32, #tpu.memory_space<vmem>>
      %dma_wait3A_629 = tpu.memref_squeeze %dma_wait3A_628 : memref<1x2048xf32, #tpu.memory_space<vmem>> -> memref<2048xf32, #tpu.memory_space<vmem>>
      %dma_wait3A_630 = arith.constant 0 : i32
      %dma_wait3A_631 = tpu.memref_slice %arg4[%mul3A_2, %dma_wait3A_630] : memref<51200x2048xf32, #tpu.memory_space<hbm>> -> memref<1x2048xf32, #tpu.memory_space<hbm>>
      %dma_wait3A_632 = tpu.memref_squeeze %dma_wait3A_631 : memref<1x2048xf32, #tpu.memory_space<hbm>> -> memref<2048xf32, #tpu.memory_space<hbm>>
      %dma_wait3A_633 = arith.constant 0 : i32
      %dma_wait3A_634 = tpu.memref_slice %arg4[%mul3A_2, %dma_wait3A_633] : memref<51200x2048xf32, #tpu.memory_space<hbm>> -> memref<1x2048xf32, #tpu.memory_space<hbm>>
      %dma_wait3A_635 = tpu.memref_squeeze %dma_wait3A_634 : memref<1x2048xf32, #tpu.memory_space<hbm>> -> memref<2048xf32, #tpu.memory_space<hbm>>
      %dma_wait3A_636 = arith.constant 0 : i32
      %dma_wait3A_637 = tpu.memref_slice %arg6[%dma_wait3A_626, %dma_wait3A_636] : memref<30x2048xf32, #tpu.memory_space<vmem>> -> memref<1x2048xf32, #tpu.memory_space<vmem>>
      %dma_wait3A_638 = tpu.memref_squeeze %dma_wait3A_637 : memref<1x2048xf32, #tpu.memory_space<vmem>> -> memref<2048xf32, #tpu.memory_space<vmem>>
      tpu.wait_dma2 semaphore(%arg7 : memref<!tpu.dma_semaphore, #tpu.memory_space<semaphore_mem>>) src(%dma_wait3A_638 : memref<2048xf32, #tpu.memory_space<vmem>>) dst(%dma_wait3A_635 : memref<2048xf32, #tpu.memory_space<hbm>>)
      %mul3A_639 = arith.constant 16 : i32
      %mul3A_640 = arith.muli %scan3A_269, %mul3A_639 : i32
      %add3A_641 = arith.constant 11 : i32
      %add3A_642 = arith.addi %mul3A_640, %add3A_641 : i32
      %slice3A_643 = vector.extract_strided_slice %get3A_274 {offsets = [11], sizes = [1], strides = [1]} : vector<16xi32> to vector<1xi32>
      %squeeze3A_644 = vector.extract %slice3A_643[0] : i32 from vector<1xi32>
      %add3A_645 = arith.addi %mul3A_2, %add3A_642 : i32
      %dma_start3A_646 = arith.constant 0 : i32
      %dma_start3A_647 = tpu.memref_slice %arg6[%squeeze3A_644, %dma_start3A_646] : memref<30x2048xf32, #tpu.memory_space<vmem>> -> memref<1x2048xf32, #tpu.memory_space<vmem>>
      %dma_start3A_648 = tpu.memref_squeeze %dma_start3A_647 : memref<1x2048xf32, #tpu.memory_space<vmem>> -> memref<2048xf32, #tpu.memory_space<vmem>>
      %dma_start3A_649 = arith.constant 0 : i32
      %dma_start3A_650 = tpu.memref_slice %arg4[%add3A_645, %dma_start3A_649] : memref<51200x2048xf32, #tpu.memory_space<hbm>> -> memref<1x2048xf32, #tpu.memory_space<hbm>>
      %dma_start3A_651 = tpu.memref_squeeze %dma_start3A_650 : memref<1x2048xf32, #tpu.memory_space<hbm>> -> memref<2048xf32, #tpu.memory_space<hbm>>
      %dma_start3A_652 = arith.constant 0 : i32
      %dma_start3A_653 = tpu.memref_slice %arg4[%add3A_645, %dma_start3A_652] : memref<51200x2048xf32, #tpu.memory_space<hbm>> -> memref<1x2048xf32, #tpu.memory_space<hbm>>
      %dma_start3A_654 = tpu.memref_squeeze %dma_start3A_653 : memref<1x2048xf32, #tpu.memory_space<hbm>> -> memref<2048xf32, #tpu.memory_space<hbm>>
      %dma_start3A_655 = arith.constant 0 : i32
      %dma_start3A_656 = tpu.memref_slice %arg6[%squeeze3A_644, %dma_start3A_655] : memref<30x2048xf32, #tpu.memory_space<vmem>> -> memref<1x2048xf32, #tpu.memory_space<vmem>>
      %dma_start3A_657 = tpu.memref_squeeze %dma_start3A_656 : memref<1x2048xf32, #tpu.memory_space<vmem>> -> memref<2048xf32, #tpu.memory_space<vmem>>
      tpu.enqueue_dma source(%dma_start3A_657 : memref<2048xf32, #tpu.memory_space<vmem>>) target(%dma_start3A_654 : memref<2048xf32, #tpu.memory_space<hbm>>) target_semaphore(%arg7 : memref<!tpu.dma_semaphore, #tpu.memory_space<semaphore_mem>>)
      %dma_wait3A_658 = arith.constant 0 : i32
      %dma_wait3A_659 = arith.constant 0 : i32
      %dma_wait3A_660 = tpu.memref_slice %arg6[%dma_wait3A_658, %dma_wait3A_659] : memref<30x2048xf32, #tpu.memory_space<vmem>> -> memref<1x2048xf32, #tpu.memory_space<vmem>>
      %dma_wait3A_661 = tpu.memref_squeeze %dma_wait3A_660 : memref<1x2048xf32, #tpu.memory_space<vmem>> -> memref<2048xf32, #tpu.memory_space<vmem>>
      %dma_wait3A_662 = arith.constant 0 : i32
      %dma_wait3A_663 = tpu.memref_slice %arg4[%mul3A_2, %dma_wait3A_662] : memref<51200x2048xf32, #tpu.memory_space<hbm>> -> memref<1x2048xf32, #tpu.memory_space<hbm>>
      %dma_wait3A_664 = tpu.memref_squeeze %dma_wait3A_663 : memref<1x2048xf32, #tpu.memory_space<hbm>> -> memref<2048xf32, #tpu.memory_space<hbm>>
      %dma_wait3A_665 = arith.constant 0 : i32
      %dma_wait3A_666 = tpu.memref_slice %arg4[%mul3A_2, %dma_wait3A_665] : memref<51200x2048xf32, #tpu.memory_space<hbm>> -> memref<1x2048xf32, #tpu.memory_space<hbm>>
      %dma_wait3A_667 = tpu.memref_squeeze %dma_wait3A_666 : memref<1x2048xf32, #tpu.memory_space<hbm>> -> memref<2048xf32, #tpu.memory_space<hbm>>
      %dma_wait3A_668 = arith.constant 0 : i32
      %dma_wait3A_669 = tpu.memref_slice %arg6[%dma_wait3A_658, %dma_wait3A_668] : memref<30x2048xf32, #tpu.memory_space<vmem>> -> memref<1x2048xf32, #tpu.memory_space<vmem>>
      %dma_wait3A_670 = tpu.memref_squeeze %dma_wait3A_669 : memref<1x2048xf32, #tpu.memory_space<vmem>> -> memref<2048xf32, #tpu.memory_space<vmem>>
      tpu.wait_dma2 semaphore(%arg7 : memref<!tpu.dma_semaphore, #tpu.memory_space<semaphore_mem>>) src(%dma_wait3A_670 : memref<2048xf32, #tpu.memory_space<vmem>>) dst(%dma_wait3A_667 : memref<2048xf32, #tpu.memory_space<hbm>>)
      %mul3A_671 = arith.constant 16 : i32
      %mul3A_672 = arith.muli %scan3A_269, %mul3A_671 : i32
      %add3A_673 = arith.constant 12 : i32
      %add3A_674 = arith.addi %mul3A_672, %add3A_673 : i32
      %slice3A_675 = vector.extract_strided_slice %get3A_274 {offsets = [12], sizes = [1], strides = [1]} : vector<16xi32> to vector<1xi32>
      %squeeze3A_676 = vector.extract %slice3A_675[0] : i32 from vector<1xi32>
      %add3A_677 = arith.addi %mul3A_2, %add3A_674 : i32
      %dma_start3A_678 = arith.constant 0 : i32
      %dma_start3A_679 = tpu.memref_slice %arg6[%squeeze3A_676, %dma_start3A_678] : memref<30x2048xf32, #tpu.memory_space<vmem>> -> memref<1x2048xf32, #tpu.memory_space<vmem>>
      %dma_start3A_680 = tpu.memref_squeeze %dma_start3A_679 : memref<1x2048xf32, #tpu.memory_space<vmem>> -> memref<2048xf32, #tpu.memory_space<vmem>>
      %dma_start3A_681 = arith.constant 0 : i32
      %dma_start3A_682 = tpu.memref_slice %arg4[%add3A_677, %dma_start3A_681] : memref<51200x2048xf32, #tpu.memory_space<hbm>> -> memref<1x2048xf32, #tpu.memory_space<hbm>>
      %dma_start3A_683 = tpu.memref_squeeze %dma_start3A_682 : memref<1x2048xf32, #tpu.memory_space<hbm>> -> memref<2048xf32, #tpu.memory_space<hbm>>
      %dma_start3A_684 = arith.constant 0 : i32
      %dma_start3A_685 = tpu.memref_slice %arg4[%add3A_677, %dma_start3A_684] : memref<51200x2048xf32, #tpu.memory_space<hbm>> -> memref<1x2048xf32, #tpu.memory_space<hbm>>
      %dma_start3A_686 = tpu.memref_squeeze %dma_start3A_685 : memref<1x2048xf32, #tpu.memory_space<hbm>> -> memref<2048xf32, #tpu.memory_space<hbm>>
      %dma_start3A_687 = arith.constant 0 : i32
      %dma_start3A_688 = tpu.memref_slice %arg6[%squeeze3A_676, %dma_start3A_687] : memref<30x2048xf32, #tpu.memory_space<vmem>> -> memref<1x2048xf32, #tpu.memory_space<vmem>>
      %dma_start3A_689 = tpu.memref_squeeze %dma_start3A_688 : memref<1x2048xf32, #tpu.memory_space<vmem>> -> memref<2048xf32, #tpu.memory_space<vmem>>
      tpu.enqueue_dma source(%dma_start3A_689 : memref<2048xf32, #tpu.memory_space<vmem>>) target(%dma_start3A_686 : memref<2048xf32, #tpu.memory_space<hbm>>) target_semaphore(%arg7 : memref<!tpu.dma_semaphore, #tpu.memory_space<semaphore_mem>>)
      %dma_wait3A_690 = arith.constant 0 : i32
      %dma_wait3A_691 = arith.constant 0 : i32
      %dma_wait3A_692 = tpu.memref_slice %arg6[%dma_wait3A_690, %dma_wait3A_691] : memref<30x2048xf32, #tpu.memory_space<vmem>> -> memref<1x2048xf32, #tpu.memory_space<vmem>>
      %dma_wait3A_693 = tpu.memref_squeeze %dma_wait3A_692 : memref<1x2048xf32, #tpu.memory_space<vmem>> -> memref<2048xf32, #tpu.memory_space<vmem>>
      %dma_wait3A_694 = arith.constant 0 : i32
      %dma_wait3A_695 = tpu.memref_slice %arg4[%mul3A_2, %dma_wait3A_694] : memref<51200x2048xf32, #tpu.memory_space<hbm>> -> memref<1x2048xf32, #tpu.memory_space<hbm>>
      %dma_wait3A_696 = tpu.memref_squeeze %dma_wait3A_695 : memref<1x2048xf32, #tpu.memory_space<hbm>> -> memref<2048xf32, #tpu.memory_space<hbm>>
      %dma_wait3A_697 = arith.constant 0 : i32
      %dma_wait3A_698 = tpu.memref_slice %arg4[%mul3A_2, %dma_wait3A_697] : memref<51200x2048xf32, #tpu.memory_space<hbm>> -> memref<1x2048xf32, #tpu.memory_space<hbm>>
      %dma_wait3A_699 = tpu.memref_squeeze %dma_wait3A_698 : memref<1x2048xf32, #tpu.memory_space<hbm>> -> memref<2048xf32, #tpu.memory_space<hbm>>
      %dma_wait3A_700 = arith.constant 0 : i32
      %dma_wait3A_701 = tpu.memref_slice %arg6[%dma_wait3A_690, %dma_wait3A_700] : memref<30x2048xf32, #tpu.memory_space<vmem>> -> memref<1x2048xf32, #tpu.memory_space<vmem>>
      %dma_wait3A_702 = tpu.memref_squeeze %dma_wait3A_701 : memref<1x2048xf32, #tpu.memory_space<vmem>> -> memref<2048xf32, #tpu.memory_space<vmem>>
      tpu.wait_dma2 semaphore(%arg7 : memref<!tpu.dma_semaphore, #tpu.memory_space<semaphore_mem>>) src(%dma_wait3A_702 : memref<2048xf32, #tpu.memory_space<vmem>>) dst(%dma_wait3A_699 : memref<2048xf32, #tpu.memory_space<hbm>>)
      %mul3A_703 = arith.constant 16 : i32
      %mul3A_704 = arith.muli %scan3A_269, %mul3A_703 : i32
      %add3A_705 = arith.constant 13 : i32
      %add3A_706 = arith.addi %mul3A_704, %add3A_705 : i32
      %slice3A_707 = vector.extract_strided_slice %get3A_274 {offsets = [13], sizes = [1], strides = [1]} : vector<16xi32> to vector<1xi32>
      %squeeze3A_708 = vector.extract %slice3A_707[0] : i32 from vector<1xi32>
      %add3A_709 = arith.addi %mul3A_2, %add3A_706 : i32
      %dma_start3A_710 = arith.constant 0 : i32
      %dma_start3A_711 = tpu.memref_slice %arg6[%squeeze3A_708, %dma_start3A_710] : memref<30x2048xf32, #tpu.memory_space<vmem>> -> memref<1x2048xf32, #tpu.memory_space<vmem>>
      %dma_start3A_712 = tpu.memref_squeeze %dma_start3A_711 : memref<1x2048xf32, #tpu.memory_space<vmem>> -> memref<2048xf32, #tpu.memory_space<vmem>>
      %dma_start3A_713 = arith.constant 0 : i32
      %dma_start3A_714 = tpu.memref_slice %arg4[%add3A_709, %dma_start3A_713] : memref<51200x2048xf32, #tpu.memory_space<hbm>> -> memref<1x2048xf32, #tpu.memory_space<hbm>>
      %dma_start3A_715 = tpu.memref_squeeze %dma_start3A_714 : memref<1x2048xf32, #tpu.memory_space<hbm>> -> memref<2048xf32, #tpu.memory_space<hbm>>
      %dma_start3A_716 = arith.constant 0 : i32
      %dma_start3A_717 = tpu.memref_slice %arg4[%add3A_709, %dma_start3A_716] : memref<51200x2048xf32, #tpu.memory_space<hbm>> -> memref<1x2048xf32, #tpu.memory_space<hbm>>
      %dma_start3A_718 = tpu.memref_squeeze %dma_start3A_717 : memref<1x2048xf32, #tpu.memory_space<hbm>> -> memref<2048xf32, #tpu.memory_space<hbm>>
      %dma_start3A_719 = arith.constant 0 : i32
      %dma_start3A_720 = tpu.memref_slice %arg6[%squeeze3A_708, %dma_start3A_719] : memref<30x2048xf32, #tpu.memory_space<vmem>> -> memref<1x2048xf32, #tpu.memory_space<vmem>>
      %dma_start3A_721 = tpu.memref_squeeze %dma_start3A_720 : memref<1x2048xf32, #tpu.memory_space<vmem>> -> memref<2048xf32, #tpu.memory_space<vmem>>
      tpu.enqueue_dma source(%dma_start3A_721 : memref<2048xf32, #tpu.memory_space<vmem>>) target(%dma_start3A_718 : memref<2048xf32, #tpu.memory_space<hbm>>) target_semaphore(%arg7 : memref<!tpu.dma_semaphore, #tpu.memory_space<semaphore_mem>>)
      %dma_wait3A_722 = arith.constant 0 : i32
      %dma_wait3A_723 = arith.constant 0 : i32
      %dma_wait3A_724 = tpu.memref_slice %arg6[%dma_wait3A_722, %dma_wait3A_723] : memref<30x2048xf32, #tpu.memory_space<vmem>> -> memref<1x2048xf32, #tpu.memory_space<vmem>>
      %dma_wait3A_725 = tpu.memref_squeeze %dma_wait3A_724 : memref<1x2048xf32, #tpu.memory_space<vmem>> -> memref<2048xf32, #tpu.memory_space<vmem>>
      %dma_wait3A_726 = arith.constant 0 : i32
      %dma_wait3A_727 = tpu.memref_slice %arg4[%mul3A_2, %dma_wait3A_726] : memref<51200x2048xf32, #tpu.memory_space<hbm>> -> memref<1x2048xf32, #tpu.memory_space<hbm>>
      %dma_wait3A_728 = tpu.memref_squeeze %dma_wait3A_727 : memref<1x2048xf32, #tpu.memory_space<hbm>> -> memref<2048xf32, #tpu.memory_space<hbm>>
      %dma_wait3A_729 = arith.constant 0 : i32
      %dma_wait3A_730 = tpu.memref_slice %arg4[%mul3A_2, %dma_wait3A_729] : memref<51200x2048xf32, #tpu.memory_space<hbm>> -> memref<1x2048xf32, #tpu.memory_space<hbm>>
      %dma_wait3A_731 = tpu.memref_squeeze %dma_wait3A_730 : memref<1x2048xf32, #tpu.memory_space<hbm>> -> memref<2048xf32, #tpu.memory_space<hbm>>
      %dma_wait3A_732 = arith.constant 0 : i32
      %dma_wait3A_733 = tpu.memref_slice %arg6[%dma_wait3A_722, %dma_wait3A_732] : memref<30x2048xf32, #tpu.memory_space<vmem>> -> memref<1x2048xf32, #tpu.memory_space<vmem>>
      %dma_wait3A_734 = tpu.memref_squeeze %dma_wait3A_733 : memref<1x2048xf32, #tpu.memory_space<vmem>> -> memref<2048xf32, #tpu.memory_space<vmem>>
      tpu.wait_dma2 semaphore(%arg7 : memref<!tpu.dma_semaphore, #tpu.memory_space<semaphore_mem>>) src(%dma_wait3A_734 : memref<2048xf32, #tpu.memory_space<vmem>>) dst(%dma_wait3A_731 : memref<2048xf32, #tpu.memory_space<hbm>>)
      %mul3A_735 = arith.constant 16 : i32
      %mul3A_736 = arith.muli %scan3A_269, %mul3A_735 : i32
      %add3A_737 = arith.constant 14 : i32
      %add3A_738 = arith.addi %mul3A_736, %add3A_737 : i32
      %slice3A_739 = vector.extract_strided_slice %get3A_274 {offsets = [14], sizes = [1], strides = [1]} : vector<16xi32> to vector<1xi32>
      %squeeze3A_740 = vector.extract %slice3A_739[0] : i32 from vector<1xi32>
      %add3A_741 = arith.addi %mul3A_2, %add3A_738 : i32
      %dma_start3A_742 = arith.constant 0 : i32
      %dma_start3A_743 = tpu.memref_slice %arg6[%squeeze3A_740, %dma_start3A_742] : memref<30x2048xf32, #tpu.memory_space<vmem>> -> memref<1x2048xf32, #tpu.memory_space<vmem>>
      %dma_start3A_744 = tpu.memref_squeeze %dma_start3A_743 : memref<1x2048xf32, #tpu.memory_space<vmem>> -> memref<2048xf32, #tpu.memory_space<vmem>>
      %dma_start3A_745 = arith.constant 0 : i32
      %dma_start3A_746 = tpu.memref_slice %arg4[%add3A_741, %dma_start3A_745] : memref<51200x2048xf32, #tpu.memory_space<hbm>> -> memref<1x2048xf32, #tpu.memory_space<hbm>>
      %dma_start3A_747 = tpu.memref_squeeze %dma_start3A_746 : memref<1x2048xf32, #tpu.memory_space<hbm>> -> memref<2048xf32, #tpu.memory_space<hbm>>
      %dma_start3A_748 = arith.constant 0 : i32
      %dma_start3A_749 = tpu.memref_slice %arg4[%add3A_741, %dma_start3A_748] : memref<51200x2048xf32, #tpu.memory_space<hbm>> -> memref<1x2048xf32, #tpu.memory_space<hbm>>
      %dma_start3A_750 = tpu.memref_squeeze %dma_start3A_749 : memref<1x2048xf32, #tpu.memory_space<hbm>> -> memref<2048xf32, #tpu.memory_space<hbm>>
      %dma_start3A_751 = arith.constant 0 : i32
      %dma_start3A_752 = tpu.memref_slice %arg6[%squeeze3A_740, %dma_start3A_751] : memref<30x2048xf32, #tpu.memory_space<vmem>> -> memref<1x2048xf32, #tpu.memory_space<vmem>>
      %dma_start3A_753 = tpu.memref_squeeze %dma_start3A_752 : memref<1x2048xf32, #tpu.memory_space<vmem>> -> memref<2048xf32, #tpu.memory_space<vmem>>
      tpu.enqueue_dma source(%dma_start3A_753 : memref<2048xf32, #tpu.memory_space<vmem>>) target(%dma_start3A_750 : memref<2048xf32, #tpu.memory_space<hbm>>) target_semaphore(%arg7 : memref<!tpu.dma_semaphore, #tpu.memory_space<semaphore_mem>>)
      %dma_wait3A_754 = arith.constant 0 : i32
      %dma_wait3A_755 = arith.constant 0 : i32
      %dma_wait3A_756 = tpu.memref_slice %arg6[%dma_wait3A_754, %dma_wait3A_755] : memref<30x2048xf32, #tpu.memory_space<vmem>> -> memref<1x2048xf32, #tpu.memory_space<vmem>>
      %dma_wait3A_757 = tpu.memref_squeeze %dma_wait3A_756 : memref<1x2048xf32, #tpu.memory_space<vmem>> -> memref<2048xf32, #tpu.memory_space<vmem>>
      %dma_wait3A_758 = arith.constant 0 : i32
      %dma_wait3A_759 = tpu.memref_slice %arg4[%mul3A_2, %dma_wait3A_758] : memref<51200x2048xf32, #tpu.memory_space<hbm>> -> memref<1x2048xf32, #tpu.memory_space<hbm>>
      %dma_wait3A_760 = tpu.memref_squeeze %dma_wait3A_759 : memref<1x2048xf32, #tpu.memory_space<hbm>> -> memref<2048xf32, #tpu.memory_space<hbm>>
      %dma_wait3A_761 = arith.constant 0 : i32
      %dma_wait3A_762 = tpu.memref_slice %arg4[%mul3A_2, %dma_wait3A_761] : memref<51200x2048xf32, #tpu.memory_space<hbm>> -> memref<1x2048xf32, #tpu.memory_space<hbm>>
      %dma_wait3A_763 = tpu.memref_squeeze %dma_wait3A_762 : memref<1x2048xf32, #tpu.memory_space<hbm>> -> memref<2048xf32, #tpu.memory_space<hbm>>
      %dma_wait3A_764 = arith.constant 0 : i32
      %dma_wait3A_765 = tpu.memref_slice %arg6[%dma_wait3A_754, %dma_wait3A_764] : memref<30x2048xf32, #tpu.memory_space<vmem>> -> memref<1x2048xf32, #tpu.memory_space<vmem>>
      %dma_wait3A_766 = tpu.memref_squeeze %dma_wait3A_765 : memref<1x2048xf32, #tpu.memory_space<vmem>> -> memref<2048xf32, #tpu.memory_space<vmem>>
      tpu.wait_dma2 semaphore(%arg7 : memref<!tpu.dma_semaphore, #tpu.memory_space<semaphore_mem>>) src(%dma_wait3A_766 : memref<2048xf32, #tpu.memory_space<vmem>>) dst(%dma_wait3A_763 : memref<2048xf32, #tpu.memory_space<hbm>>)
      %mul3A_767 = arith.constant 16 : i32
      %mul3A_768 = arith.muli %scan3A_269, %mul3A_767 : i32
      %add3A_769 = arith.constant 15 : i32
      %add3A_770 = arith.addi %mul3A_768, %add3A_769 : i32
      %slice3A_771 = vector.extract_strided_slice %get3A_274 {offsets = [15], sizes = [1], strides = [1]} : vector<16xi32> to vector<1xi32>
      %squeeze3A_772 = vector.extract %slice3A_771[0] : i32 from vector<1xi32>
      %add3A_773 = arith.addi %mul3A_2, %add3A_770 : i32
      %dma_start3A_774 = arith.constant 0 : i32
      %dma_start3A_775 = tpu.memref_slice %arg6[%squeeze3A_772, %dma_start3A_774] : memref<30x2048xf32, #tpu.memory_space<vmem>> -> memref<1x2048xf32, #tpu.memory_space<vmem>>
      %dma_start3A_776 = tpu.memref_squeeze %dma_start3A_775 : memref<1x2048xf32, #tpu.memory_space<vmem>> -> memref<2048xf32, #tpu.memory_space<vmem>>
      %dma_start3A_777 = arith.constant 0 : i32
      %dma_start3A_778 = tpu.memref_slice %arg4[%add3A_773, %dma_start3A_777] : memref<51200x2048xf32, #tpu.memory_space<hbm>> -> memref<1x2048xf32, #tpu.memory_space<hbm>>
      %dma_start3A_779 = tpu.memref_squeeze %dma_start3A_778 : memref<1x2048xf32, #tpu.memory_space<hbm>> -> memref<2048xf32, #tpu.memory_space<hbm>>
      %dma_start3A_780 = arith.constant 0 : i32
      %dma_start3A_781 = tpu.memref_slice %arg4[%add3A_773, %dma_start3A_780] : memref<51200x2048xf32, #tpu.memory_space<hbm>> -> memref<1x2048xf32, #tpu.memory_space<hbm>>
      %dma_start3A_782 = tpu.memref_squeeze %dma_start3A_781 : memref<1x2048xf32, #tpu.memory_space<hbm>> -> memref<2048xf32, #tpu.memory_space<hbm>>
      %dma_start3A_783 = arith.constant 0 : i32
      %dma_start3A_784 = tpu.memref_slice %arg6[%squeeze3A_772, %dma_start3A_783] : memref<30x2048xf32, #tpu.memory_space<vmem>> -> memref<1x2048xf32, #tpu.memory_space<vmem>>
      %dma_start3A_785 = tpu.memref_squeeze %dma_start3A_784 : memref<1x2048xf32, #tpu.memory_space<vmem>> -> memref<2048xf32, #tpu.memory_space<vmem>>
      tpu.enqueue_dma source(%dma_start3A_785 : memref<2048xf32, #tpu.memory_space<vmem>>) target(%dma_start3A_782 : memref<2048xf32, #tpu.memory_space<hbm>>) target_semaphore(%arg7 : memref<!tpu.dma_semaphore, #tpu.memory_space<semaphore_mem>>)
    }
    %scan3A_262 = arith.constant 99 : i32
    %scan3A_263 = arith.constant 0 : i32
    %scan3A_264 = arith.constant 0 : i32
    %scan3A_265 = arith.constant 16 : i32
    %scan3A_266 = arith.addi %scan3A_264, %scan3A_265 : i32
    %scan3A_267 = arith.constant 1 : i32
    scf.for %scan3A_269 = %scan3A_264 to %scan3A_266 step %scan3A_267  : i32 {
      %dma_wait3A = arith.constant 0 : i32
      %dma_wait3A_270 = arith.constant 0 : i32
      %dma_wait3A_271 = tpu.memref_slice %arg6[%dma_wait3A, %dma_wait3A_270] : memref<30x2048xf32, #tpu.memory_space<vmem>> -> memref<1x2048xf32, #tpu.memory_space<vmem>>
      %dma_wait3A_272 = tpu.memref_squeeze %dma_wait3A_271 : memref<1x2048xf32, #tpu.memory_space<vmem>> -> memref<2048xf32, #tpu.memory_space<vmem>>
      %dma_wait3A_273 = arith.constant 0 : i32
      %dma_wait3A_274 = tpu.memref_slice %arg4[%mul3A_2, %dma_wait3A_273] : memref<51200x2048xf32, #tpu.memory_space<hbm>> -> memref<1x2048xf32, #tpu.memory_space<hbm>>
      %dma_wait3A_275 = tpu.memref_squeeze %dma_wait3A_274 : memref<1x2048xf32, #tpu.memory_space<hbm>> -> memref<2048xf32, #tpu.memory_space<hbm>>
      %dma_wait3A_276 = arith.constant 0 : i32
      %dma_wait3A_277 = tpu.memref_slice %arg4[%mul3A_2, %dma_wait3A_276] : memref<51200x2048xf32, #tpu.memory_space<hbm>> -> memref<1x2048xf32, #tpu.memory_space<hbm>>
      %dma_wait3A_278 = tpu.memref_squeeze %dma_wait3A_277 : memref<1x2048xf32, #tpu.memory_space<hbm>> -> memref<2048xf32, #tpu.memory_space<hbm>>
      %dma_wait3A_279 = arith.constant 0 : i32
      %dma_wait3A_280 = tpu.memref_slice %arg6[%dma_wait3A, %dma_wait3A_279] : memref<30x2048xf32, #tpu.memory_space<vmem>> -> memref<1x2048xf32, #tpu.memory_space<vmem>>
      %dma_wait3A_281 = tpu.memref_squeeze %dma_wait3A_280 : memref<1x2048xf32, #tpu.memory_space<vmem>> -> memref<2048xf32, #tpu.memory_space<vmem>>
      tpu.wait_dma2 semaphore(%arg7 : memref<!tpu.dma_semaphore, #tpu.memory_space<semaphore_mem>>) src(%dma_wait3A_281 : memref<2048xf32, #tpu.memory_space<vmem>>) dst(%dma_wait3A_278 : memref<2048xf32, #tpu.memory_space<hbm>>)
    }
    %scan3A_268 = arith.constant 16 : i32
    return
  }
}

</mosaic_0001>

<sc_bundles>
// kernel: kernel.3.cloned.1.call-start
scs
__scs_entry_jumppad:
0x0: {  	(pc) =	sbr.rel $0x88, $3  }
0x1: {  	(tag) =	ssettag $0x0;
	lr =	simm.s32 $0x1  }
0x2: {  	[smem:$0x3F9F] =	sst lr;
	_ =	strace $0xD0000000  }
0x3: {  	_ = 	snop  }
0x4: {  	_ = 	snop  }
0x5: {  	_ = 	snop  }
0x6: {  	_ = 	snop  }
0x7: {  	_ = 	snop  }
__scs_overlays_trampoline_lowered:
0x8: {  	[smem:$0x3FAE] =	sst s0  }
0x9: {  	[smem:$0x3FAF] =	sst s1  }
0xa: {  	[smem:$0x3FB0] =	sst s2  }
0xb: {  	[smem:$0x3FB1] =	sst s3  }
0xc: {  	[smem:$0x3FB2] =	sst s4  }
0xd: {  	[smem:$0x3FB3] =	sst s5  }
0xe: {  	[smem:$0x3FB4] =	sst s6  }
0xf: {  	[smem:$0x3FB5] =	sst s7  }
0x10: {  	[smem:$0x3FB6] =	sst s8  }
0x11: {  	[smem:$0x3FB7] =	sst s9;
	s0 =	simm.s32 @!p0 $0x0  }
0x12: {  	s1 =	sld [smem:$0x3F9D];
	s0 =	simm.s32 @p0 $0x1  }
0x13: {  	[smem:$0x3FB8] =	sst s0;
	s0 =	simm.s32 @!p1 $0x0  }
0x14: {  	s2 =	sld [smem:$0x3F9C];
	s0 =	simm.s32 @p1 $0x1  }
0x15: {  	[smem:$0x3FB9] =	sst s0;
	s0 =	simm.s32 @!p2 $0x0  }
0x16: {  	s3 =	sld [smem:$0x3FDB];
	s0 =	simm.s32 @p2 $0x1  }
0x17: {  	s4 =	simm.s32 $0x1BF5;
	[smem:$0x3FBB] =	sst s0  }
0x18: {  	s0 =	sld [smem:$0x3F9E];
	_ =	swait.ge [sflag:s4], $0x0  }
0x19: {  	s7 =	sld [smem:$0x3F9F]  }
0x1a: {  	s8 =	sadd.s32 $0xFFFFE003, lr  }
0x1b: {  	s9 =	sadd.s32 $0xFFFFFEF7, lr;
	s5 =	simm.s32 $0xFFFFFFFF;
	p2 =	slt.u32 s8, $0xFFFFF086  }
0x1c: {  	p1 =	slt.u32 s9, $0xF7A;
	s5 =	simm.s32 @!p2 $0x0  }
0x1d: {  	s5 =	simm.s32 @p1 $0x1;
	p0 =	seq.s32 s7, s2  }
0x1e: {  	s7 =	smul.u32 @!p0 $0xF7A, s2;
	p2 =	seq.s32 @!p0 s5, $0x0  }
0x1f: {  	s9 =	smul.u32 $0xF7A, s1;
	s8 =	simm.s32 @!p0 $0x1BF5;
	p2 =	por !p2, p0  }
0x20: {  	[sflag:s8] =	ssyncset.s32 @!p0 $0xFFFFF086;
	s6 =	sadd.s32 @!p0 s3, s7;
	s7 =	simm.s32 @!p0 $0x108  }
0x21: {  	s3 =	sadd.s32 s3, s9;
	s6 =	sadd.s32 @!p0 $0x88, s6;
	s7 =	simm.s32 @p2 $0x1082  }
0x22: {  	[simem:s7], [sflag:s8] =	dma.local @!p0 [hbm:s6], $0xF7A  }
0x23: {  	s9 =	sor.u32 $0xD0000000, s2;
	s6 =	simm.s32 $0x108;
	_ =	swait.ge @!p0 [sflag:s8], $0x0  }
0x24: {  	s3 =	sadd.s32 $0x88, s3;
	s6 =	simm.s32 @!p1 $0x1082;
	[sflag:s4] =	ssyncset.s32 $0xFFFFF086  }
0x25: {  	[simem:s6], [sflag:s4] =	dma.local [hbm:s3], $0xF7A  }
0x26: {  	[smem:$0x3F9F] =	sst s1;
	(tag) =	ssettag s2;
	_ =	strace s9  }
0x27: {  	s1 =	sld [smem:$0x3FAF]  }
0x28: {  	s2 =	sld [smem:$0x3FB0]  }
0x29: {  	s4 =	sld [smem:$0x3FB2]  }
0x2a: {  	p0 =	seq.s32 s5, $0x0;
	s5 =	sld [smem:$0x3FB3]  }
0x2b: {  	s6 =	sld [smem:$0x3FB4]  }
0x2c: {  	s7 =	sld [smem:$0x3FB5]  }
0x2d: {  	s3 =	simm.s32 $0x108;
	s8 =	sld [smem:$0x3FB6]  }
0x2e: {  	s3 =	simm.s32 @!p0 $0x1082;
	s9 =	sld [smem:$0x3FB7]  }
0x2f: {  	lr =	sadd.s32 s0, s3;
	s0 =	sld [smem:$0x3FAE]  }
0x30: {  	s3 =	sld [smem:$0x3FB1]  }
0x31: {  	[smem:$0x3FBA] =	sst s10  }
0x32: {  	s10 =	sld [smem:$0x3FB8];
	_ =	sdelay $0x3  }
0x33: {  	p0 =	seq.s32 s10, $0x1;
	s10 =	sld [smem:$0x3FBA];
	_ =	sdelay $0x3  }
0x34: {  	[smem:$0x3FBA] =	sst s10  }
0x35: {  	s10 =	sld [smem:$0x3FB9];
	_ =	sdelay $0x3  }
0x36: {  	p1 =	seq.s32 s10, $0x1;
	s10 =	sld [smem:$0x3FBA];
	_ =	sdelay $0x3  }
0x37: {  	[smem:$0x3FBA] =	sst s10  }
0x38: {  	s10 =	sld [smem:$0x3FBB]  }
0x39: {  	_ = 	snop;
	(pc) =	sbr.ind lr, $3  }
0x3a: {  	_ = 	snop  }
0x3b: {  	_ = 	snop  }
0x3c: {  	p2 =	seq.s32 s10, $0x1;
	s10 =	sld [smem:$0x3FBA]  }
0x3d: {  	_ =	shalt  }
0x3e: {  	_ =	shalt  }
0x3f: {  	_ =	shalt  }
0x40: {  	_ =	shalt  }
0x41: {  	_ =	shalt  }
0x42: {  	_ =	shalt  }
0x43: {  	_ =	shalt  }
0x44: {  	_ =	shalt  }
0x45: {  	_ =	shalt  }
0x46: {  	_ =	shalt  }
0x47: {  	_ =	shalt  }
0x48: {  	_ =	shalt  }
0x49: {  	_ =	shalt  }
0x4a: {  	_ =	shalt  }
0x4b: {  	_ =	shalt  }
0x4c: {  	_ =	shalt  }
0x4d: {  	_ =	shalt  }
0x4e: {  	_ =	shalt  }
0x4f: {  	_ =	shalt  }
0x50: {  	_ =	shalt  }
0x51: {  	_ =	shalt  }
0x52: {  	_ =	shalt  }
0x53: {  	_ =	shalt  }
0x54: {  	_ =	shalt  }
0x55: {  	_ =	shalt  }
0x56: {  	_ =	shalt  }
0x57: {  	_ =	shalt  }
0x58: {  	_ =	shalt  }
0x59: {  	_ =	shalt  }
0x5a: {  	_ =	shalt  }
0x5b: {  	_ =	shalt  }
0x5c: {  	_ =	shalt  }
0x5d: {  	_ =	shalt  }
0x5e: {  	_ =	shalt  }
0x5f: {  	_ =	shalt  }
0x60: {  	_ =	shalt  }
0x61: {  	_ =	shalt  }
0x62: {  	_ =	shalt  }
0x63: {  	_ =	shalt  }
0x64: {  	_ =	shalt  }
0x65: {  	_ =	shalt  }
0x66: {  	_ =	shalt  }
0x67: {  	_ =	shalt  }
0x68: {  	_ =	shalt  }
0x69: {  	_ =	shalt  }
0x6a: {  	_ =	shalt  }
0x6b: {  	_ =	shalt  }
0x6c: {  	_ =	shalt  }
0x6d: {  	_ =	shalt  }
0x6e: {  	_ =	shalt  }
0x6f: {  	_ =	shalt  }
0x70: {  	_ =	shalt  }
0x71: {  	_ =	shalt  }
0x72: {  	_ =	shalt  }
0x73: {  	_ =	shalt  }
0x74: {  	_ =	shalt  }
0x75: {  	_ =	shalt  }
0x76: {  	_ =	shalt  }
0x77: {  	_ =	shalt  }
0x78: {  	_ =	shalt  }
0x79: {  	_ =	shalt  }
0x7a: {  	_ =	shalt  }
0x7b: {  	_ =	shalt  }
0x7c: {  	_ =	shalt  }
0x7d: {  	_ =	shalt  }
0x7e: {  	_ =	shalt  }
0x7f: {  	_ =	shalt  }
0x80: {  	_ =	shalt  }
0x81: {  	_ =	shalt  }
0x82: {  	_ =	shalt  }
0x83: {  	_ =	shalt  }
0x84: {  	_ =	shalt  }
0x85: {  	_ =	shalt  }
0x86: {  	_ =	shalt  }
0x87: {  	_ =	shalt  }
.Lfunc_end0:
.L_simem_size_0:
called_computation_lowered:
.L_overlay_start_0:
0x88: {  	s2 =	sld [smem:$0x3FD9]  }
0x89: {  	s3 =	sld [smem:$0x3FFE];
	_ =	sdelay $0x1  }
0x8a: {  	s1 =	srdreg.scid  }
0x8b: {  	s0 =	sand.u32 $0x1, s1  }
0x8c: {  	s17 =	sshll.u32 s0, $0xA;
	s2 =	sadd.s32 s3, s2  }
0x8d: {  	s2 =	sadd.s32 s2, s17  }
0x8e: {  	[smem:$0x3FC6] =	sst s2  }
0x8f: {  	_ = 	snop  }
0x90: {  	s2 =	sld [smem:$0x3FC8]  }
0x91: {  	s18 =	sld [smem:$0x3FD0];
	(tm) =	ssettm $0x1  }
0x92: {  	s4 =	sld [smem:$0x3FFB];
	_ =	sdelay $0x3  }
0x93: {  	_ =	strace s4  }
0x94: {  	s4 =	sld [smem:$0x3FFC];
	_ =	sdelay $0x3  }
0x95: {  	_ =	strace s4  }
0x96: {  	s4 =	sld [smem:$0x3FFD];
	_ =	sdelay $0x3  }
0x97: {  	_ =	strace s4  }
0x98: {  	_ =	strace $0x8FFFFFFF  }
0x99: {  	s19 =	sld [smem:$0x3FDB];
	_ =	sdelay $0x1  }
0x9a: {  	s5 =	simm.s32 $_scs_section_size  }
0x9b: {  	s6 =	simm.s32 $_size__tile_overlayer_lowered;
	s7 =	simm.s32 $_tile_overlayer_lowered  }
0x9c: {  	s22 =	simm.s32 $0x1BFF;
	s21 =	sshll.u32 s7, $0x1;
	s4 =	sadd.s32 s5, s19  }
0x9d: {  	s8 =	simm.s32 $0x0;
	s20 =	sshll.u32 s6, $0x1;
	s6 =	sadd.s32 s21, s4  }
0x9e: {  	[timem:s8], [sflag:s22] =	dma.local [hbm:s6], s20  }
0x9f: {  	_ =	swait.ge [sflag:s22], s20  }
0xa0: {  	s5 =	ssub.s32 $0x0, s20;
	[sflag:s22] =	ssyncset.done $0x0  }
0xa1: {  	[sflag:s22] =	ssyncadd.s32 s5;
	_ =	sdelay $0x1  }
0xa2: {  	s23 =	simm.s32 $0x1B8B  }
0xa3: {  	_ =	swait.ge [sflag:s23], $0x1  }
0xa4: {  	[sflag:s23] =	ssyncset.done $0x0  }
0xa5: {  	s25 =	simm.s32 $0x1B8E;
	s24 =	sld [smem:$0x3FFE];
	[sflag:s23] =	ssyncadd.s32 $0xFFFFFFFF  }
0xa6: {  	s26 =	simm.s32 $execute0_lowered;
	[smem:$0x3FD2] =	sst s25  }
0xa7: {  	s6 =	sshll.u32 s26, $0x1;
	_ =	strace $0x80000046;
	[dreg:$0x1] =	wrdreg $0xFFFFFFFF  }
0xa8: {  	s28 =	simm.s32 $_size_execute0_lowered;
	s4 =	sadd.s32 s4, s6;
	[dreg:$0x0] =	wrdreg $0x0  }
0xa9: {  	s6 =	sshll.u32 s28, $0x1;
	[dreg:$0x2] =	wrdreg s4  }
0xaa: {  	[dreg:$0x3] =	wrdreg s6  }
0xab: {  	[dreg:$0x4] =	wrdreg $0xC0  }
0xac: {  	_ =	task [dreg:s8], $0x5FFFF  }
0xad: {  	[dreg:$0x1] =	wrdreg $0xFFFFFFFF  }
0xae: {  	[dreg:$0x0] =	wrdreg $0x60  }
0xaf: {  	[dreg:$0x2] =	wrdreg s24  }
0xb0: {  	[dreg:$0x3] =	wrdreg s2  }
0xb1: {  	[dreg:$0x4] =	wrdreg s18  }
0xb2: {  	[dreg:$0x5] =	wrdreg $0x9  }
0xb3: {  	_ =	task.clear_ibuf [dreg:s8], $0x6FFFF;
	_ =	strace $0x90000046  }
0xb4: {  	s29 =	simm.s32 $0x9;
	_ =	strace $0x80000048  }
0xb5: {  	_ =	swait.ge [sflag:s29], $0x1  }
0xb6: {  	[sflag:s29] =	ssyncadd.s32 $0xFFFFFFFF  }
0xb7: {  	_ =	strace $0x90000048  }
0xb8: {  	_ =	sfence  }
0xb9: {  	s30 =	sld [smem:$0x0];
	_ =	sdelay $0x2  }
0xba: {  	s31 =	sshll.u32 s1, $0xD;
	s1 =	sshrl.u32 s1, $0x2  }
0xbb: {  	s3 =	sand.u32 $0x4000, s31;
	s1 =	sadd.s32 s1, s30  }
0xbc: {  	s0 =	sor.u32 s3, s0;
	s1 =	sshll.u32 s1, $0x11  }
0xbd: {  	s0 =	sor.u32 s1, s0  }
0xbe: {  	s0 =	sadd.s32 $0x8F2B, s0  }
0xbf: {  	[sflag:s0] =	ssyncadd.remote.s32 $0x1  }
0xc0: {  	_ =	sfence.sel $0xFFFF  }
0xc1: {  	[dreg:$0x0] =	wrdreg $0xFFFFFFFF;
	(pc) =	sbr.abs _section_cstart, $3  }
0xc2: {  	[dreg:$0x1] =	wrdreg $0xFFFFFFFF  }
0xc3: {  	_ =	task.clear_ibuf [dreg:s8], $0x2FFFF;
	_ =	strace $0x9FFFFFFF  }
0xc4: {  	(tm) =	ssettm $0x7FFFFFFF  }
0xc5: {  	_ =	shalt  }
tec
execute0_lowered:
.L_overlay_start_1:
0x0: {  	(tag) =	ssettag $0x1  }
0x1: {  	s4 =	rddreg [dreg:$0x0];
	s1 =	srdreg.scid  }
0x2: {  	s0 =	stileid.u32;
	s2 =	rddreg [dreg:$0x1]  }
0x3: {  	s18 =	rddreg [dreg:$0x2];
	s3 =	simm.s32 $0x0;
	s24 =	simm.s32 $0x1  }
0x4: {  	s9 =	sand.u32 $0x1, s1;
	s31 =	sshll.u32 s0, $0x1;
	s14 =	smul.u32 $0xC80, s0  }
0x5: {  	s25 =	simm.s32 $0x0;
	s5 =	sor.u32 s9, s31;
	s15 =	smul.u32 $0x640, s9  }
0x6: {  	[smem:$0x7FF] =	sst s3;
	s7 =	ssub.s32 $0x2, s9;
	s6 =	smul.u32 $0x640, s5  }
0x7: {  	_ =	strace $0x80000047;
	s5 =	smul.u32 $0x64000, s5;
	s8 =	sshrl.u32 s7, $0x1  }
0x8: {  	s21 =	ssub.s32 s7, s8;
	s16 =	sadd.s32 s15, s14;
	s6 =	sshrl.u32 s6, $0x3  }
0x9: {  	s19 =	sshll.u32 s16, $0x8;
	s21 =	smax.u32 s21, $0x1;
	s6 =	sadd.s32 s6, s4  }
0xa: {  	s4 =	sadd.s32 s18, s5;
	s22 =	sadd.s32 s19, s18;
	s5 =	sadd.s32 $0x400, s6  }
0xb: {  	s6 =	sadd.s32 $0x10, s4;
	s7 =	sadd.s32 $0x20, s4;
	s8 =	sadd.s32 $0x30, s4  }
0xc: {  	s9 =	sadd.s32 $0x40, s4;
	s10 =	sadd.s32 $0x50, s4;
	s11 =	sadd.s32 $0x60, s4  }
0xd: {  	s12 =	sadd.s32 $0x70, s4;
	s13 =	sadd.s32 $0x800, s4;
	s14 =	sadd.s32 $0x810, s4  }
0xe: {  	s15 =	sadd.s32 $0x820, s4;
	s16 =	sadd.s32 $0x830, s4;
	s17 =	sadd.s32 $0x840, s4  }
0xf: {  	s18 =	sadd.s32 $0x850, s4;
	s19 =	sadd.s32 $0x860, s4;
	s23 =	sadd.s32 $0x1800, s22  }
0x10: {  	s20 =	sadd.s32 $0x870, s4;
	s22 =	sadd.s32 $0x1000, s22;
	[dreg:$0x5] =	wrdreg s23  }
0x11: {  	[dreg:$0x4] =	wrdreg s22;
	s22 =	simm.s32 $0x2;
	s23 =	simm.s32 $0x680  }
.LBB2_1:
0x12: {  	[tilespmem:s3], [sflag:$0x2] =	stream.linear.gather [hbm4b:s5+s3], $0x640, $0x38;
	[tilespmem:$0x10680] =	vst v63  }
0x13: {  	_ =	swait.ge [sflag:s22], $0x640  }
0x14: {  	[sflag:s22] =	ssyncset.done $0x0  }
0x15: {  	[sflag:s22] =	ssyncadd.s32 $0xFFFFF9C0  }
0x16: {  	[tilespmem:s23], [sflag:$0x2] =	stream.linear.gather [hbm4b:s2+s3], $0x10000, $0x38;
	[tilespmem:$0x10680] =	vst v63  }
0x17: {  	_ =	swait.ge [sflag:s22], $0x10000  }
0x18: {  	[sflag:s22] =	ssyncset.done $0x0  }
0x19: {  	[sflag:s22] =	ssyncadd.s32 $0xFFFF0000  }
0x1a: {  	v0 =	vld [tilespmem:$0x0];
	_ =	sdelay $0x4  }
0x1b: {  	(v2sf) =	vpush v0, $0x0;
	_ =	sdelay $0xe  }
0x1c: {  	s26 =	spop (v2sf)  }
0x1d: {  	s28 =	sshll.u32 s26, $0xB;
	s26 =	sshll.u32 s26, $0x7  }
0x1e: {  	s28 =	sand.u32 $0xFFFFC000, s28;
	s26 =	sand.u32 $0x380, s26  }
0x1f: {  	s26 =	sor.u32 s26, s28  }
0x20: {  	s28 =	sadd.s32 $0x680, s26  }
0x21: {  	[hbm4b:s4+s3] =	stream.linear.scatter [tilespmem:s28], [sflag:$0x1], $0x80, $0x38;
	[tilespmem:$0x10680] =	vst v63  }
0x22: {  	s29 =	sadd.s32 $0x80, s4;
	s28 =	sadd.s32 $0xA80, s26  }
0x23: {  	[hbm4b:s29+s3] =	stream.linear.scatter [tilespmem:s28], [sflag:$0x1], $0x80, $0x38;
	[tilespmem:$0x10680] =	vst v63  }
0x24: {  	s1 =	sadd.s32 $0x100, s4;
	s28 =	sadd.s32 $0xE80, s26  }
0x25: {  	[hbm4b:s1+s3] =	stream.linear.scatter [tilespmem:s28], [sflag:$0x1], $0x80, $0x38;
	[tilespmem:$0x10680] =	vst v63  }
0x26: {  	s30 =	sadd.s32 $0x180, s4;
	s28 =	sadd.s32 $0x1280, s26  }
0x27: {  	[hbm4b:s30+s3] =	stream.linear.scatter [tilespmem:s28], [sflag:$0x1], $0x80, $0x38;
	[tilespmem:$0x10680] =	vst v63  }
0x28: {  	s31 =	sadd.s32 $0x200, s4;
	s28 =	sadd.s32 $0x1680, s26  }
0x29: {  	[hbm4b:s31+s3] =	stream.linear.scatter [tilespmem:s28], [sflag:$0x1], $0x80, $0x38;
	[tilespmem:$0x10680] =	vst v63  }
0x2a: {  	s1 =	sadd.s32 $0x280, s4;
	s28 =	sadd.s32 $0x1A80, s26  }
0x2b: {  	[hbm4b:s1+s3] =	stream.linear.scatter [tilespmem:s28], [sflag:$0x1], $0x80, $0x38;
	[tilespmem:$0x10680] =	vst v63  }
0x2c: {  	s30 =	sadd.s32 $0x300, s4;
	s28 =	sadd.s32 $0x1E80, s26  }
0x2d: {  	[hbm4b:s30+s3] =	stream.linear.scatter [tilespmem:s28], [sflag:$0x1], $0x80, $0x38;
	[tilespmem:$0x10680] =	vst v63  }
0x2e: {  	s31 =	sadd.s32 $0x380, s4;
	s28 =	sadd.s32 $0x2280, s26  }
0x2f: {  	(v2sf) =	vpush v0, $0x1;
	[hbm4b:s31+s3] =	stream.linear.scatter [tilespmem:s28], [sflag:$0x1], $0x80, $0x38;
	[tilespmem:$0x10680] =	vst v63  }
0x30: {  	s1 =	sadd.s32 $0x400, s4;
	s28 =	sadd.s32 $0x2680, s26  }
0x31: {  	[hbm4b:s1+s3] =	stream.linear.scatter [tilespmem:s28], [sflag:$0x1], $0x80, $0x38;
	[tilespmem:$0x10680] =	vst v63  }
0x32: {  	s30 =	sadd.s32 $0x480, s4;
	s28 =	sadd.s32 $0x2A80, s26  }
0x33: {  	[hbm4b:s30+s3] =	stream.linear.scatter [tilespmem:s28], [sflag:$0x1], $0x80, $0x38;
	[tilespmem:$0x10680] =	vst v63  }
0x34: {  	s31 =	sadd.s32 $0x500, s4;
	s28 =	sadd.s32 $0x2E80, s26  }
0x35: {  	[hbm4b:s31+s3] =	stream.linear.scatter [tilespmem:s28], [sflag:$0x1], $0x80, $0x38;
	[tilespmem:$0x10680] =	vst v63  }
0x36: {  	s1 =	sadd.s32 $0x580, s4;
	s28 =	sadd.s32 $0x3280, s26  }
0x37: {  	[hbm4b:s1+s3] =	stream.linear.scatter [tilespmem:s28], [sflag:$0x1], $0x80, $0x38;
	[tilespmem:$0x10680] =	vst v63  }
0x38: {  	s30 =	sadd.s32 $0x600, s4;
	s28 =	sadd.s32 $0x3680, s26  }
0x39: {  	[hbm4b:s30+s3] =	stream.linear.scatter [tilespmem:s28], [sflag:$0x1], $0x80, $0x38;
	[tilespmem:$0x10680] =	vst v63  }
0x3a: {  	s31 =	sadd.s32 $0x680, s4;
	s28 =	sadd.s32 $0x3A80, s26  }
0x3b: {  	[hbm4b:s31+s3] =	stream.linear.scatter [tilespmem:s28], [sflag:$0x1], $0x80, $0x38;
	[tilespmem:$0x10680] =	vst v63  }
0x3c: {  	s1 =	sadd.s32 $0x700, s4;
	s28 =	sadd.s32 $0x3E80, s26  }
0x3d: {  	[hbm4b:s1+s3] =	stream.linear.scatter [tilespmem:s28], [sflag:$0x1], $0x80, $0x38;
	[tilespmem:$0x10680] =	vst v63  }
0x3e: {  	s30 =	spop (v2sf);
	s26 =	sadd.s32 $0x4280, s26;
	s28 =	sadd.s32 $0x780, s4  }
0x3f: {  	[hbm4b:s28+s3] =	stream.linear.scatter [tilespmem:s26], [sflag:$0x1], $0x80, $0x38;
	[tilespmem:$0x10680] =	vst v63  }
0x40: {  	s28 =	sshll.u32 s30, $0xB;
	s26 =	sshll.u32 s30, $0x7  }
0x41: {  	s28 =	sand.u32 $0xFFFFC000, s28;
	s26 =	sand.u32 $0x380, s26  }
0x42: {  	s26 =	sor.u32 s26, s28  }
0x43: {  	s28 =	sadd.s32 $0x680, s26  }
0x44: {  	[hbm4b:s6+s3] =	stream.linear.scatter [tilespmem:s28], [sflag:$0x1], $0x80, $0x38;
	[tilespmem:$0x10680] =	vst v63  }
0x45: {  	s31 =	sadd.s32 $0x80, s6;
	s28 =	sadd.s32 $0xA80, s26  }
0x46: {  	[hbm4b:s31+s3] =	stream.linear.scatter [tilespmem:s28], [sflag:$0x1], $0x80, $0x38;
	[tilespmem:$0x10680] =	vst v63  }
0x47: {  	s1 =	sadd.s32 $0x100, s6;
	s28 =	sadd.s32 $0xE80, s26  }
0x48: {  	[hbm4b:s1+s3] =	stream.linear.scatter [tilespmem:s28], [sflag:$0x1], $0x80, $0x38;
	[tilespmem:$0x10680] =	vst v63  }
0x49: {  	s30 =	sadd.s32 $0x180, s6;
	s28 =	sadd.s32 $0x1280, s26  }
0x4a: {  	[hbm4b:s30+s3] =	stream.linear.scatter [tilespmem:s28], [sflag:$0x1], $0x80, $0x38;
	[tilespmem:$0x10680] =	vst v63  }
0x4b: {  	s31 =	sadd.s32 $0x200, s6;
	s28 =	sadd.s32 $0x1680, s26  }
0x4c: {  	[hbm4b:s31+s3] =	stream.linear.scatter [tilespmem:s28], [sflag:$0x1], $0x80, $0x38;
	[tilespmem:$0x10680] =	vst v63  }
0x4d: {  	s1 =	sadd.s32 $0x280, s6;
	s28 =	sadd.s32 $0x1A80, s26  }
0x4e: {  	[hbm4b:s1+s3] =	stream.linear.scatter [tilespmem:s28], [sflag:$0x1], $0x80, $0x38;
	[tilespmem:$0x10680] =	vst v63  }
0x4f: {  	s30 =	sadd.s32 $0x300, s6;
	s28 =	sadd.s32 $0x1E80, s26  }
0x50: {  	[hbm4b:s30+s3] =	stream.linear.scatter [tilespmem:s28], [sflag:$0x1], $0x80, $0x38;
	[tilespmem:$0x10680] =	vst v63  }
0x51: {  	s31 =	sadd.s32 $0x380, s6;
	s28 =	sadd.s32 $0x2280, s26  }
0x52: {  	(v2sf) =	vpush v0, $0x2;
	[hbm4b:s31+s3] =	stream.linear.scatter [tilespmem:s28], [sflag:$0x1], $0x80, $0x38;
	[tilespmem:$0x10680] =	vst v63  }
0x53: {  	s1 =	sadd.s32 $0x400, s6;
	s28 =	sadd.s32 $0x2680, s26  }
0x54: {  	[hbm4b:s1+s3] =	stream.linear.scatter [tilespmem:s28], [sflag:$0x1], $0x80, $0x38;
	[tilespmem:$0x10680] =	vst v63  }
0x55: {  	s30 =	sadd.s32 $0x480, s6;
	s28 =	sadd.s32 $0x2A80, s26  }
0x56: {  	[hbm4b:s30+s3] =	stream.linear.scatter [tilespmem:s28], [sflag:$0x1], $0x80, $0x38;
	[tilespmem:$0x10680] =	vst v63  }
0x57: {  	s31 =	sadd.s32 $0x500, s6;
	s28 =	sadd.s32 $0x2E80, s26  }
0x58: {  	[hbm4b:s31+s3] =	stream.linear.scatter [tilespmem:s28], [sflag:$0x1], $0x80, $0x38;
	[tilespmem:$0x10680] =	vst v63  }
0x59: {  	s1 =	sadd.s32 $0x580, s6;
	s28 =	sadd.s32 $0x3280, s26  }
0x5a: {  	[hbm4b:s1+s3] =	stream.linear.scatter [tilespmem:s28], [sflag:$0x1], $0x80, $0x38;
	[tilespmem:$0x10680] =	vst v63  }
0x5b: {  	s30 =	sadd.s32 $0x600, s6;
	s28 =	sadd.s32 $0x3680, s26  }
0x5c: {  	[hbm4b:s30+s3] =	stream.linear.scatter [tilespmem:s28], [sflag:$0x1], $0x80, $0x38;
	[tilespmem:$0x10680] =	vst v63  }
0x5d: {  	s31 =	sadd.s32 $0x680, s6;
	s28 =	sadd.s32 $0x3A80, s26  }
0x5e: {  	[hbm4b:s31+s3] =	stream.linear.scatter [tilespmem:s28], [sflag:$0x1], $0x80, $0x38;
	[tilespmem:$0x10680] =	vst v63  }
0x5f: {  	s1 =	sadd.s32 $0x700, s6;
	s28 =	sadd.s32 $0x3E80, s26  }
0x60: {  	[hbm4b:s1+s3] =	stream.linear.scatter [tilespmem:s28], [sflag:$0x1], $0x80, $0x38;
	[tilespmem:$0x10680] =	vst v63  }
0x61: {  	s30 =	spop (v2sf);
	s26 =	sadd.s32 $0x4280, s26;
	s28 =	sadd.s32 $0x780, s6  }
0x62: {  	[hbm4b:s28+s3] =	stream.linear.scatter [tilespmem:s26], [sflag:$0x1], $0x80, $0x38;
	[tilespmem:$0x10680] =	vst v63  }
0x63: {  	s28 =	sshll.u32 s30, $0xB;
	s26 =	sshll.u32 s30, $0x7  }
0x64: {  	s28 =	sand.u32 $0xFFFFC000, s28;
	s26 =	sand.u32 $0x380, s26  }
0x65: {  	s26 =	sor.u32 s26, s28  }
0x66: {  	s28 =	sadd.s32 $0x680, s26  }
0x67: {  	[hbm4b:s7+s3] =	stream.linear.scatter [tilespmem:s28], [sflag:$0x1], $0x80, $0x38;
	[tilespmem:$0x10680] =	vst v63  }
0x68: {  	s31 =	sadd.s32 $0x80, s7;
	s28 =	sadd.s32 $0xA80, s26  }
0x69: {  	[hbm4b:s31+s3] =	stream.linear.scatter [tilespmem:s28], [sflag:$0x1], $0x80, $0x38;
	[tilespmem:$0x10680] =	vst v63  }
0x6a: {  	s1 =	sadd.s32 $0x100, s7;
	s28 =	sadd.s32 $0xE80, s26  }
0x6b: {  	[hbm4b:s1+s3] =	stream.linear.scatter [tilespmem:s28], [sflag:$0x1], $0x80, $0x38;
	[tilespmem:$0x10680] =	vst v63  }
0x6c: {  	s30 =	sadd.s32 $0x180, s7;
	s28 =	sadd.s32 $0x1280, s26  }
0x6d: {  	[hbm4b:s30+s3] =	stream.linear.scatter [tilespmem:s28], [sflag:$0x1], $0x80, $0x38;
	[tilespmem:$0x10680] =	vst v63  }
0x6e: {  	s31 =	sadd.s32 $0x200, s7;
	s28 =	sadd.s32 $0x1680, s26  }
0x6f: {  	[hbm4b:s31+s3] =	stream.linear.scatter [tilespmem:s28], [sflag:$0x1], $0x80, $0x38;
	[tilespmem:$0x10680] =	vst v63  }
0x70: {  	s1 =	sadd.s32 $0x280, s7;
	s28 =	sadd.s32 $0x1A80, s26  }
0x71: {  	[hbm4b:s1+s3] =	stream.linear.scatter [tilespmem:s28], [sflag:$0x1], $0x80, $0x38;
	[tilespmem:$0x10680] =	vst v63  }
0x72: {  	s30 =	sadd.s32 $0x300, s7;
	s28 =	sadd.s32 $0x1E80, s26  }
0x73: {  	[hbm4b:s30+s3] =	stream.linear.scatter [tilespmem:s28], [sflag:$0x1], $0x80, $0x38;
	[tilespmem:$0x10680] =	vst v63  }
0x74: {  	s31 =	sadd.s32 $0x380, s7;
	s28 =	sadd.s32 $0x2280, s26  }
0x75: {  	(v2sf) =	vpush v0, $0x3;
	[hbm4b:s31+s3] =	stream.linear.scatter [tilespmem:s28], [sflag:$0x1], $0x80, $0x38;
	[tilespmem:$0x10680] =	vst v63  }
0x76: {  	s1 =	sadd.s32 $0x400, s7;
	s28 =	sadd.s32 $0x2680, s26  }
0x77: {  	[hbm4b:s1+s3] =	stream.linear.scatter [tilespmem:s28], [sflag:$0x1], $0x80, $0x38;
	[tilespmem:$0x10680] =	vst v63  }
0x78: {  	s30 =	sadd.s32 $0x480, s7;
	s28 =	sadd.s32 $0x2A80, s26  }
0x79: {  	[hbm4b:s30+s3] =	stream.linear.scatter [tilespmem:s28], [sflag:$0x1], $0x80, $0x38;
	[tilespmem:$0x10680] =	vst v63  }
0x7a: {  	s31 =	sadd.s32 $0x500, s7;
	s28 =	sadd.s32 $0x2E80, s26  }
0x7b: {  	[hbm4b:s31+s3] =	stream.linear.scatter [tilespmem:s28], [sflag:$0x1], $0x80, $0x38;
	[tilespmem:$0x10680] =	vst v63  }
0x7c: {  	s1 =	sadd.s32 $0x580, s7;
	s28 =	sadd.s32 $0x3280, s26  }
0x7d: {  	[hbm4b:s1+s3] =	stream.linear.scatter [tilespmem:s28], [sflag:$0x1], $0x80, $0x38;
	[tilespmem:$0x10680] =	vst v63  }
0x7e: {  	s30 =	sadd.s32 $0x600, s7;
	s28 =	sadd.s32 $0x3680, s26  }
0x7f: {  	[hbm4b:s30+s3] =	stream.linear.scatter [tilespmem:s28], [sflag:$0x1], $0x80, $0x38;
	[tilespmem:$0x10680] =	vst v63  }
0x80: {  	s31 =	sadd.s32 $0x680, s7;
	s28 =	sadd.s32 $0x3A80, s26  }
0x81: {  	[hbm4b:s31+s3] =	stream.linear.scatter [tilespmem:s28], [sflag:$0x1], $0x80, $0x38;
	[tilespmem:$0x10680] =	vst v63  }
0x82: {  	s1 =	sadd.s32 $0x700, s7;
	s28 =	sadd.s32 $0x3E80, s26  }
0x83: {  	[hbm4b:s1+s3] =	stream.linear.scatter [tilespmem:s28], [sflag:$0x1], $0x80, $0x38;
	[tilespmem:$0x10680] =	vst v63  }
0x84: {  	s30 =	spop (v2sf);
	s26 =	sadd.s32 $0x4280, s26;
	s28 =	sadd.s32 $0x780, s7  }
0x85: {  	[hbm4b:s28+s3] =	stream.linear.scatter [tilespmem:s26], [sflag:$0x1], $0x80, $0x38;
	[tilespmem:$0x10680] =	vst v63  }
0x86: {  	s28 =	sshll.u32 s30, $0xB;
	s26 =	sshll.u32 s30, $0x7  }
0x87: {  	s28 =	sand.u32 $0xFFFFC000, s28;
	s26 =	sand.u32 $0x380, s26  }
0x88: {  	s26 =	sor.u32 s26, s28  }
0x89: {  	s28 =	sadd.s32 $0x680, s26  }
0x8a: {  	[hbm4b:s8+s3] =	stream.linear.scatter [tilespmem:s28], [sflag:$0x1], $0x80, $0x38;
	[tilespmem:$0x10680] =	vst v63  }
0x8b: {  	s31 =	sadd.s32 $0x80, s8;
	s28 =	sadd.s32 $0xA80, s26  }
0x8c: {  	[hbm4b:s31+s3] =	stream.linear.scatter [tilespmem:s28], [sflag:$0x1], $0x80, $0x38;
	[tilespmem:$0x10680] =	vst v63  }
0x8d: {  	s1 =	sadd.s32 $0x100, s8;
	s28 =	sadd.s32 $0xE80, s26  }
0x8e: {  	[hbm4b:s1+s3] =	stream.linear.scatter [tilespmem:s28], [sflag:$0x1], $0x80, $0x38;
	[tilespmem:$0x10680] =	vst v63  }
0x8f: {  	s30 =	sadd.s32 $0x180, s8;
	s28 =	sadd.s32 $0x1280, s26  }
0x90: {  	[hbm4b:s30+s3] =	stream.linear.scatter [tilespmem:s28], [sflag:$0x1], $0x80, $0x38;
	[tilespmem:$0x10680] =	vst v63  }
0x91: {  	s31 =	sadd.s32 $0x200, s8;
	s28 =	sadd.s32 $0x1680, s26  }
0x92: {  	[hbm4b:s31+s3] =	stream.linear.scatter [tilespmem:s28], [sflag:$0x1], $0x80, $0x38;
	[tilespmem:$0x10680] =	vst v63  }
0x93: {  	s1 =	sadd.s32 $0x280, s8;
	s28 =	sadd.s32 $0x1A80, s26  }
0x94: {  	[hbm4b:s1+s3] =	stream.linear.scatter [tilespmem:s28], [sflag:$0x1], $0x80, $0x38;
	[tilespmem:$0x10680] =	vst v63  }
0x95: {  	s30 =	sadd.s32 $0x300, s8;
	s28 =	sadd.s32 $0x1E80, s26  }
0x96: {  	[hbm4b:s30+s3] =	stream.linear.scatter [tilespmem:s28], [sflag:$0x1], $0x80, $0x38;
	[tilespmem:$0x10680] =	vst v63  }
0x97: {  	s31 =	sadd.s32 $0x380, s8;
	s28 =	sadd.s32 $0x2280, s26  }
0x98: {  	(v2sf) =	vpush v0, $0x4;
	[hbm4b:s31+s3] =	stream.linear.scatter [tilespmem:s28], [sflag:$0x1], $0x80, $0x38;
	[tilespmem:$0x10680] =	vst v63  }
0x99: {  	s1 =	sadd.s32 $0x400, s8;
	s28 =	sadd.s32 $0x2680, s26  }
0x9a: {  	[hbm4b:s1+s3] =	stream.linear.scatter [tilespmem:s28], [sflag:$0x1], $0x80, $0x38;
	[tilespmem:$0x10680] =	vst v63  }
0x9b: {  	s30 =	sadd.s32 $0x480, s8;
	s28 =	sadd.s32 $0x2A80, s26  }
0x9c: {  	[hbm4b:s30+s3] =	stream.linear.scatter [tilespmem:s28], [sflag:$0x1], $0x80, $0x38;
	[tilespmem:$0x10680] =	vst v63  }
0x9d: {  	s31 =	sadd.s32 $0x500, s8;
	s28 =	sadd.s32 $0x2E80, s26  }
0x9e: {  	[hbm4b:s31+s3] =	stream.linear.scatter [tilespmem:s28], [sflag:$0x1], $0x80, $0x38;
	[tilespmem:$0x10680] =	vst v63  }
0x9f: {  	s1 =	sadd.s32 $0x580, s8;
	s28 =	sadd.s32 $0x3280, s26  }
0xa0: {  	[hbm4b:s1+s3] =	stream.linear.scatter [tilespmem:s28], [sflag:$0x1], $0x80, $0x38;
	[tilespmem:$0x10680] =	vst v63  }
0xa1: {  	s30 =	sadd.s32 $0x600, s8;
	s28 =	sadd.s32 $0x3680, s26  }
0xa2: {  	[hbm4b:s30+s3] =	stream.linear.scatter [tilespmem:s28], [sflag:$0x1], $0x80, $0x38;
	[tilespmem:$0x10680] =	vst v63  }
0xa3: {  	s31 =	sadd.s32 $0x680, s8;
	s28 =	sadd.s32 $0x3A80, s26  }
0xa4: {  	[hbm4b:s31+s3] =	stream.linear.scatter [tilespmem:s28], [sflag:$0x1], $0x80, $0x38;
	[tilespmem:$0x10680] =	vst v63  }
0xa5: {  	s1 =	sadd.s32 $0x700, s8;
	s28 =	sadd.s32 $0x3E80, s26  }
0xa6: {  	[hbm4b:s1+s3] =	stream.linear.scatter [tilespmem:s28], [sflag:$0x1], $0x80, $0x38;
	[tilespmem:$0x10680] =	vst v63  }
0xa7: {  	s30 =	spop (v2sf);
	s26 =	sadd.s32 $0x4280, s26;
	s28 =	sadd.s32 $0x780, s8  }
0xa8: {  	[hbm4b:s28+s3] =	stream.linear.scatter [tilespmem:s26], [sflag:$0x1], $0x80, $0x38;
	[tilespmem:$0x10680] =	vst v63  }
0xa9: {  	s28 =	sshll.u32 s30, $0xB;
	s26 =	sshll.u32 s30, $0x7  }
0xaa: {  	s28 =	sand.u32 $0xFFFFC000, s28;
	s26 =	sand.u32 $0x380, s26  }
0xab: {  	s26 =	sor.u32 s26, s28  }
0xac: {  	s28 =	sadd.s32 $0x680, s26  }
0xad: {  	[hbm4b:s9+s3] =	stream.linear.scatter [tilespmem:s28], [sflag:$0x1], $0x80, $0x38;
	[tilespmem:$0x10680] =	vst v63  }
0xae: {  	s31 =	sadd.s32 $0x80, s9;
	s28 =	sadd.s32 $0xA80, s26  }
0xaf: {  	[hbm4b:s31+s3] =	stream.linear.scatter [tilespmem:s28], [sflag:$0x1], $0x80, $0x38;
	[tilespmem:$0x10680] =	vst v63  }
0xb0: {  	s1 =	sadd.s32 $0x100, s9;
	s28 =	sadd.s32 $0xE80, s26  }
0xb1: {  	[hbm4b:s1+s3] =	stream.linear.scatter [tilespmem:s28], [sflag:$0x1], $0x80, $0x38;
	[tilespmem:$0x10680] =	vst v63  }
0xb2: {  	s30 =	sadd.s32 $0x180, s9;
	s28 =	sadd.s32 $0x1280, s26  }
0xb3: {  	[hbm4b:s30+s3] =	stream.linear.scatter [tilespmem:s28], [sflag:$0x1], $0x80, $0x38;
	[tilespmem:$0x10680] =	vst v63  }
0xb4: {  	s31 =	sadd.s32 $0x200, s9;
	s28 =	sadd.s32 $0x1680, s26  }
0xb5: {  	[hbm4b:s31+s3] =	stream.linear.scatter [tilespmem:s28], [sflag:$0x1], $0x80, $0x38;
	[tilespmem:$0x10680] =	vst v63  }
0xb6: {  	s1 =	sadd.s32 $0x280, s9;
	s28 =	sadd.s32 $0x1A80, s26  }
0xb7: {  	[hbm4b:s1+s3] =	stream.linear.scatter [tilespmem:s28], [sflag:$0x1], $0x80, $0x38;
	[tilespmem:$0x10680] =	vst v63  }
0xb8: {  	s30 =	sadd.s32 $0x300, s9;
	s28 =	sadd.s32 $0x1E80, s26  }
0xb9: {  	[hbm4b:s30+s3] =	stream.linear.scatter [tilespmem:s28], [sflag:$0x1], $0x80, $0x38;
	[tilespmem:$0x10680] =	vst v63  }
0xba: {  	s31 =	sadd.s32 $0x380, s9;
	s28 =	sadd.s32 $0x2280, s26  }
0xbb: {  	(v2sf) =	vpush v0, $0x5;
	[hbm4b:s31+s3] =	stream.linear.scatter [tilespmem:s28], [sflag:$0x1], $0x80, $0x38;
	[tilespmem:$0x10680] =	vst v63  }
0xbc: {  	s1 =	sadd.s32 $0x400, s9;
	s28 =	sadd.s32 $0x2680, s26  }
0xbd: {  	[hbm4b:s1+s3] =	stream.linear.scatter [tilespmem:s28], [sflag:$0x1], $0x80, $0x38;
	[tilespmem:$0x10680] =	vst v63  }
0xbe: {  	s30 =	sadd.s32 $0x480, s9;
	s28 =	sadd.s32 $0x2A80, s26  }
0xbf: {  	[hbm4b:s30+s3] =	stream.linear.scatter [tilespmem:s28], [sflag:$0x1], $0x80, $0x38;
	[tilespmem:$0x10680] =	vst v63  }
0xc0: {  	s31 =	sadd.s32 $0x500, s9;
	s28 =	sadd.s32 $0x2E80, s26  }
0xc1: {  	[hbm4b:s31+s3] =	stream.linear.scatter [tilespmem:s28], [sflag:$0x1], $0x80, $0x38;
	[tilespmem:$0x10680] =	vst v63  }
0xc2: {  	s1 =	sadd.s32 $0x580, s9;
	s28 =	sadd.s32 $0x3280, s26  }
0xc3: {  	[hbm4b:s1+s3] =	stream.linear.scatter [tilespmem:s28], [sflag:$0x1], $0x80, $0x38;
	[tilespmem:$0x10680] =	vst v63  }
0xc4: {  	s30 =	sadd.s32 $0x600, s9;
	s28 =	sadd.s32 $0x3680, s26  }
0xc5: {  	[hbm4b:s30+s3] =	stream.linear.scatter [tilespmem:s28], [sflag:$0x1], $0x80, $0x38;
	[tilespmem:$0x10680] =	vst v63  }
0xc6: {  	s31 =	sadd.s32 $0x680, s9;
	s28 =	sadd.s32 $0x3A80, s26  }
0xc7: {  	[hbm4b:s31+s3] =	stream.linear.scatter [tilespmem:s28], [sflag:$0x1], $0x80, $0x38;
	[tilespmem:$0x10680] =	vst v63  }
0xc8: {  	s1 =	sadd.s32 $0x700, s9;
	s28 =	sadd.s32 $0x3E80, s26  }
0xc9: {  	[hbm4b:s1+s3] =	stream.linear.scatter [tilespmem:s28], [sflag:$0x1], $0x80, $0x38;
	[tilespmem:$0x10680] =	vst v63  }
0xca: {  	s30 =	spop (v2sf);
	s26 =	sadd.s32 $0x4280, s26;
	s28 =	sadd.s32 $0x780, s9  }
0xcb: {  	[hbm4b:s28+s3] =	stream.linear.scatter [tilespmem:s26], [sflag:$0x1], $0x80, $0x38;
	[tilespmem:$0x10680] =	vst v63  }
0xcc: {  	s28 =	sshll.u32 s30, $0xB;
	s26 =	sshll.u32 s30, $0x7  }
0xcd: {  	s28 =	sand.u32 $0xFFFFC000, s28;
	s26 =	sand.u32 $0x380, s26  }
0xce: {  	s26 =	sor.u32 s26, s28  }
0xcf: {  	s28 =	sadd.s32 $0x680, s26  }
0xd0: {  	[hbm4b:s10+s3] =	stream.linear.scatter [tilespmem:s28], [sflag:$0x1], $0x80, $0x38;
	[tilespmem:$0x10680] =	vst v63  }
0xd1: {  	s31 =	sadd.s32 $0x80, s10;
	s28 =	sadd.s32 $0xA80, s26  }
0xd2: {  	[hbm4b:s31+s3] =	stream.linear.scatter [tilespmem:s28], [sflag:$0x1], $0x80, $0x38;
	[tilespmem:$0x10680] =	vst v63  }
0xd3: {  	s1 =	sadd.s32 $0x100, s10;
	s28 =	sadd.s32 $0xE80, s26  }
0xd4: {  	[hbm4b:s1+s3] =	stream.linear.scatter [tilespmem:s28], [sflag:$0x1], $0x80, $0x38;
	[tilespmem:$0x10680] =	vst v63  }
0xd5: {  	s30 =	sadd.s32 $0x180, s10;
	s28 =	sadd.s32 $0x1280, s26  }
0xd6: {  	[hbm4b:s30+s3] =	stream.linear.scatter [tilespmem:s28], [sflag:$0x1], $0x80, $0x38;
	[tilespmem:$0x10680] =	vst v63  }
0xd7: {  	s31 =	sadd.s32 $0x200, s10;
	s28 =	sadd.s32 $0x1680, s26  }
0xd8: {  	[hbm4b:s31+s3] =	stream.linear.scatter [tilespmem:s28], [sflag:$0x1], $0x80, $0x38;
	[tilespmem:$0x10680] =	vst v63  }
0xd9: {  	s1 =	sadd.s32 $0x280, s10;
	s28 =	sadd.s32 $0x1A80, s26  }
0xda: {  	[hbm4b:s1+s3] =	stream.linear.scatter [tilespmem:s28], [sflag:$0x1], $0x80, $0x38;
	[tilespmem:$0x10680] =	vst v63  }
0xdb: {  	s30 =	sadd.s32 $0x300, s10;
	s28 =	sadd.s32 $0x1E80, s26  }
0xdc: {  	[hbm4b:s30+s3] =	stream.linear.scatter [tilespmem:s28], [sflag:$0x1], $0x80, $0x38;
	[tilespmem:$0x10680] =	vst v63  }
0xdd: {  	s31 =	sadd.s32 $0x380, s10;
	s28 =	sadd.s32 $0x2280, s26  }
0xde: {  	(v2sf) =	vpush v0, $0x6;
	[hbm4b:s31+s3] =	stream.linear.scatter [tilespmem:s28], [sflag:$0x1], $0x80, $0x38;
	[tilespmem:$0x10680] =	vst v63  }
0xdf: {  	s1 =	sadd.s32 $0x400, s10;
	s28 =	sadd.s32 $0x2680, s26  }
0xe0: {  	[hbm4b:s1+s3] =	stream.linear.scatter [tilespmem:s28], [sflag:$0x1], $0x80, $0x38;
	[tilespmem:$0x10680] =	vst v63  }
0xe1: {  	s30 =	sadd.s32 $0x480, s10;
	s28 =	sadd.s32 $0x2A80, s26  }
0xe2: {  	[hbm4b:s30+s3] =	stream.linear.scatter [tilespmem:s28], [sflag:$0x1], $0x80, $0x38;
	[tilespmem:$0x10680] =	vst v63  }
0xe3: {  	s31 =	sadd.s32 $0x500, s10;
	s28 =	sadd.s32 $0x2E80, s26  }
0xe4: {  	[hbm4b:s31+s3] =	stream.linear.scatter [tilespmem:s28], [sflag:$0x1], $0x80, $0x38;
	[tilespmem:$0x10680] =	vst v63  }
0xe5: {  	s1 =	sadd.s32 $0x580, s10;
	s28 =	sadd.s32 $0x3280, s26  }
0xe6: {  	[hbm4b:s1+s3] =	stream.linear.scatter [tilespmem:s28], [sflag:$0x1], $0x80, $0x38;
	[tilespmem:$0x10680] =	vst v63  }
0xe7: {  	s30 =	sadd.s32 $0x600, s10;
	s28 =	sadd.s32 $0x3680, s26  }
0xe8: {  	[hbm4b:s30+s3] =	stream.linear.scatter [tilespmem:s28], [sflag:$0x1], $0x80, $0x38;
	[tilespmem:$0x10680] =	vst v63  }
0xe9: {  	s31 =	sadd.s32 $0x680, s10;
	s28 =	sadd.s32 $0x3A80, s26  }
0xea: {  	[hbm4b:s31+s3] =	stream.linear.scatter [tilespmem:s28], [sflag:$0x1], $0x80, $0x38;
	[tilespmem:$0x10680] =	vst v63  }
0xeb: {  	s1 =	sadd.s32 $0x700, s10;
	s28 =	sadd.s32 $0x3E80, s26  }
0xec: {  	[hbm4b:s1+s3] =	stream.linear.scatter [tilespmem:s28], [sflag:$0x1], $0x80, $0x38;
	[tilespmem:$0x10680] =	vst v63  }
0xed: {  	s30 =	spop (v2sf);
	s26 =	sadd.s32 $0x4280, s26;
	s28 =	sadd.s32 $0x780, s10  }
0xee: {  	[hbm4b:s28+s3] =	stream.linear.scatter [tilespmem:s26], [sflag:$0x1], $0x80, $0x38;
	[tilespmem:$0x10680] =	vst v63  }
0xef: {  	s28 =	sshll.u32 s30, $0xB;
	s26 =	sshll.u32 s30, $0x7  }
0xf0: {  	s28 =	sand.u32 $0xFFFFC000, s28;
	s26 =	sand.u32 $0x380, s26  }
0xf1: {  	s26 =	sor.u32 s26, s28  }
0xf2: {  	s28 =	sadd.s32 $0x680, s26  }
0xf3: {  	[hbm4b:s11+s3] =	stream.linear.scatter [tilespmem:s28], [sflag:$0x1], $0x80, $0x38;
	[tilespmem:$0x10680] =	vst v63  }
0xf4: {  	s31 =	sadd.s32 $0x80, s11;
	s28 =	sadd.s32 $0xA80, s26  }
0xf5: {  	[hbm4b:s31+s3] =	stream.linear.scatter [tilespmem:s28], [sflag:$0x1], $0x80, $0x38;
	[tilespmem:$0x10680] =	vst v63  }
0xf6: {  	s1 =	sadd.s32 $0x100, s11;
	s28 =	sadd.s32 $0xE80, s26  }
0xf7: {  	[hbm4b:s1+s3] =	stream.linear.scatter [tilespmem:s28], [sflag:$0x1], $0x80, $0x38;
	[tilespmem:$0x10680] =	vst v63  }
0xf8: {  	s30 =	sadd.s32 $0x180, s11;
	s28 =	sadd.s32 $0x1280, s26  }
0xf9: {  	[hbm4b:s30+s3] =	stream.linear.scatter [tilespmem:s28], [sflag:$0x1], $0x80, $0x38;
	[tilespmem:$0x10680] =	vst v63  }
0xfa: {  	s31 =	sadd.s32 $0x200, s11;
	s28 =	sadd.s32 $0x1680, s26  }
0xfb: {  	[hbm4b:s31+s3] =	stream.linear.scatter [tilespmem:s28], [sflag:$0x1], $0x80, $0x38;
	[tilespmem:$0x10680] =	vst v63  }
0xfc: {  	s1 =	sadd.s32 $0x280, s11;
	s28 =	sadd.s32 $0x1A80, s26  }
0xfd: {  	[hbm4b:s1+s3] =	stream.linear.scatter [tilespmem:s28], [sflag:$0x1], $0x80, $0x38;
	[tilespmem:$0x10680] =	vst v63  }
0xfe: {  	s30 =	sadd.s32 $0x300, s11;
	s28 =	sadd.s32 $0x1E80, s26  }
0xff: {  	[hbm4b:s30+s3] =	stream.linear.scatter [tilespmem:s28], [sflag:$0x1], $0x80, $0x38;
	[tilespmem:$0x10680] =	vst v63  }
0x100: {  	s31 =	sadd.s32 $0x380, s11;
	s28 =	sadd.s32 $0x2280, s26  }
0x101: {  	(v2sf) =	vpush v0, $0x7;
	[hbm4b:s31+s3] =	stream.linear.scatter [tilespmem:s28], [sflag:$0x1], $0x80, $0x38;
	[tilespmem:$0x10680] =	vst v63  }
0x102: {  	s1 =	sadd.s32 $0x400, s11;
	s28 =	sadd.s32 $0x2680, s26  }
0x103: {  	[hbm4b:s1+s3] =	stream.linear.scatter [tilespmem:s28], [sflag:$0x1], $0x80, $0x38;
	[tilespmem:$0x10680] =	vst v63  }
0x104: {  	s30 =	sadd.s32 $0x480, s11;
	s28 =	sadd.s32 $0x2A80, s26  }
0x105: {  	[hbm4b:s30+s3] =	stream.linear.scatter [tilespmem:s28], [sflag:$0x1], $0x80, $0x38;
	[tilespmem:$0x10680] =	vst v63  }
0x106: {  	s31 =	sadd.s32 $0x500, s11;
	s28 =	sadd.s32 $0x2E80, s26  }
0x107: {  	[hbm4b:s31+s3] =	stream.linear.scatter [tilespmem:s28], [sflag:$0x1], $0x80, $0x38;
	[tilespmem:$0x10680] =	vst v63  }
0x108: {  	s1 =	sadd.s32 $0x580, s11;
	s28 =	sadd.s32 $0x3280, s26  }
0x109: {  	[hbm4b:s1+s3] =	stream.linear.scatter [tilespmem:s28], [sflag:$0x1], $0x80, $0x38;
	[tilespmem:$0x10680] =	vst v63  }
0x10a: {  	s30 =	sadd.s32 $0x600, s11;
	s28 =	sadd.s32 $0x3680, s26  }
0x10b: {  	[hbm4b:s30+s3] =	stream.linear.scatter [tilespmem:s28], [sflag:$0x1], $0x80, $0x38;
	[tilespmem:$0x10680] =	vst v63  }
0x10c: {  	s31 =	sadd.s32 $0x680, s11;
	s28 =	sadd.s32 $0x3A80, s26  }
0x10d: {  	[hbm4b:s31+s3] =	stream.linear.scatter [tilespmem:s28], [sflag:$0x1], $0x80, $0x38;
	[tilespmem:$0x10680] =	vst v63  }
0x10e: {  	s1 =	sadd.s32 $0x700, s11;
	s28 =	sadd.s32 $0x3E80, s26  }
0x10f: {  	[hbm4b:s1+s3] =	stream.linear.scatter [tilespmem:s28], [sflag:$0x1], $0x80, $0x38;
	[tilespmem:$0x10680] =	vst v63  }
0x110: {  	s30 =	spop (v2sf);
	s26 =	sadd.s32 $0x4280, s26;
	s28 =	sadd.s32 $0x780, s11  }
0x111: {  	[hbm4b:s28+s3] =	stream.linear.scatter [tilespmem:s26], [sflag:$0x1], $0x80, $0x38;
	[tilespmem:$0x10680] =	vst v63  }
0x112: {  	s28 =	sshll.u32 s30, $0xB;
	s26 =	sshll.u32 s30, $0x7  }
0x113: {  	s28 =	sand.u32 $0xFFFFC000, s28;
	s26 =	sand.u32 $0x380, s26  }
0x114: {  	s26 =	sor.u32 s26, s28  }
0x115: {  	s28 =	sadd.s32 $0x680, s26  }
0x116: {  	[hbm4b:s12+s3] =	stream.linear.scatter [tilespmem:s28], [sflag:$0x1], $0x80, $0x38;
	[tilespmem:$0x10680] =	vst v63  }
0x117: {  	s31 =	sadd.s32 $0x80, s12;
	s28 =	sadd.s32 $0xA80, s26  }
0x118: {  	[hbm4b:s31+s3] =	stream.linear.scatter [tilespmem:s28], [sflag:$0x1], $0x80, $0x38;
	[tilespmem:$0x10680] =	vst v63  }
0x119: {  	s1 =	sadd.s32 $0x100, s12;
	s28 =	sadd.s32 $0xE80, s26  }
0x11a: {  	[hbm4b:s1+s3] =	stream.linear.scatter [tilespmem:s28], [sflag:$0x1], $0x80, $0x38;
	[tilespmem:$0x10680] =	vst v63  }
0x11b: {  	s30 =	sadd.s32 $0x180, s12;
	s28 =	sadd.s32 $0x1280, s26  }
0x11c: {  	[hbm4b:s30+s3] =	stream.linear.scatter [tilespmem:s28], [sflag:$0x1], $0x80, $0x38;
	[tilespmem:$0x10680] =	vst v63  }
0x11d: {  	s31 =	sadd.s32 $0x200, s12;
	s28 =	sadd.s32 $0x1680, s26  }
0x11e: {  	[hbm4b:s31+s3] =	stream.linear.scatter [tilespmem:s28], [sflag:$0x1], $0x80, $0x38;
	[tilespmem:$0x10680] =	vst v63  }
0x11f: {  	s1 =	sadd.s32 $0x280, s12;
	s28 =	sadd.s32 $0x1A80, s26  }
0x120: {  	[hbm4b:s1+s3] =	stream.linear.scatter [tilespmem:s28], [sflag:$0x1], $0x80, $0x38;
	[tilespmem:$0x10680] =	vst v63  }
0x121: {  	s30 =	sadd.s32 $0x300, s12;
	s28 =	sadd.s32 $0x1E80, s26  }
0x122: {  	[hbm4b:s30+s3] =	stream.linear.scatter [tilespmem:s28], [sflag:$0x1], $0x80, $0x38;
	[tilespmem:$0x10680] =	vst v63  }
0x123: {  	s31 =	sadd.s32 $0x380, s12;
	s28 =	sadd.s32 $0x2280, s26  }
0x124: {  	(v2sf) =	vpush v0, $0x8;
	[hbm4b:s31+s3] =	stream.linear.scatter [tilespmem:s28], [sflag:$0x1], $0x80, $0x38;
	[tilespmem:$0x10680] =	vst v63  }
0x125: {  	s1 =	sadd.s32 $0x400, s12;
	s28 =	sadd.s32 $0x2680, s26  }
0x126: {  	[hbm4b:s1+s3] =	stream.linear.scatter [tilespmem:s28], [sflag:$0x1], $0x80, $0x38;
	[tilespmem:$0x10680] =	vst v63  }
0x127: {  	s30 =	sadd.s32 $0x480, s12;
	s28 =	sadd.s32 $0x2A80, s26  }
0x128: {  	[hbm4b:s30+s3] =	stream.linear.scatter [tilespmem:s28], [sflag:$0x1], $0x80, $0x38;
	[tilespmem:$0x10680] =	vst v63  }
0x129: {  	s31 =	sadd.s32 $0x500, s12;
	s28 =	sadd.s32 $0x2E80, s26  }
0x12a: {  	[hbm4b:s31+s3] =	stream.linear.scatter [tilespmem:s28], [sflag:$0x1], $0x80, $0x38;
	[tilespmem:$0x10680] =	vst v63  }
0x12b: {  	s1 =	sadd.s32 $0x580, s12;
	s28 =	sadd.s32 $0x3280, s26  }
0x12c: {  	[hbm4b:s1+s3] =	stream.linear.scatter [tilespmem:s28], [sflag:$0x1], $0x80, $0x38;
	[tilespmem:$0x10680] =	vst v63  }
0x12d: {  	s30 =	sadd.s32 $0x600, s12;
	s28 =	sadd.s32 $0x3680, s26  }
0x12e: {  	[hbm4b:s30+s3] =	stream.linear.scatter [tilespmem:s28], [sflag:$0x1], $0x80, $0x38;
	[tilespmem:$0x10680] =	vst v63  }
0x12f: {  	s31 =	sadd.s32 $0x680, s12;
	s28 =	sadd.s32 $0x3A80, s26  }
0x130: {  	[hbm4b:s31+s3] =	stream.linear.scatter [tilespmem:s28], [sflag:$0x1], $0x80, $0x38;
	[tilespmem:$0x10680] =	vst v63  }
0x131: {  	s1 =	sadd.s32 $0x700, s12;
	s28 =	sadd.s32 $0x3E80, s26  }
0x132: {  	[hbm4b:s1+s3] =	stream.linear.scatter [tilespmem:s28], [sflag:$0x1], $0x80, $0x38;
	[tilespmem:$0x10680] =	vst v63  }
0x133: {  	s30 =	spop (v2sf);
	s26 =	sadd.s32 $0x4280, s26;
	s28 =	sadd.s32 $0x780, s12  }
0x134: {  	[hbm4b:s28+s3] =	stream.linear.scatter [tilespmem:s26], [sflag:$0x1], $0x80, $0x38;
	[tilespmem:$0x10680] =	vst v63  }
0x135: {  	s28 =	sshll.u32 s30, $0xB;
	s26 =	sshll.u32 s30, $0x7  }
0x136: {  	s28 =	sand.u32 $0xFFFFC000, s28;
	s26 =	sand.u32 $0x380, s26  }
0x137: {  	s26 =	sor.u32 s26, s28  }
0x138: {  	s28 =	sadd.s32 $0x680, s26  }
0x139: {  	[hbm4b:s13+s3] =	stream.linear.scatter [tilespmem:s28], [sflag:$0x1], $0x80, $0x38;
	[tilespmem:$0x10680] =	vst v63  }
0x13a: {  	s31 =	sadd.s32 $0x80, s13;
	s28 =	sadd.s32 $0xA80, s26  }
0x13b: {  	[hbm4b:s31+s3] =	stream.linear.scatter [tilespmem:s28], [sflag:$0x1], $0x80, $0x38;
	[tilespmem:$0x10680] =	vst v63  }
0x13c: {  	s1 =	sadd.s32 $0x100, s13;
	s28 =	sadd.s32 $0xE80, s26  }
0x13d: {  	[hbm4b:s1+s3] =	stream.linear.scatter [tilespmem:s28], [sflag:$0x1], $0x80, $0x38;
	[tilespmem:$0x10680] =	vst v63  }
0x13e: {  	s30 =	sadd.s32 $0x180, s13;
	s28 =	sadd.s32 $0x1280, s26  }
0x13f: {  	[hbm4b:s30+s3] =	stream.linear.scatter [tilespmem:s28], [sflag:$0x1], $0x80, $0x38;
	[tilespmem:$0x10680] =	vst v63  }
0x140: {  	s31 =	sadd.s32 $0x200, s13;
	s28 =	sadd.s32 $0x1680, s26  }
0x141: {  	[hbm4b:s31+s3] =	stream.linear.scatter [tilespmem:s28], [sflag:$0x1], $0x80, $0x38;
	[tilespmem:$0x10680] =	vst v63  }
0x142: {  	s1 =	sadd.s32 $0x280, s13;
	s28 =	sadd.s32 $0x1A80, s26  }
0x143: {  	[hbm4b:s1+s3] =	stream.linear.scatter [tilespmem:s28], [sflag:$0x1], $0x80, $0x38;
	[tilespmem:$0x10680] =	vst v63  }
0x144: {  	s30 =	sadd.s32 $0x300, s13;
	s28 =	sadd.s32 $0x1E80, s26  }
0x145: {  	[hbm4b:s30+s3] =	stream.linear.scatter [tilespmem:s28], [sflag:$0x1], $0x80, $0x38;
	[tilespmem:$0x10680] =	vst v63  }
0x146: {  	s31 =	sadd.s32 $0x380, s13;
	s28 =	sadd.s32 $0x2280, s26  }
0x147: {  	(v2sf) =	vpush v0, $0x9;
	[hbm4b:s31+s3] =	stream.linear.scatter [tilespmem:s28], [sflag:$0x1], $0x80, $0x38;
	[tilespmem:$0x10680] =	vst v63  }
0x148: {  	s1 =	sadd.s32 $0x400, s13;
	s28 =	sadd.s32 $0x2680, s26  }
0x149: {  	[hbm4b:s1+s3] =	stream.linear.scatter [tilespmem:s28], [sflag:$0x1], $0x80, $0x38;
	[tilespmem:$0x10680] =	vst v63  }
0x14a: {  	s30 =	sadd.s32 $0x480, s13;
	s28 =	sadd.s32 $0x2A80, s26  }
0x14b: {  	[hbm4b:s30+s3] =	stream.linear.scatter [tilespmem:s28], [sflag:$0x1], $0x80, $0x38;
	[tilespmem:$0x10680] =	vst v63  }
0x14c: {  	s31 =	sadd.s32 $0x500, s13;
	s28 =	sadd.s32 $0x2E80, s26  }
0x14d: {  	[hbm4b:s31+s3] =	stream.linear.scatter [tilespmem:s28], [sflag:$0x1], $0x80, $0x38;
	[tilespmem:$0x10680] =	vst v63  }
0x14e: {  	s1 =	sadd.s32 $0x580, s13;
	s28 =	sadd.s32 $0x3280, s26  }
0x14f: {  	[hbm4b:s1+s3] =	stream.linear.scatter [tilespmem:s28], [sflag:$0x1], $0x80, $0x38;
	[tilespmem:$0x10680] =	vst v63  }
0x150: {  	s30 =	sadd.s32 $0x600, s13;
	s28 =	sadd.s32 $0x3680, s26  }
0x151: {  	[hbm4b:s30+s3] =	stream.linear.scatter [tilespmem:s28], [sflag:$0x1], $0x80, $0x38;
	[tilespmem:$0x10680] =	vst v63  }
0x152: {  	s31 =	sadd.s32 $0x680, s13;
	s28 =	sadd.s32 $0x3A80, s26  }
0x153: {  	[hbm4b:s31+s3] =	stream.linear.scatter [tilespmem:s28], [sflag:$0x1], $0x80, $0x38;
	[tilespmem:$0x10680] =	vst v63  }
0x154: {  	s1 =	sadd.s32 $0x700, s13;
	s28 =	sadd.s32 $0x3E80, s26  }
0x155: {  	[hbm4b:s1+s3] =	stream.linear.scatter [tilespmem:s28], [sflag:$0x1], $0x80, $0x38;
	[tilespmem:$0x10680] =	vst v63  }
0x156: {  	s30 =	spop (v2sf);
	s26 =	sadd.s32 $0x4280, s26;
	s28 =	sadd.s32 $0x780, s13  }
0x157: {  	[hbm4b:s28+s3] =	stream.linear.scatter [tilespmem:s26], [sflag:$0x1], $0x80, $0x38;
	[tilespmem:$0x10680] =	vst v63  }
0x158: {  	s28 =	sshll.u32 s30, $0xB;
	s26 =	sshll.u32 s30, $0x7  }
0x159: {  	s28 =	sand.u32 $0xFFFFC000, s28;
	s26 =	sand.u32 $0x380, s26  }
0x15a: {  	s26 =	sor.u32 s26, s28  }
0x15b: {  	s28 =	sadd.s32 $0x680, s26  }
0x15c: {  	[hbm4b:s14+s3] =	stream.linear.scatter [tilespmem:s28], [sflag:$0x1], $0x80, $0x38;
	[tilespmem:$0x10680] =	vst v63  }
0x15d: {  	s31 =	sadd.s32 $0x80, s14;
	s28 =	sadd.s32 $0xA80, s26  }
0x15e: {  	[hbm4b:s31+s3] =	stream.linear.scatter [tilespmem:s28], [sflag:$0x1], $0x80, $0x38;
	[tilespmem:$0x10680] =	vst v63  }
0x15f: {  	s1 =	sadd.s32 $0x100, s14;
	s28 =	sadd.s32 $0xE80, s26  }
0x160: {  	[hbm4b:s1+s3] =	stream.linear.scatter [tilespmem:s28], [sflag:$0x1], $0x80, $0x38;
	[tilespmem:$0x10680] =	vst v63  }
0x161: {  	s30 =	sadd.s32 $0x180, s14;
	s28 =	sadd.s32 $0x1280, s26  }
0x162: {  	[hbm4b:s30+s3] =	stream.linear.scatter [tilespmem:s28], [sflag:$0x1], $0x80, $0x38;
	[tilespmem:$0x10680] =	vst v63  }
0x163: {  	s31 =	sadd.s32 $0x200, s14;
	s28 =	sadd.s32 $0x1680, s26  }
0x164: {  	[hbm4b:s31+s3] =	stream.linear.scatter [tilespmem:s28], [sflag:$0x1], $0x80, $0x38;
	[tilespmem:$0x10680] =	vst v63  }
0x165: {  	s1 =	sadd.s32 $0x280, s14;
	s28 =	sadd.s32 $0x1A80, s26  }
0x166: {  	[hbm4b:s1+s3] =	stream.linear.scatter [tilespmem:s28], [sflag:$0x1], $0x80, $0x38;
	[tilespmem:$0x10680] =	vst v63  }
0x167: {  	s30 =	sadd.s32 $0x300, s14;
	s28 =	sadd.s32 $0x1E80, s26  }
0x168: {  	[hbm4b:s30+s3] =	stream.linear.scatter [tilespmem:s28], [sflag:$0x1], $0x80, $0x38;
	[tilespmem:$0x10680] =	vst v63  }
0x169: {  	s31 =	sadd.s32 $0x380, s14;
	s28 =	sadd.s32 $0x2280, s26  }
0x16a: {  	(v2sf) =	vpush v0, $0xA;
	[hbm4b:s31+s3] =	stream.linear.scatter [tilespmem:s28], [sflag:$0x1], $0x80, $0x38;
	[tilespmem:$0x10680] =	vst v63  }
0x16b: {  	s1 =	sadd.s32 $0x400, s14;
	s28 =	sadd.s32 $0x2680, s26  }
0x16c: {  	[hbm4b:s1+s3] =	stream.linear.scatter [tilespmem:s28], [sflag:$0x1], $0x80, $0x38;
	[tilespmem:$0x10680] =	vst v63  }
0x16d: {  	s30 =	sadd.s32 $0x480, s14;
	s28 =	sadd.s32 $0x2A80, s26  }
0x16e: {  	[hbm4b:s30+s3] =	stream.linear.scatter [tilespmem:s28], [sflag:$0x1], $0x80, $0x38;
	[tilespmem:$0x10680] =	vst v63  }
0x16f: {  	s31 =	sadd.s32 $0x500, s14;
	s28 =	sadd.s32 $0x2E80, s26  }
0x170: {  	[hbm4b:s31+s3] =	stream.linear.scatter [tilespmem:s28], [sflag:$0x1], $0x80, $0x38;
	[tilespmem:$0x10680] =	vst v63  }
0x171: {  	s1 =	sadd.s32 $0x580, s14;
	s28 =	sadd.s32 $0x3280, s26  }
0x172: {  	[hbm4b:s1+s3] =	stream.linear.scatter [tilespmem:s28], [sflag:$0x1], $0x80, $0x38;
	[tilespmem:$0x10680] =	vst v63  }
0x173: {  	s30 =	sadd.s32 $0x600, s14;
	s28 =	sadd.s32 $0x3680, s26  }
0x174: {  	[hbm4b:s30+s3] =	stream.linear.scatter [tilespmem:s28], [sflag:$0x1], $0x80, $0x38;
	[tilespmem:$0x10680] =	vst v63  }
0x175: {  	s31 =	sadd.s32 $0x680, s14;
	s28 =	sadd.s32 $0x3A80, s26  }
0x176: {  	[hbm4b:s31+s3] =	stream.linear.scatter [tilespmem:s28], [sflag:$0x1], $0x80, $0x38;
	[tilespmem:$0x10680] =	vst v63  }
0x177: {  	s1 =	sadd.s32 $0x700, s14;
	s28 =	sadd.s32 $0x3E80, s26  }
0x178: {  	[hbm4b:s1+s3] =	stream.linear.scatter [tilespmem:s28], [sflag:$0x1], $0x80, $0x38;
	[tilespmem:$0x10680] =	vst v63  }
0x179: {  	s30 =	spop (v2sf);
	s26 =	sadd.s32 $0x4280, s26;
	s28 =	sadd.s32 $0x780, s14  }
0x17a: {  	[hbm4b:s28+s3] =	stream.linear.scatter [tilespmem:s26], [sflag:$0x1], $0x80, $0x38;
	[tilespmem:$0x10680] =	vst v63  }
0x17b: {  	s28 =	sshll.u32 s30, $0xB;
	s26 =	sshll.u32 s30, $0x7  }
0x17c: {  	s28 =	sand.u32 $0xFFFFC000, s28;
	s26 =	sand.u32 $0x380, s26  }
0x17d: {  	s26 =	sor.u32 s26, s28  }
0x17e: {  	s28 =	sadd.s32 $0x680, s26  }
0x17f: {  	[hbm4b:s15+s3] =	stream.linear.scatter [tilespmem:s28], [sflag:$0x1], $0x80, $0x38;
	[tilespmem:$0x10680] =	vst v63  }
0x180: {  	s31 =	sadd.s32 $0x80, s15;
	s28 =	sadd.s32 $0xA80, s26  }
0x181: {  	[hbm4b:s31+s3] =	stream.linear.scatter [tilespmem:s28], [sflag:$0x1], $0x80, $0x38;
	[tilespmem:$0x10680] =	vst v63  }
0x182: {  	s1 =	sadd.s32 $0x100, s15;
	s28 =	sadd.s32 $0xE80, s26  }
0x183: {  	[hbm4b:s1+s3] =	stream.linear.scatter [tilespmem:s28], [sflag:$0x1], $0x80, $0x38;
	[tilespmem:$0x10680] =	vst v63  }
0x184: {  	s30 =	sadd.s32 $0x180, s15;
	s28 =	sadd.s32 $0x1280, s26  }
0x185: {  	[hbm4b:s30+s3] =	stream.linear.scatter [tilespmem:s28], [sflag:$0x1], $0x80, $0x38;
	[tilespmem:$0x10680] =	vst v63  }
0x186: {  	s31 =	sadd.s32 $0x200, s15;
	s28 =	sadd.s32 $0x1680, s26  }
0x187: {  	[hbm4b:s31+s3] =	stream.linear.scatter [tilespmem:s28], [sflag:$0x1], $0x80, $0x38;
	[tilespmem:$0x10680] =	vst v63  }
0x188: {  	s1 =	sadd.s32 $0x280, s15;
	s28 =	sadd.s32 $0x1A80, s26  }
0x189: {  	[hbm4b:s1+s3] =	stream.linear.scatter [tilespmem:s28], [sflag:$0x1], $0x80, $0x38;
	[tilespmem:$0x10680] =	vst v63  }
0x18a: {  	s30 =	sadd.s32 $0x300, s15;
	s28 =	sadd.s32 $0x1E80, s26  }
0x18b: {  	[hbm4b:s30+s3] =	stream.linear.scatter [tilespmem:s28], [sflag:$0x1], $0x80, $0x38;
	[tilespmem:$0x10680] =	vst v63  }
0x18c: {  	s31 =	sadd.s32 $0x380, s15;
	s28 =	sadd.s32 $0x2280, s26  }
0x18d: {  	(v2sf) =	vpush v0, $0xB;
	[hbm4b:s31+s3] =	stream.linear.scatter [tilespmem:s28], [sflag:$0x1], $0x80, $0x38;
	[tilespmem:$0x10680] =	vst v63  }
0x18e: {  	s1 =	sadd.s32 $0x400, s15;
	s28 =	sadd.s32 $0x2680, s26  }
0x18f: {  	[hbm4b:s1+s3] =	stream.linear.scatter [tilespmem:s28], [sflag:$0x1], $0x80, $0x38;
	[tilespmem:$0x10680] =	vst v63  }
0x190: {  	s30 =	sadd.s32 $0x480, s15;
	s28 =	sadd.s32 $0x2A80, s26  }
0x191: {  	[hbm4b:s30+s3] =	stream.linear.scatter [tilespmem:s28], [sflag:$0x1], $0x80, $0x38;
	[tilespmem:$0x10680] =	vst v63  }
0x192: {  	s31 =	sadd.s32 $0x500, s15;
	s28 =	sadd.s32 $0x2E80, s26  }
0x193: {  	[hbm4b:s31+s3] =	stream.linear.scatter [tilespmem:s28], [sflag:$0x1], $0x80, $0x38;
	[tilespmem:$0x10680] =	vst v63  }
0x194: {  	s1 =	sadd.s32 $0x580, s15;
	s28 =	sadd.s32 $0x3280, s26  }
0x195: {  	[hbm4b:s1+s3] =	stream.linear.scatter [tilespmem:s28], [sflag:$0x1], $0x80, $0x38;
	[tilespmem:$0x10680] =	vst v63  }
0x196: {  	s30 =	sadd.s32 $0x600, s15;
	s28 =	sadd.s32 $0x3680, s26  }
0x197: {  	[hbm4b:s30+s3] =	stream.linear.scatter [tilespmem:s28], [sflag:$0x1], $0x80, $0x38;
	[tilespmem:$0x10680] =	vst v63  }
0x198: {  	s31 =	sadd.s32 $0x680, s15;
	s28 =	sadd.s32 $0x3A80, s26  }
0x199: {  	[hbm4b:s31+s3] =	stream.linear.scatter [tilespmem:s28], [sflag:$0x1], $0x80, $0x38;
	[tilespmem:$0x10680] =	vst v63  }
0x19a: {  	s1 =	sadd.s32 $0x700, s15;
	s28 =	sadd.s32 $0x3E80, s26  }
0x19b: {  	[hbm4b:s1+s3] =	stream.linear.scatter [tilespmem:s28], [sflag:$0x1], $0x80, $0x38;
	[tilespmem:$0x10680] =	vst v63  }
0x19c: {  	s30 =	spop (v2sf);
	s26 =	sadd.s32 $0x4280, s26;
	s28 =	sadd.s32 $0x780, s15  }
0x19d: {  	[hbm4b:s28+s3] =	stream.linear.scatter [tilespmem:s26], [sflag:$0x1], $0x80, $0x38;
	[tilespmem:$0x10680] =	vst v63  }
0x19e: {  	s28 =	sshll.u32 s30, $0xB;
	s26 =	sshll.u32 s30, $0x7  }
0x19f: {  	s28 =	sand.u32 $0xFFFFC000, s28;
	s26 =	sand.u32 $0x380, s26  }
0x1a0: {  	s26 =	sor.u32 s26, s28  }
0x1a1: {  	s28 =	sadd.s32 $0x680, s26  }
0x1a2: {  	[hbm4b:s16+s3] =	stream.linear.scatter [tilespmem:s28], [sflag:$0x1], $0x80, $0x38;
	[tilespmem:$0x10680] =	vst v63  }
0x1a3: {  	s31 =	sadd.s32 $0x80, s16;
	s28 =	sadd.s32 $0xA80, s26  }
0x1a4: {  	[hbm4b:s31+s3] =	stream.linear.scatter [tilespmem:s28], [sflag:$0x1], $0x80, $0x38;
	[tilespmem:$0x10680] =	vst v63  }
0x1a5: {  	s1 =	sadd.s32 $0x100, s16;
	s28 =	sadd.s32 $0xE80, s26  }
0x1a6: {  	[hbm4b:s1+s3] =	stream.linear.scatter [tilespmem:s28], [sflag:$0x1], $0x80, $0x38;
	[tilespmem:$0x10680] =	vst v63  }
0x1a7: {  	s30 =	sadd.s32 $0x180, s16;
	s28 =	sadd.s32 $0x1280, s26  }
0x1a8: {  	[hbm4b:s30+s3] =	stream.linear.scatter [tilespmem:s28], [sflag:$0x1], $0x80, $0x38;
	[tilespmem:$0x10680] =	vst v63  }
0x1a9: {  	s31 =	sadd.s32 $0x200, s16;
	s28 =	sadd.s32 $0x1680, s26  }
0x1aa: {  	[hbm4b:s31+s3] =	stream.linear.scatter [tilespmem:s28], [sflag:$0x1], $0x80, $0x38;
	[tilespmem:$0x10680] =	vst v63  }
0x1ab: {  	s1 =	sadd.s32 $0x280, s16;
	s28 =	sadd.s32 $0x1A80, s26  }
0x1ac: {  	[hbm4b:s1+s3] =	stream.linear.scatter [tilespmem:s28], [sflag:$0x1], $0x80, $0x38;
	[tilespmem:$0x10680] =	vst v63  }
0x1ad: {  	s30 =	sadd.s32 $0x300, s16;
	s28 =	sadd.s32 $0x1E80, s26  }
0x1ae: {  	[hbm4b:s30+s3] =	stream.linear.scatter [tilespmem:s28], [sflag:$0x1], $0x80, $0x38;
	[tilespmem:$0x10680] =	vst v63  }
0x1af: {  	s31 =	sadd.s32 $0x380, s16;
	s28 =	sadd.s32 $0x2280, s26  }
0x1b0: {  	(v2sf) =	vpush v0, $0xC;
	[hbm4b:s31+s3] =	stream.linear.scatter [tilespmem:s28], [sflag:$0x1], $0x80, $0x38;
	[tilespmem:$0x10680] =	vst v63  }
0x1b1: {  	s1 =	sadd.s32 $0x400, s16;
	s28 =	sadd.s32 $0x2680, s26  }
0x1b2: {  	[hbm4b:s1+s3] =	stream.linear.scatter [tilespmem:s28], [sflag:$0x1], $0x80, $0x38;
	[tilespmem:$0x10680] =	vst v63  }
0x1b3: {  	s30 =	sadd.s32 $0x480, s16;
	s28 =	sadd.s32 $0x2A80, s26  }
0x1b4: {  	[hbm4b:s30+s3] =	stream.linear.scatter [tilespmem:s28], [sflag:$0x1], $0x80, $0x38;
	[tilespmem:$0x10680] =	vst v63  }
0x1b5: {  	s31 =	sadd.s32 $0x500, s16;
	s28 =	sadd.s32 $0x2E80, s26  }
0x1b6: {  	[hbm4b:s31+s3] =	stream.linear.scatter [tilespmem:s28], [sflag:$0x1], $0x80, $0x38;
	[tilespmem:$0x10680] =	vst v63  }
0x1b7: {  	s1 =	sadd.s32 $0x580, s16;
	s28 =	sadd.s32 $0x3280, s26  }
0x1b8: {  	[hbm4b:s1+s3] =	stream.linear.scatter [tilespmem:s28], [sflag:$0x1], $0x80, $0x38;
	[tilespmem:$0x10680] =	vst v63  }
0x1b9: {  	s30 =	sadd.s32 $0x600, s16;
	s28 =	sadd.s32 $0x3680, s26  }
0x1ba: {  	[hbm4b:s30+s3] =	stream.linear.scatter [tilespmem:s28], [sflag:$0x1], $0x80, $0x38;
	[tilespmem:$0x10680] =	vst v63  }
0x1bb: {  	s31 =	sadd.s32 $0x680, s16;
	s28 =	sadd.s32 $0x3A80, s26  }
0x1bc: {  	[hbm4b:s31+s3] =	stream.linear.scatter [tilespmem:s28], [sflag:$0x1], $0x80, $0x38;
	[tilespmem:$0x10680] =	vst v63  }
0x1bd: {  	s1 =	sadd.s32 $0x700, s16;
	s28 =	sadd.s32 $0x3E80, s26  }
0x1be: {  	[hbm4b:s1+s3] =	stream.linear.scatter [tilespmem:s28], [sflag:$0x1], $0x80, $0x38;
	[tilespmem:$0x10680] =	vst v63  }
0x1bf: {  	s30 =	spop (v2sf);
	s26 =	sadd.s32 $0x4280, s26;
	s28 =	sadd.s32 $0x780, s16  }
0x1c0: {  	[hbm4b:s28+s3] =	stream.linear.scatter [tilespmem:s26], [sflag:$0x1], $0x80, $0x38;
	[tilespmem:$0x10680] =	vst v63  }
0x1c1: {  	s28 =	sshll.u32 s30, $0xB;
	s26 =	sshll.u32 s30, $0x7  }
0x1c2: {  	s28 =	sand.u32 $0xFFFFC000, s28;
	s26 =	sand.u32 $0x380, s26  }
0x1c3: {  	s26 =	sor.u32 s26, s28  }
0x1c4: {  	s28 =	sadd.s32 $0x680, s26  }
0x1c5: {  	[hbm4b:s17+s3] =	stream.linear.scatter [tilespmem:s28], [sflag:$0x1], $0x80, $0x38;
	[tilespmem:$0x10680] =	vst v63  }
0x1c6: {  	s31 =	sadd.s32 $0x80, s17;
	s28 =	sadd.s32 $0xA80, s26  }
0x1c7: {  	[hbm4b:s31+s3] =	stream.linear.scatter [tilespmem:s28], [sflag:$0x1], $0x80, $0x38;
	[tilespmem:$0x10680] =	vst v63  }
0x1c8: {  	s1 =	sadd.s32 $0x100, s17;
	s28 =	sadd.s32 $0xE80, s26  }
0x1c9: {  	[hbm4b:s1+s3] =	stream.linear.scatter [tilespmem:s28], [sflag:$0x1], $0x80, $0x38;
	[tilespmem:$0x10680] =	vst v63  }
0x1ca: {  	s30 =	sadd.s32 $0x180, s17;
	s28 =	sadd.s32 $0x1280, s26  }
0x1cb: {  	[hbm4b:s30+s3] =	stream.linear.scatter [tilespmem:s28], [sflag:$0x1], $0x80, $0x38;
	[tilespmem:$0x10680] =	vst v63  }
0x1cc: {  	s31 =	sadd.s32 $0x200, s17;
	s28 =	sadd.s32 $0x1680, s26  }
0x1cd: {  	[hbm4b:s31+s3] =	stream.linear.scatter [tilespmem:s28], [sflag:$0x1], $0x80, $0x38;
	[tilespmem:$0x10680] =	vst v63  }
0x1ce: {  	s1 =	sadd.s32 $0x280, s17;
	s28 =	sadd.s32 $0x1A80, s26  }
0x1cf: {  	[hbm4b:s1+s3] =	stream.linear.scatter [tilespmem:s28], [sflag:$0x1], $0x80, $0x38;
	[tilespmem:$0x10680] =	vst v63  }
0x1d0: {  	s30 =	sadd.s32 $0x300, s17;
	s28 =	sadd.s32 $0x1E80, s26  }
0x1d1: {  	[hbm4b:s30+s3] =	stream.linear.scatter [tilespmem:s28], [sflag:$0x1], $0x80, $0x38;
	[tilespmem:$0x10680] =	vst v63  }
0x1d2: {  	s31 =	sadd.s32 $0x380, s17;
	s28 =	sadd.s32 $0x2280, s26  }
0x1d3: {  	(v2sf) =	vpush v0, $0xD;
	[hbm4b:s31+s3] =	stream.linear.scatter [tilespmem:s28], [sflag:$0x1], $0x80, $0x38;
	[tilespmem:$0x10680] =	vst v63  }
0x1d4: {  	s1 =	sadd.s32 $0x400, s17;
	s28 =	sadd.s32 $0x2680, s26  }
0x1d5: {  	[hbm4b:s1+s3] =	stream.linear.scatter [tilespmem:s28], [sflag:$0x1], $0x80, $0x38;
	[tilespmem:$0x10680] =	vst v63  }
0x1d6: {  	s30 =	sadd.s32 $0x480, s17;
	s28 =	sadd.s32 $0x2A80, s26  }
0x1d7: {  	[hbm4b:s30+s3] =	stream.linear.scatter [tilespmem:s28], [sflag:$0x1], $0x80, $0x38;
	[tilespmem:$0x10680] =	vst v63  }
0x1d8: {  	s31 =	sadd.s32 $0x500, s17;
	s28 =	sadd.s32 $0x2E80, s26  }
0x1d9: {  	[hbm4b:s31+s3] =	stream.linear.scatter [tilespmem:s28], [sflag:$0x1], $0x80, $0x38;
	[tilespmem:$0x10680] =	vst v63  }
0x1da: {  	s1 =	sadd.s32 $0x580, s17;
	s28 =	sadd.s32 $0x3280, s26  }
0x1db: {  	[hbm4b:s1+s3] =	stream.linear.scatter [tilespmem:s28], [sflag:$0x1], $0x80, $0x38;
	[tilespmem:$0x10680] =	vst v63  }
0x1dc: {  	s30 =	sadd.s32 $0x600, s17;
	s28 =	sadd.s32 $0x3680, s26  }
0x1dd: {  	[hbm4b:s30+s3] =	stream.linear.scatter [tilespmem:s28], [sflag:$0x1], $0x80, $0x38;
	[tilespmem:$0x10680] =	vst v63  }
0x1de: {  	s31 =	sadd.s32 $0x680, s17;
	s28 =	sadd.s32 $0x3A80, s26  }
0x1df: {  	[hbm4b:s31+s3] =	stream.linear.scatter [tilespmem:s28], [sflag:$0x1], $0x80, $0x38;
	[tilespmem:$0x10680] =	vst v63  }
0x1e0: {  	s1 =	sadd.s32 $0x700, s17;
	s28 =	sadd.s32 $0x3E80, s26  }
0x1e1: {  	[hbm4b:s1+s3] =	stream.linear.scatter [tilespmem:s28], [sflag:$0x1], $0x80, $0x38;
	[tilespmem:$0x10680] =	vst v63  }
0x1e2: {  	s30 =	spop (v2sf);
	s26 =	sadd.s32 $0x4280, s26;
	s28 =	sadd.s32 $0x780, s17  }
0x1e3: {  	[hbm4b:s28+s3] =	stream.linear.scatter [tilespmem:s26], [sflag:$0x1], $0x80, $0x38;
	[tilespmem:$0x10680] =	vst v63  }
0x1e4: {  	s28 =	sshll.u32 s30, $0xB;
	s26 =	sshll.u32 s30, $0x7  }
0x1e5: {  	s28 =	sand.u32 $0xFFFFC000, s28;
	s26 =	sand.u32 $0x380, s26  }
0x1e6: {  	s26 =	sor.u32 s26, s28  }
0x1e7: {  	s28 =	sadd.s32 $0x680, s26  }
0x1e8: {  	[hbm4b:s18+s3] =	stream.linear.scatter [tilespmem:s28], [sflag:$0x1], $0x80, $0x38;
	[tilespmem:$0x10680] =	vst v63  }
0x1e9: {  	s31 =	sadd.s32 $0x80, s18;
	s28 =	sadd.s32 $0xA80, s26  }
0x1ea: {  	[hbm4b:s31+s3] =	stream.linear.scatter [tilespmem:s28], [sflag:$0x1], $0x80, $0x38;
	[tilespmem:$0x10680] =	vst v63  }
0x1eb: {  	s1 =	sadd.s32 $0x100, s18;
	s28 =	sadd.s32 $0xE80, s26  }
0x1ec: {  	[hbm4b:s1+s3] =	stream.linear.scatter [tilespmem:s28], [sflag:$0x1], $0x80, $0x38;
	[tilespmem:$0x10680] =	vst v63  }
0x1ed: {  	s30 =	sadd.s32 $0x180, s18;
	s28 =	sadd.s32 $0x1280, s26  }
0x1ee: {  	[hbm4b:s30+s3] =	stream.linear.scatter [tilespmem:s28], [sflag:$0x1], $0x80, $0x38;
	[tilespmem:$0x10680] =	vst v63  }
0x1ef: {  	s31 =	sadd.s32 $0x200, s18;
	s28 =	sadd.s32 $0x1680, s26  }
0x1f0: {  	[hbm4b:s31+s3] =	stream.linear.scatter [tilespmem:s28], [sflag:$0x1], $0x80, $0x38;
	[tilespmem:$0x10680] =	vst v63  }
0x1f1: {  	s1 =	sadd.s32 $0x280, s18;
	s28 =	sadd.s32 $0x1A80, s26  }
0x1f2: {  	[hbm4b:s1+s3] =	stream.linear.scatter [tilespmem:s28], [sflag:$0x1], $0x80, $0x38;
	[tilespmem:$0x10680] =	vst v63  }
0x1f3: {  	s30 =	sadd.s32 $0x300, s18;
	s28 =	sadd.s32 $0x1E80, s26  }
0x1f4: {  	[hbm4b:s30+s3] =	stream.linear.scatter [tilespmem:s28], [sflag:$0x1], $0x80, $0x38;
	[tilespmem:$0x10680] =	vst v63  }
0x1f5: {  	s31 =	sadd.s32 $0x380, s18;
	s28 =	sadd.s32 $0x2280, s26  }
0x1f6: {  	(v2sf) =	vpush v0, $0xE;
	[hbm4b:s31+s3] =	stream.linear.scatter [tilespmem:s28], [sflag:$0x1], $0x80, $0x38;
	[tilespmem:$0x10680] =	vst v63  }
0x1f7: {  	s1 =	sadd.s32 $0x400, s18;
	s28 =	sadd.s32 $0x2680, s26  }
0x1f8: {  	[hbm4b:s1+s3] =	stream.linear.scatter [tilespmem:s28], [sflag:$0x1], $0x80, $0x38;
	[tilespmem:$0x10680] =	vst v63  }
0x1f9: {  	s30 =	sadd.s32 $0x480, s18;
	s28 =	sadd.s32 $0x2A80, s26  }
0x1fa: {  	[hbm4b:s30+s3] =	stream.linear.scatter [tilespmem:s28], [sflag:$0x1], $0x80, $0x38;
	[tilespmem:$0x10680] =	vst v63  }
0x1fb: {  	s31 =	sadd.s32 $0x500, s18;
	s28 =	sadd.s32 $0x2E80, s26  }
0x1fc: {  	[hbm4b:s31+s3] =	stream.linear.scatter [tilespmem:s28], [sflag:$0x1], $0x80, $0x38;
	[tilespmem:$0x10680] =	vst v63  }
0x1fd: {  	s1 =	sadd.s32 $0x580, s18;
	s28 =	sadd.s32 $0x3280, s26  }
0x1fe: {  	[hbm4b:s1+s3] =	stream.linear.scatter [tilespmem:s28], [sflag:$0x1], $0x80, $0x38;
	[tilespmem:$0x10680] =	vst v63  }
0x1ff: {  	s30 =	sadd.s32 $0x600, s18;
	s28 =	sadd.s32 $0x3680, s26  }
0x200: {  	[hbm4b:s30+s3] =	stream.linear.scatter [tilespmem:s28], [sflag:$0x1], $0x80, $0x38;
	[tilespmem:$0x10680] =	vst v63  }
0x201: {  	s31 =	sadd.s32 $0x680, s18;
	s28 =	sadd.s32 $0x3A80, s26  }
0x202: {  	[hbm4b:s31+s3] =	stream.linear.scatter [tilespmem:s28], [sflag:$0x1], $0x80, $0x38;
	[tilespmem:$0x10680] =	vst v63  }
0x203: {  	s1 =	sadd.s32 $0x700, s18;
	s28 =	sadd.s32 $0x3E80, s26  }
0x204: {  	[hbm4b:s1+s3] =	stream.linear.scatter [tilespmem:s28], [sflag:$0x1], $0x80, $0x38;
	[tilespmem:$0x10680] =	vst v63  }
0x205: {  	s30 =	spop (v2sf);
	s26 =	sadd.s32 $0x4280, s26;
	s28 =	sadd.s32 $0x780, s18  }
0x206: {  	[hbm4b:s28+s3] =	stream.linear.scatter [tilespmem:s26], [sflag:$0x1], $0x80, $0x38;
	[tilespmem:$0x10680] =	vst v63  }
0x207: {  	s28 =	sshll.u32 s30, $0xB;
	s26 =	sshll.u32 s30, $0x7  }
0x208: {  	s28 =	sand.u32 $0xFFFFC000, s28;
	s26 =	sand.u32 $0x380, s26  }
0x209: {  	s26 =	sor.u32 s26, s28  }
0x20a: {  	s28 =	sadd.s32 $0x680, s26  }
0x20b: {  	[hbm4b:s19+s3] =	stream.linear.scatter [tilespmem:s28], [sflag:$0x1], $0x80, $0x38;
	[tilespmem:$0x10680] =	vst v63  }
0x20c: {  	s31 =	sadd.s32 $0x80, s19;
	s28 =	sadd.s32 $0xA80, s26  }
0x20d: {  	[hbm4b:s31+s3] =	stream.linear.scatter [tilespmem:s28], [sflag:$0x1], $0x80, $0x38;
	[tilespmem:$0x10680] =	vst v63  }
0x20e: {  	s1 =	sadd.s32 $0x100, s19;
	s28 =	sadd.s32 $0xE80, s26  }
0x20f: {  	[hbm4b:s1+s3] =	stream.linear.scatter [tilespmem:s28], [sflag:$0x1], $0x80, $0x38;
	[tilespmem:$0x10680] =	vst v63  }
0x210: {  	s30 =	sadd.s32 $0x180, s19;
	s28 =	sadd.s32 $0x1280, s26  }
0x211: {  	[hbm4b:s30+s3] =	stream.linear.scatter [tilespmem:s28], [sflag:$0x1], $0x80, $0x38;
	[tilespmem:$0x10680] =	vst v63  }
0x212: {  	s31 =	sadd.s32 $0x200, s19;
	s28 =	sadd.s32 $0x1680, s26  }
0x213: {  	[hbm4b:s31+s3] =	stream.linear.scatter [tilespmem:s28], [sflag:$0x1], $0x80, $0x38;
	[tilespmem:$0x10680] =	vst v63  }
0x214: {  	s1 =	sadd.s32 $0x280, s19;
	s28 =	sadd.s32 $0x1A80, s26  }
0x215: {  	[hbm4b:s1+s3] =	stream.linear.scatter [tilespmem:s28], [sflag:$0x1], $0x80, $0x38;
	[tilespmem:$0x10680] =	vst v63  }
0x216: {  	s30 =	sadd.s32 $0x300, s19;
	s28 =	sadd.s32 $0x1E80, s26  }
0x217: {  	[hbm4b:s30+s3] =	stream.linear.scatter [tilespmem:s28], [sflag:$0x1], $0x80, $0x38;
	[tilespmem:$0x10680] =	vst v63  }
0x218: {  	s31 =	sadd.s32 $0x380, s19;
	s28 =	sadd.s32 $0x2280, s26  }
0x219: {  	(v2sf) =	vpush v0, $0xF;
	[hbm4b:s31+s3] =	stream.linear.scatter [tilespmem:s28], [sflag:$0x1], $0x80, $0x38;
	[tilespmem:$0x10680] =	vst v63  }
0x21a: {  	s1 =	sadd.s32 $0x400, s19;
	s28 =	sadd.s32 $0x2680, s26  }
0x21b: {  	[hbm4b:s1+s3] =	stream.linear.scatter [tilespmem:s28], [sflag:$0x1], $0x80, $0x38;
	[tilespmem:$0x10680] =	vst v63  }
0x21c: {  	s30 =	sadd.s32 $0x480, s19;
	s28 =	sadd.s32 $0x2A80, s26  }
0x21d: {  	[hbm4b:s30+s3] =	stream.linear.scatter [tilespmem:s28], [sflag:$0x1], $0x80, $0x38;
	[tilespmem:$0x10680] =	vst v63  }
0x21e: {  	s31 =	sadd.s32 $0x500, s19;
	s28 =	sadd.s32 $0x2E80, s26  }
0x21f: {  	[hbm4b:s31+s3] =	stream.linear.scatter [tilespmem:s28], [sflag:$0x1], $0x80, $0x38;
	[tilespmem:$0x10680] =	vst v63  }
0x220: {  	s1 =	sadd.s32 $0x580, s19;
	s28 =	sadd.s32 $0x3280, s26  }
0x221: {  	[hbm4b:s1+s3] =	stream.linear.scatter [tilespmem:s28], [sflag:$0x1], $0x80, $0x38;
	[tilespmem:$0x10680] =	vst v63  }
0x222: {  	s30 =	sadd.s32 $0x600, s19;
	s28 =	sadd.s32 $0x3680, s26  }
0x223: {  	[hbm4b:s30+s3] =	stream.linear.scatter [tilespmem:s28], [sflag:$0x1], $0x80, $0x38;
	[tilespmem:$0x10680] =	vst v63  }
0x224: {  	s31 =	sadd.s32 $0x680, s19;
	s28 =	sadd.s32 $0x3A80, s26  }
0x225: {  	[hbm4b:s31+s3] =	stream.linear.scatter [tilespmem:s28], [sflag:$0x1], $0x80, $0x38;
	[tilespmem:$0x10680] =	vst v63  }
0x226: {  	s1 =	sadd.s32 $0x700, s19;
	s28 =	sadd.s32 $0x3E80, s26  }
0x227: {  	[hbm4b:s1+s3] =	stream.linear.scatter [tilespmem:s28], [sflag:$0x1], $0x80, $0x38;
	[tilespmem:$0x10680] =	vst v63  }
0x228: {  	s29 =	spop (v2sf);
	s26 =	sadd.s32 $0x4280, s26;
	s28 =	sadd.s32 $0x780, s19  }
0x229: {  	[hbm4b:s28+s3] =	stream.linear.scatter [tilespmem:s26], [sflag:$0x1], $0x80, $0x38;
	[tilespmem:$0x10680] =	vst v63  }
0x22a: {  	s28 =	sshll.u32 s29, $0xB;
	s26 =	sshll.u32 s29, $0x7  }
0x22b: {  	s28 =	sand.u32 $0xFFFFC000, s28;
	s26 =	sand.u32 $0x380, s26  }
0x22c: {  	s26 =	sor.u32 s26, s28  }
0x22d: {  	s28 =	sadd.s32 $0x680, s26  }
0x22e: {  	[hbm4b:s20+s3] =	stream.linear.scatter [tilespmem:s28], [sflag:$0x1], $0x80, $0x38;
	[tilespmem:$0x10680] =	vst v63  }
0x22f: {  	s30 =	sadd.s32 $0x80, s20;
	s28 =	sadd.s32 $0xA80, s26  }
0x230: {  	[hbm4b:s30+s3] =	stream.linear.scatter [tilespmem:s28], [sflag:$0x1], $0x80, $0x38;
	[tilespmem:$0x10680] =	vst v63  }
0x231: {  	s31 =	sadd.s32 $0x100, s20;
	s28 =	sadd.s32 $0xE80, s26  }
0x232: {  	[hbm4b:s31+s3] =	stream.linear.scatter [tilespmem:s28], [sflag:$0x1], $0x80, $0x38;
	[tilespmem:$0x10680] =	vst v63  }
0x233: {  	s1 =	sadd.s32 $0x180, s20;
	s28 =	sadd.s32 $0x1280, s26  }
0x234: {  	[hbm4b:s1+s3] =	stream.linear.scatter [tilespmem:s28], [sflag:$0x1], $0x80, $0x38;
	[tilespmem:$0x10680] =	vst v63  }
0x235: {  	s30 =	sadd.s32 $0x200, s20;
	s28 =	sadd.s32 $0x1680, s26  }
0x236: {  	[hbm4b:s30+s3] =	stream.linear.scatter [tilespmem:s28], [sflag:$0x1], $0x80, $0x38;
	[tilespmem:$0x10680] =	vst v63  }
0x237: {  	s31 =	sadd.s32 $0x280, s20;
	s28 =	sadd.s32 $0x1A80, s26  }
0x238: {  	[hbm4b:s31+s3] =	stream.linear.scatter [tilespmem:s28], [sflag:$0x1], $0x80, $0x38;
	[tilespmem:$0x10680] =	vst v63  }
0x239: {  	s1 =	sadd.s32 $0x300, s20;
	s28 =	sadd.s32 $0x1E80, s26  }
0x23a: {  	[hbm4b:s1+s3] =	stream.linear.scatter [tilespmem:s28], [sflag:$0x1], $0x80, $0x38;
	[tilespmem:$0x10680] =	vst v63  }
0x23b: {  	s30 =	sadd.s32 $0x380, s20;
	s28 =	sadd.s32 $0x2280, s26  }
0x23c: {  	[hbm4b:s30+s3] =	stream.linear.scatter [tilespmem:s28], [sflag:$0x1], $0x80, $0x38;
	[tilespmem:$0x10680] =	vst v63  }
0x23d: {  	s31 =	sadd.s32 $0x400, s20;
	s28 =	sadd.s32 $0x2680, s26  }
0x23e: {  	[hbm4b:s31+s3] =	stream.linear.scatter [tilespmem:s28], [sflag:$0x1], $0x80, $0x38;
	[tilespmem:$0x10680] =	vst v63  }
0x23f: {  	s1 =	sadd.s32 $0x480, s20;
	s28 =	sadd.s32 $0x2A80, s26  }
0x240: {  	[hbm4b:s1+s3] =	stream.linear.scatter [tilespmem:s28], [sflag:$0x1], $0x80, $0x38;
	[tilespmem:$0x10680] =	vst v63  }
0x241: {  	s30 =	sadd.s32 $0x500, s20;
	s28 =	sadd.s32 $0x2E80, s26  }
0x242: {  	[hbm4b:s30+s3] =	stream.linear.scatter [tilespmem:s28], [sflag:$0x1], $0x80, $0x38;
	[tilespmem:$0x10680] =	vst v63  }
0x243: {  	s31 =	sadd.s32 $0x580, s20;
	s28 =	sadd.s32 $0x3280, s26  }
0x244: {  	[hbm4b:s31+s3] =	stream.linear.scatter [tilespmem:s28], [sflag:$0x1], $0x80, $0x38;
	[tilespmem:$0x10680] =	vst v63  }
0x245: {  	s1 =	sadd.s32 $0x600, s20;
	s28 =	sadd.s32 $0x3680, s26  }
0x246: {  	[hbm4b:s1+s3] =	stream.linear.scatter [tilespmem:s28], [sflag:$0x1], $0x80, $0x38;
	[tilespmem:$0x10680] =	vst v63  }
0x247: {  	s30 =	sadd.s32 $0x680, s20;
	s28 =	sadd.s32 $0x3A80, s26  }
0x248: {  	[hbm4b:s30+s3] =	stream.linear.scatter [tilespmem:s28], [sflag:$0x1], $0x80, $0x38;
	[tilespmem:$0x10680] =	vst v63  }
0x249: {  	s31 =	sadd.s32 $0x700, s20;
	s28 =	sadd.s32 $0x3E80, s26  }
0x24a: {  	[hbm4b:s31+s3] =	stream.linear.scatter [tilespmem:s28], [sflag:$0x1], $0x80, $0x38;
	[tilespmem:$0x10680] =	vst v63  }
0x24b: {  	s26 =	sadd.s32 $0x4280, s26;
	s28 =	sadd.s32 $0x780, s20  }
0x24c: {  	[hbm4b:s28+s3] =	stream.linear.scatter [tilespmem:s26], [sflag:$0x1], $0x80, $0x38;
	[tilespmem:$0x10680] =	vst v63  }
0x24d: {  	s26 =	simm.s32 $0x10;
	s28 =	simm.s32 $0x0  }
.LBB2_2:
0x24e: {  	v0 =	vld [tilespmem:s26+$0x0];
	_ =	sdelay $0x3  }
0x24f: {  	_ =	swait.ge [sflag:s24], $0x800  }
0x250: {  	(v2sf) =	vpush v0, $0x0;
	_ =	sdelay $0xe  }
0x251: {  	s29 =	spop (v2sf)  }
0x252: {  	s31 =	sshll.u32 s29, $0xB;
	s29 =	sshll.u32 s29, $0x7  }
0x253: {  	s31 =	sand.u32 $0xFFFFC000, s31;
	s29 =	sand.u32 $0x380, s29  }
0x254: {  	s30 =	rddreg [dreg:$0x4];
	[sflag:s24] =	ssyncset.done $0x0;
	s31 =	sor.u32 s29, s31  }
0x255: {  	[sflag:s24] =	ssyncadd.s32 $0xFFFFF800;
	s29 =	sadd.s32 s28, s30;
	s1 =	sadd.s32 $0x680, s31  }
0x256: {  	[hbm4b:s29+s3] =	stream.linear.scatter [tilespmem:s1], [sflag:$0x1], $0x80, $0x38;
	[tilespmem:$0x10680] =	vst v63  }
0x257: {  	s30 =	sadd.s32 $0xA80, s31;
	s1 =	sadd.s32 $0x80, s29  }
0x258: {  	[hbm4b:s1+s3] =	stream.linear.scatter [tilespmem:s30], [sflag:$0x1], $0x80, $0x38;
	[tilespmem:$0x10680] =	vst v63  }
0x259: {  	s1 =	sadd.s32 $0xE80, s31;
	s30 =	sadd.s32 $0x100, s29  }
0x25a: {  	[hbm4b:s30+s3] =	stream.linear.scatter [tilespmem:s1], [sflag:$0x1], $0x80, $0x38;
	[tilespmem:$0x10680] =	vst v63  }
0x25b: {  	s1 =	sadd.s32 $0x1280, s31;
	s30 =	sadd.s32 $0x180, s29  }
0x25c: {  	[hbm4b:s30+s3] =	stream.linear.scatter [tilespmem:s1], [sflag:$0x1], $0x80, $0x38;
	[tilespmem:$0x10680] =	vst v63  }
0x25d: {  	s1 =	sadd.s32 $0x1680, s31;
	s30 =	sadd.s32 $0x200, s29  }
0x25e: {  	[hbm4b:s30+s3] =	stream.linear.scatter [tilespmem:s1], [sflag:$0x1], $0x80, $0x38;
	[tilespmem:$0x10680] =	vst v63  }
0x25f: {  	s1 =	sadd.s32 $0x1A80, s31;
	s30 =	sadd.s32 $0x280, s29  }
0x260: {  	[hbm4b:s30+s3] =	stream.linear.scatter [tilespmem:s1], [sflag:$0x1], $0x80, $0x38;
	[tilespmem:$0x10680] =	vst v63  }
0x261: {  	s1 =	sadd.s32 $0x1E80, s31;
	s30 =	sadd.s32 $0x300, s29  }
0x262: {  	[hbm4b:s30+s3] =	stream.linear.scatter [tilespmem:s1], [sflag:$0x1], $0x80, $0x38;
	[tilespmem:$0x10680] =	vst v63  }
0x263: {  	s1 =	sadd.s32 $0x2280, s31;
	s30 =	sadd.s32 $0x380, s29  }
0x264: {  	[hbm4b:s30+s3] =	stream.linear.scatter [tilespmem:s1], [sflag:$0x1], $0x80, $0x38;
	[tilespmem:$0x10680] =	vst v63  }
0x265: {  	s1 =	sadd.s32 $0x2680, s31;
	s30 =	sadd.s32 $0x400, s29  }
0x266: {  	[hbm4b:s30+s3] =	stream.linear.scatter [tilespmem:s1], [sflag:$0x1], $0x80, $0x38;
	[tilespmem:$0x10680] =	vst v63  }
0x267: {  	s1 =	sadd.s32 $0x2A80, s31;
	s30 =	sadd.s32 $0x480, s29  }
0x268: {  	[hbm4b:s30+s3] =	stream.linear.scatter [tilespmem:s1], [sflag:$0x1], $0x80, $0x38;
	[tilespmem:$0x10680] =	vst v63  }
0x269: {  	s1 =	sadd.s32 $0x2E80, s31;
	s30 =	sadd.s32 $0x500, s29  }
0x26a: {  	[hbm4b:s30+s3] =	stream.linear.scatter [tilespmem:s1], [sflag:$0x1], $0x80, $0x38;
	[tilespmem:$0x10680] =	vst v63  }
0x26b: {  	s1 =	sadd.s32 $0x3280, s31;
	s30 =	sadd.s32 $0x580, s29  }
0x26c: {  	[hbm4b:s30+s3] =	stream.linear.scatter [tilespmem:s1], [sflag:$0x1], $0x80, $0x38;
	[tilespmem:$0x10680] =	vst v63  }
0x26d: {  	s1 =	sadd.s32 $0x3680, s31;
	s30 =	sadd.s32 $0x600, s29  }
0x26e: {  	[hbm4b:s30+s3] =	stream.linear.scatter [tilespmem:s1], [sflag:$0x1], $0x80, $0x38;
	[tilespmem:$0x10680] =	vst v63  }
0x26f: {  	s1 =	sadd.s32 $0x3A80, s31;
	s30 =	sadd.s32 $0x680, s29  }
0x270: {  	[hbm4b:s30+s3] =	stream.linear.scatter [tilespmem:s1], [sflag:$0x1], $0x80, $0x38;
	[tilespmem:$0x10680] =	vst v63  }
0x271: {  	s1 =	sadd.s32 $0x3E80, s31;
	s30 =	sadd.s32 $0x700, s29  }
0x272: {  	[hbm4b:s30+s3] =	stream.linear.scatter [tilespmem:s1], [sflag:$0x1], $0x80, $0x38;
	[tilespmem:$0x10680] =	vst v63  }
0x273: {  	s1 =	sadd.s32 $0x4280, s31;
	s31 =	sadd.s32 $0x780, s29  }
0x274: {  	[hbm4b:s31+s3] =	stream.linear.scatter [tilespmem:s1], [sflag:$0x1], $0x80, $0x38;
	[tilespmem:$0x10680] =	vst v63  }
0x275: {  	_ =	swait.ge [sflag:s24], $0x800  }
0x276: {  	(v2sf) =	vpush v0, $0x1;
	_ =	sdelay $0xe  }
0x277: {  	s1 =	spop (v2sf)  }
0x278: {  	s31 =	sshll.u32 s1, $0xB;
	s1 =	sshll.u32 s1, $0x7  }
0x279: {  	s30 =	sand.u32 $0xFFFFC000, s31;
	s1 =	sand.u32 $0x380, s1  }
0x27a: {  	[sflag:s24] =	ssyncset.done $0x0;
	s1 =	sor.u32 s1, s30  }
0x27b: {  	[sflag:s24] =	ssyncadd.s32 $0xFFFFF800;
	s30 =	sadd.s32 $0x10, s29;
	s31 =	sadd.s32 $0x680, s1  }
0x27c: {  	[hbm4b:s30+s3] =	stream.linear.scatter [tilespmem:s31], [sflag:$0x1], $0x80, $0x38;
	[tilespmem:$0x10680] =	vst v63  }
0x27d: {  	s30 =	sadd.s32 $0xA80, s1;
	s31 =	sadd.s32 $0x90, s29  }
0x27e: {  	[hbm4b:s31+s3] =	stream.linear.scatter [tilespmem:s30], [sflag:$0x1], $0x80, $0x38;
	[tilespmem:$0x10680] =	vst v63  }
0x27f: {  	s30 =	sadd.s32 $0xE80, s1;
	s31 =	sadd.s32 $0x110, s29  }
0x280: {  	[hbm4b:s31+s3] =	stream.linear.scatter [tilespmem:s30], [sflag:$0x1], $0x80, $0x38;
	[tilespmem:$0x10680] =	vst v63  }
0x281: {  	s30 =	sadd.s32 $0x1280, s1;
	s31 =	sadd.s32 $0x190, s29  }
0x282: {  	[hbm4b:s31+s3] =	stream.linear.scatter [tilespmem:s30], [sflag:$0x1], $0x80, $0x38;
	[tilespmem:$0x10680] =	vst v63  }
0x283: {  	s30 =	sadd.s32 $0x1680, s1;
	s31 =	sadd.s32 $0x210, s29  }
0x284: {  	[hbm4b:s31+s3] =	stream.linear.scatter [tilespmem:s30], [sflag:$0x1], $0x80, $0x38;
	[tilespmem:$0x10680] =	vst v63  }
0x285: {  	s30 =	sadd.s32 $0x1A80, s1;
	s31 =	sadd.s32 $0x290, s29  }
0x286: {  	[hbm4b:s31+s3] =	stream.linear.scatter [tilespmem:s30], [sflag:$0x1], $0x80, $0x38;
	[tilespmem:$0x10680] =	vst v63  }
0x287: {  	s30 =	sadd.s32 $0x1E80, s1;
	s31 =	sadd.s32 $0x310, s29  }
0x288: {  	[hbm4b:s31+s3] =	stream.linear.scatter [tilespmem:s30], [sflag:$0x1], $0x80, $0x38;
	[tilespmem:$0x10680] =	vst v63  }
0x289: {  	s30 =	sadd.s32 $0x2280, s1;
	s31 =	sadd.s32 $0x390, s29  }
0x28a: {  	[hbm4b:s31+s3] =	stream.linear.scatter [tilespmem:s30], [sflag:$0x1], $0x80, $0x38;
	[tilespmem:$0x10680] =	vst v63  }
0x28b: {  	s30 =	sadd.s32 $0x2680, s1;
	s31 =	sadd.s32 $0x410, s29  }
0x28c: {  	[hbm4b:s31+s3] =	stream.linear.scatter [tilespmem:s30], [sflag:$0x1], $0x80, $0x38;
	[tilespmem:$0x10680] =	vst v63  }
0x28d: {  	s30 =	sadd.s32 $0x2A80, s1;
	s31 =	sadd.s32 $0x490, s29  }
0x28e: {  	[hbm4b:s31+s3] =	stream.linear.scatter [tilespmem:s30], [sflag:$0x1], $0x80, $0x38;
	[tilespmem:$0x10680] =	vst v63  }
0x28f: {  	s30 =	sadd.s32 $0x2E80, s1;
	s31 =	sadd.s32 $0x510, s29  }
0x290: {  	[hbm4b:s31+s3] =	stream.linear.scatter [tilespmem:s30], [sflag:$0x1], $0x80, $0x38;
	[tilespmem:$0x10680] =	vst v63  }
0x291: {  	s30 =	sadd.s32 $0x3280, s1;
	s31 =	sadd.s32 $0x590, s29  }
0x292: {  	[hbm4b:s31+s3] =	stream.linear.scatter [tilespmem:s30], [sflag:$0x1], $0x80, $0x38;
	[tilespmem:$0x10680] =	vst v63  }
0x293: {  	s30 =	sadd.s32 $0x3680, s1;
	s31 =	sadd.s32 $0x610, s29  }
0x294: {  	[hbm4b:s31+s3] =	stream.linear.scatter [tilespmem:s30], [sflag:$0x1], $0x80, $0x38;
	[tilespmem:$0x10680] =	vst v63  }
0x295: {  	s30 =	sadd.s32 $0x3A80, s1;
	s31 =	sadd.s32 $0x690, s29  }
0x296: {  	[hbm4b:s31+s3] =	stream.linear.scatter [tilespmem:s30], [sflag:$0x1], $0x80, $0x38;
	[tilespmem:$0x10680] =	vst v63  }
0x297: {  	s30 =	sadd.s32 $0x3E80, s1;
	s31 =	sadd.s32 $0x710, s29  }
0x298: {  	[hbm4b:s31+s3] =	stream.linear.scatter [tilespmem:s30], [sflag:$0x1], $0x80, $0x38;
	[tilespmem:$0x10680] =	vst v63  }
0x299: {  	s1 =	sadd.s32 $0x4280, s1;
	s31 =	sadd.s32 $0x790, s29  }
0x29a: {  	[hbm4b:s31+s3] =	stream.linear.scatter [tilespmem:s1], [sflag:$0x1], $0x80, $0x38;
	[tilespmem:$0x10680] =	vst v63  }
0x29b: {  	_ =	swait.ge [sflag:s24], $0x800  }
0x29c: {  	(v2sf) =	vpush v0, $0x2;
	_ =	sdelay $0xe  }
0x29d: {  	s1 =	spop (v2sf)  }
0x29e: {  	s31 =	sshll.u32 s1, $0xB;
	s1 =	sshll.u32 s1, $0x7  }
0x29f: {  	s30 =	sand.u32 $0xFFFFC000, s31;
	s1 =	sand.u32 $0x380, s1  }
0x2a0: {  	[sflag:s24] =	ssyncset.done $0x0;
	s1 =	sor.u32 s1, s30  }
0x2a1: {  	[sflag:s24] =	ssyncadd.s32 $0xFFFFF800;
	s30 =	sadd.s32 $0x20, s29;
	s31 =	sadd.s32 $0x680, s1  }
0x2a2: {  	[hbm4b:s30+s3] =	stream.linear.scatter [tilespmem:s31], [sflag:$0x1], $0x80, $0x38;
	[tilespmem:$0x10680] =	vst v63  }
0x2a3: {  	s30 =	sadd.s32 $0xA80, s1;
	s31 =	sadd.s32 $0xA0, s29  }
0x2a4: {  	[hbm4b:s31+s3] =	stream.linear.scatter [tilespmem:s30], [sflag:$0x1], $0x80, $0x38;
	[tilespmem:$0x10680] =	vst v63  }
0x2a5: {  	s30 =	sadd.s32 $0xE80, s1;
	s31 =	sadd.s32 $0x120, s29  }
0x2a6: {  	[hbm4b:s31+s3] =	stream.linear.scatter [tilespmem:s30], [sflag:$0x1], $0x80, $0x38;
	[tilespmem:$0x10680] =	vst v63  }
0x2a7: {  	s30 =	sadd.s32 $0x1280, s1;
	s31 =	sadd.s32 $0x1A0, s29  }
0x2a8: {  	[hbm4b:s31+s3] =	stream.linear.scatter [tilespmem:s30], [sflag:$0x1], $0x80, $0x38;
	[tilespmem:$0x10680] =	vst v63  }
0x2a9: {  	s30 =	sadd.s32 $0x1680, s1;
	s31 =	sadd.s32 $0x220, s29  }
0x2aa: {  	[hbm4b:s31+s3] =	stream.linear.scatter [tilespmem:s30], [sflag:$0x1], $0x80, $0x38;
	[tilespmem:$0x10680] =	vst v63  }
0x2ab: {  	s30 =	sadd.s32 $0x1A80, s1;
	s31 =	sadd.s32 $0x2A0, s29  }
0x2ac: {  	[hbm4b:s31+s3] =	stream.linear.scatter [tilespmem:s30], [sflag:$0x1], $0x80, $0x38;
	[tilespmem:$0x10680] =	vst v63  }
0x2ad: {  	s30 =	sadd.s32 $0x1E80, s1;
	s31 =	sadd.s32 $0x320, s29  }
0x2ae: {  	[hbm4b:s31+s3] =	stream.linear.scatter [tilespmem:s30], [sflag:$0x1], $0x80, $0x38;
	[tilespmem:$0x10680] =	vst v63  }
0x2af: {  	s30 =	sadd.s32 $0x2280, s1;
	s31 =	sadd.s32 $0x3A0, s29  }
0x2b0: {  	[hbm4b:s31+s3] =	stream.linear.scatter [tilespmem:s30], [sflag:$0x1], $0x80, $0x38;
	[tilespmem:$0x10680] =	vst v63  }
0x2b1: {  	s30 =	sadd.s32 $0x2680, s1;
	s31 =	sadd.s32 $0x420, s29  }
0x2b2: {  	[hbm4b:s31+s3] =	stream.linear.scatter [tilespmem:s30], [sflag:$0x1], $0x80, $0x38;
	[tilespmem:$0x10680] =	vst v63  }
0x2b3: {  	s30 =	sadd.s32 $0x2A80, s1;
	s31 =	sadd.s32 $0x4A0, s29  }
0x2b4: {  	[hbm4b:s31+s3] =	stream.linear.scatter [tilespmem:s30], [sflag:$0x1], $0x80, $0x38;
	[tilespmem:$0x10680] =	vst v63  }
0x2b5: {  	s30 =	sadd.s32 $0x2E80, s1;
	s31 =	sadd.s32 $0x520, s29  }
0x2b6: {  	[hbm4b:s31+s3] =	stream.linear.scatter [tilespmem:s30], [sflag:$0x1], $0x80, $0x38;
	[tilespmem:$0x10680] =	vst v63  }
0x2b7: {  	s30 =	sadd.s32 $0x3280, s1;
	s31 =	sadd.s32 $0x5A0, s29  }
0x2b8: {  	[hbm4b:s31+s3] =	stream.linear.scatter [tilespmem:s30], [sflag:$0x1], $0x80, $0x38;
	[tilespmem:$0x10680] =	vst v63  }
0x2b9: {  	s30 =	sadd.s32 $0x3680, s1;
	s31 =	sadd.s32 $0x620, s29  }
0x2ba: {  	[hbm4b:s31+s3] =	stream.linear.scatter [tilespmem:s30], [sflag:$0x1], $0x80, $0x38;
	[tilespmem:$0x10680] =	vst v63  }
0x2bb: {  	s30 =	sadd.s32 $0x3A80, s1;
	s31 =	sadd.s32 $0x6A0, s29  }
0x2bc: {  	[hbm4b:s31+s3] =	stream.linear.scatter [tilespmem:s30], [sflag:$0x1], $0x80, $0x38;
	[tilespmem:$0x10680] =	vst v63  }
0x2bd: {  	s30 =	sadd.s32 $0x3E80, s1;
	s31 =	sadd.s32 $0x720, s29  }
0x2be: {  	[hbm4b:s31+s3] =	stream.linear.scatter [tilespmem:s30], [sflag:$0x1], $0x80, $0x38;
	[tilespmem:$0x10680] =	vst v63  }
0x2bf: {  	s1 =	sadd.s32 $0x4280, s1;
	s31 =	sadd.s32 $0x7A0, s29  }
0x2c0: {  	[hbm4b:s31+s3] =	stream.linear.scatter [tilespmem:s1], [sflag:$0x1], $0x80, $0x38;
	[tilespmem:$0x10680] =	vst v63  }
0x2c1: {  	_ =	swait.ge [sflag:s24], $0x800  }
0x2c2: {  	(v2sf) =	vpush v0, $0x3;
	_ =	sdelay $0xe  }
0x2c3: {  	s1 =	spop (v2sf)  }
0x2c4: {  	s31 =	sshll.u32 s1, $0xB;
	s1 =	sshll.u32 s1, $0x7  }
0x2c5: {  	s30 =	sand.u32 $0xFFFFC000, s31;
	s1 =	sand.u32 $0x380, s1  }
0x2c6: {  	[sflag:s24] =	ssyncset.done $0x0;
	s1 =	sor.u32 s1, s30  }
0x2c7: {  	[sflag:s24] =	ssyncadd.s32 $0xFFFFF800;
	s30 =	sadd.s32 $0x30, s29;
	s31 =	sadd.s32 $0x680, s1  }
0x2c8: {  	[hbm4b:s30+s3] =	stream.linear.scatter [tilespmem:s31], [sflag:$0x1], $0x80, $0x38;
	[tilespmem:$0x10680] =	vst v63  }
0x2c9: {  	s30 =	sadd.s32 $0xA80, s1;
	s31 =	sadd.s32 $0xB0, s29  }
0x2ca: {  	[hbm4b:s31+s3] =	stream.linear.scatter [tilespmem:s30], [sflag:$0x1], $0x80, $0x38;
	[tilespmem:$0x10680] =	vst v63  }
0x2cb: {  	s30 =	sadd.s32 $0xE80, s1;
	s31 =	sadd.s32 $0x130, s29  }
0x2cc: {  	[hbm4b:s31+s3] =	stream.linear.scatter [tilespmem:s30], [sflag:$0x1], $0x80, $0x38;
	[tilespmem:$0x10680] =	vst v63  }
0x2cd: {  	s30 =	sadd.s32 $0x1280, s1;
	s31 =	sadd.s32 $0x1B0, s29  }
0x2ce: {  	[hbm4b:s31+s3] =	stream.linear.scatter [tilespmem:s30], [sflag:$0x1], $0x80, $0x38;
	[tilespmem:$0x10680] =	vst v63  }
0x2cf: {  	s30 =	sadd.s32 $0x1680, s1;
	s31 =	sadd.s32 $0x230, s29  }
0x2d0: {  	[hbm4b:s31+s3] =	stream.linear.scatter [tilespmem:s30], [sflag:$0x1], $0x80, $0x38;
	[tilespmem:$0x10680] =	vst v63  }
0x2d1: {  	s30 =	sadd.s32 $0x1A80, s1;
	s31 =	sadd.s32 $0x2B0, s29  }
0x2d2: {  	[hbm4b:s31+s3] =	stream.linear.scatter [tilespmem:s30], [sflag:$0x1], $0x80, $0x38;
	[tilespmem:$0x10680] =	vst v63  }
0x2d3: {  	s30 =	sadd.s32 $0x1E80, s1;
	s31 =	sadd.s32 $0x330, s29  }
0x2d4: {  	[hbm4b:s31+s3] =	stream.linear.scatter [tilespmem:s30], [sflag:$0x1], $0x80, $0x38;
	[tilespmem:$0x10680] =	vst v63  }
0x2d5: {  	s30 =	sadd.s32 $0x2280, s1;
	s31 =	sadd.s32 $0x3B0, s29  }
0x2d6: {  	[hbm4b:s31+s3] =	stream.linear.scatter [tilespmem:s30], [sflag:$0x1], $0x80, $0x38;
	[tilespmem:$0x10680] =	vst v63  }
0x2d7: {  	s30 =	sadd.s32 $0x2680, s1;
	s31 =	sadd.s32 $0x430, s29  }
0x2d8: {  	[hbm4b:s31+s3] =	stream.linear.scatter [tilespmem:s30], [sflag:$0x1], $0x80, $0x38;
	[tilespmem:$0x10680] =	vst v63  }
0x2d9: {  	s30 =	sadd.s32 $0x2A80, s1;
	s31 =	sadd.s32 $0x4B0, s29  }
0x2da: {  	[hbm4b:s31+s3] =	stream.linear.scatter [tilespmem:s30], [sflag:$0x1], $0x80, $0x38;
	[tilespmem:$0x10680] =	vst v63  }
0x2db: {  	s30 =	sadd.s32 $0x2E80, s1;
	s31 =	sadd.s32 $0x530, s29  }
0x2dc: {  	[hbm4b:s31+s3] =	stream.linear.scatter [tilespmem:s30], [sflag:$0x1], $0x80, $0x38;
	[tilespmem:$0x10680] =	vst v63  }
0x2dd: {  	s30 =	sadd.s32 $0x3280, s1;
	s31 =	sadd.s32 $0x5B0, s29  }
0x2de: {  	[hbm4b:s31+s3] =	stream.linear.scatter [tilespmem:s30], [sflag:$0x1], $0x80, $0x38;
	[tilespmem:$0x10680] =	vst v63  }
0x2df: {  	s30 =	sadd.s32 $0x3680, s1;
	s31 =	sadd.s32 $0x630, s29  }
0x2e0: {  	[hbm4b:s31+s3] =	stream.linear.scatter [tilespmem:s30], [sflag:$0x1], $0x80, $0x38;
	[tilespmem:$0x10680] =	vst v63  }
0x2e1: {  	s30 =	sadd.s32 $0x3A80, s1;
	s31 =	sadd.s32 $0x6B0, s29  }
0x2e2: {  	[hbm4b:s31+s3] =	stream.linear.scatter [tilespmem:s30], [sflag:$0x1], $0x80, $0x38;
	[tilespmem:$0x10680] =	vst v63  }
0x2e3: {  	s30 =	sadd.s32 $0x3E80, s1;
	s31 =	sadd.s32 $0x730, s29  }
0x2e4: {  	[hbm4b:s31+s3] =	stream.linear.scatter [tilespmem:s30], [sflag:$0x1], $0x80, $0x38;
	[tilespmem:$0x10680] =	vst v63  }
0x2e5: {  	s1 =	sadd.s32 $0x4280, s1;
	s31 =	sadd.s32 $0x7B0, s29  }
0x2e6: {  	[hbm4b:s31+s3] =	stream.linear.scatter [tilespmem:s1], [sflag:$0x1], $0x80, $0x38;
	[tilespmem:$0x10680] =	vst v63  }
0x2e7: {  	_ =	swait.ge [sflag:s24], $0x800  }
0x2e8: {  	(v2sf) =	vpush v0, $0x4;
	_ =	sdelay $0xe  }
0x2e9: {  	s1 =	spop (v2sf)  }
0x2ea: {  	s31 =	sshll.u32 s1, $0xB;
	s1 =	sshll.u32 s1, $0x7  }
0x2eb: {  	s30 =	sand.u32 $0xFFFFC000, s31;
	s1 =	sand.u32 $0x380, s1  }
0x2ec: {  	[sflag:s24] =	ssyncset.done $0x0;
	s1 =	sor.u32 s1, s30  }
0x2ed: {  	[sflag:s24] =	ssyncadd.s32 $0xFFFFF800;
	s30 =	sadd.s32 $0x40, s29;
	s31 =	sadd.s32 $0x680, s1  }
0x2ee: {  	[hbm4b:s30+s3] =	stream.linear.scatter [tilespmem:s31], [sflag:$0x1], $0x80, $0x38;
	[tilespmem:$0x10680] =	vst v63  }
0x2ef: {  	s30 =	sadd.s32 $0xA80, s1;
	s31 =	sadd.s32 $0xC0, s29  }
0x2f0: {  	[hbm4b:s31+s3] =	stream.linear.scatter [tilespmem:s30], [sflag:$0x1], $0x80, $0x38;
	[tilespmem:$0x10680] =	vst v63  }
0x2f1: {  	s30 =	sadd.s32 $0xE80, s1;
	s31 =	sadd.s32 $0x140, s29  }
0x2f2: {  	[hbm4b:s31+s3] =	stream.linear.scatter [tilespmem:s30], [sflag:$0x1], $0x80, $0x38;
	[tilespmem:$0x10680] =	vst v63  }
0x2f3: {  	s30 =	sadd.s32 $0x1280, s1;
	s31 =	sadd.s32 $0x1C0, s29  }
0x2f4: {  	[hbm4b:s31+s3] =	stream.linear.scatter [tilespmem:s30], [sflag:$0x1], $0x80, $0x38;
	[tilespmem:$0x10680] =	vst v63  }
0x2f5: {  	s30 =	sadd.s32 $0x1680, s1;
	s31 =	sadd.s32 $0x240, s29  }
0x2f6: {  	[hbm4b:s31+s3] =	stream.linear.scatter [tilespmem:s30], [sflag:$0x1], $0x80, $0x38;
	[tilespmem:$0x10680] =	vst v63  }
0x2f7: {  	s30 =	sadd.s32 $0x1A80, s1;
	s31 =	sadd.s32 $0x2C0, s29  }
0x2f8: {  	[hbm4b:s31+s3] =	stream.linear.scatter [tilespmem:s30], [sflag:$0x1], $0x80, $0x38;
	[tilespmem:$0x10680] =	vst v63  }
0x2f9: {  	s30 =	sadd.s32 $0x1E80, s1;
	s31 =	sadd.s32 $0x340, s29  }
0x2fa: {  	[hbm4b:s31+s3] =	stream.linear.scatter [tilespmem:s30], [sflag:$0x1], $0x80, $0x38;
	[tilespmem:$0x10680] =	vst v63  }
0x2fb: {  	s30 =	sadd.s32 $0x2280, s1;
	s31 =	sadd.s32 $0x3C0, s29  }
0x2fc: {  	[hbm4b:s31+s3] =	stream.linear.scatter [tilespmem:s30], [sflag:$0x1], $0x80, $0x38;
	[tilespmem:$0x10680] =	vst v63  }
0x2fd: {  	s30 =	sadd.s32 $0x2680, s1;
	s31 =	sadd.s32 $0x440, s29  }
0x2fe: {  	[hbm4b:s31+s3] =	stream.linear.scatter [tilespmem:s30], [sflag:$0x1], $0x80, $0x38;
	[tilespmem:$0x10680] =	vst v63  }
0x2ff: {  	s30 =	sadd.s32 $0x2A80, s1;
	s31 =	sadd.s32 $0x4C0, s29  }
0x300: {  	[hbm4b:s31+s3] =	stream.linear.scatter [tilespmem:s30], [sflag:$0x1], $0x80, $0x38;
	[tilespmem:$0x10680] =	vst v63  }
0x301: {  	s30 =	sadd.s32 $0x2E80, s1;
	s31 =	sadd.s32 $0x540, s29  }
0x302: {  	[hbm4b:s31+s3] =	stream.linear.scatter [tilespmem:s30], [sflag:$0x1], $0x80, $0x38;
	[tilespmem:$0x10680] =	vst v63  }
0x303: {  	s30 =	sadd.s32 $0x3280, s1;
	s31 =	sadd.s32 $0x5C0, s29  }
0x304: {  	[hbm4b:s31+s3] =	stream.linear.scatter [tilespmem:s30], [sflag:$0x1], $0x80, $0x38;
	[tilespmem:$0x10680] =	vst v63  }
0x305: {  	s30 =	sadd.s32 $0x3680, s1;
	s31 =	sadd.s32 $0x640, s29  }
0x306: {  	[hbm4b:s31+s3] =	stream.linear.scatter [tilespmem:s30], [sflag:$0x1], $0x80, $0x38;
	[tilespmem:$0x10680] =	vst v63  }
0x307: {  	s30 =	sadd.s32 $0x3A80, s1;
	s31 =	sadd.s32 $0x6C0, s29  }
0x308: {  	[hbm4b:s31+s3] =	stream.linear.scatter [tilespmem:s30], [sflag:$0x1], $0x80, $0x38;
	[tilespmem:$0x10680] =	vst v63  }
0x309: {  	s30 =	sadd.s32 $0x3E80, s1;
	s31 =	sadd.s32 $0x740, s29  }
0x30a: {  	[hbm4b:s31+s3] =	stream.linear.scatter [tilespmem:s30], [sflag:$0x1], $0x80, $0x38;
	[tilespmem:$0x10680] =	vst v63  }
0x30b: {  	s1 =	sadd.s32 $0x4280, s1;
	s31 =	sadd.s32 $0x7C0, s29  }
0x30c: {  	[hbm4b:s31+s3] =	stream.linear.scatter [tilespmem:s1], [sflag:$0x1], $0x80, $0x38;
	[tilespmem:$0x10680] =	vst v63  }
0x30d: {  	_ =	swait.ge [sflag:s24], $0x800  }
0x30e: {  	(v2sf) =	vpush v0, $0x5;
	_ =	sdelay $0xe  }
0x30f: {  	s1 =	spop (v2sf)  }
0x310: {  	s31 =	sshll.u32 s1, $0xB;
	s1 =	sshll.u32 s1, $0x7  }
0x311: {  	s30 =	sand.u32 $0xFFFFC000, s31;
	s1 =	sand.u32 $0x380, s1  }
0x312: {  	[sflag:s24] =	ssyncset.done $0x0;
	s1 =	sor.u32 s1, s30  }
0x313: {  	[sflag:s24] =	ssyncadd.s32 $0xFFFFF800;
	s30 =	sadd.s32 $0x50, s29;
	s31 =	sadd.s32 $0x680, s1  }
0x314: {  	[hbm4b:s30+s3] =	stream.linear.scatter [tilespmem:s31], [sflag:$0x1], $0x80, $0x38;
	[tilespmem:$0x10680] =	vst v63  }
0x315: {  	s30 =	sadd.s32 $0xA80, s1;
	s31 =	sadd.s32 $0xD0, s29  }
0x316: {  	[hbm4b:s31+s3] =	stream.linear.scatter [tilespmem:s30], [sflag:$0x1], $0x80, $0x38;
	[tilespmem:$0x10680] =	vst v63  }
0x317: {  	s30 =	sadd.s32 $0xE80, s1;
	s31 =	sadd.s32 $0x150, s29  }
0x318: {  	[hbm4b:s31+s3] =	stream.linear.scatter [tilespmem:s30], [sflag:$0x1], $0x80, $0x38;
	[tilespmem:$0x10680] =	vst v63  }
0x319: {  	s30 =	sadd.s32 $0x1280, s1;
	s31 =	sadd.s32 $0x1D0, s29  }
0x31a: {  	[hbm4b:s31+s3] =	stream.linear.scatter [tilespmem:s30], [sflag:$0x1], $0x80, $0x38;
	[tilespmem:$0x10680] =	vst v63  }
0x31b: {  	s30 =	sadd.s32 $0x1680, s1;
	s31 =	sadd.s32 $0x250, s29  }
0x31c: {  	[hbm4b:s31+s3] =	stream.linear.scatter [tilespmem:s30], [sflag:$0x1], $0x80, $0x38;
	[tilespmem:$0x10680] =	vst v63  }
0x31d: {  	s30 =	sadd.s32 $0x1A80, s1;
	s31 =	sadd.s32 $0x2D0, s29  }
0x31e: {  	[hbm4b:s31+s3] =	stream.linear.scatter [tilespmem:s30], [sflag:$0x1], $0x80, $0x38;
	[tilespmem:$0x10680] =	vst v63  }
0x31f: {  	s30 =	sadd.s32 $0x1E80, s1;
	s31 =	sadd.s32 $0x350, s29  }
0x320: {  	[hbm4b:s31+s3] =	stream.linear.scatter [tilespmem:s30], [sflag:$0x1], $0x80, $0x38;
	[tilespmem:$0x10680] =	vst v63  }
0x321: {  	s30 =	sadd.s32 $0x2280, s1;
	s31 =	sadd.s32 $0x3D0, s29  }
0x322: {  	[hbm4b:s31+s3] =	stream.linear.scatter [tilespmem:s30], [sflag:$0x1], $0x80, $0x38;
	[tilespmem:$0x10680] =	vst v63  }
0x323: {  	s30 =	sadd.s32 $0x2680, s1;
	s31 =	sadd.s32 $0x450, s29  }
0x324: {  	[hbm4b:s31+s3] =	stream.linear.scatter [tilespmem:s30], [sflag:$0x1], $0x80, $0x38;
	[tilespmem:$0x10680] =	vst v63  }
0x325: {  	s30 =	sadd.s32 $0x2A80, s1;
	s31 =	sadd.s32 $0x4D0, s29  }
0x326: {  	[hbm4b:s31+s3] =	stream.linear.scatter [tilespmem:s30], [sflag:$0x1], $0x80, $0x38;
	[tilespmem:$0x10680] =	vst v63  }
0x327: {  	s30 =	sadd.s32 $0x2E80, s1;
	s31 =	sadd.s32 $0x550, s29  }
0x328: {  	[hbm4b:s31+s3] =	stream.linear.scatter [tilespmem:s30], [sflag:$0x1], $0x80, $0x38;
	[tilespmem:$0x10680] =	vst v63  }
0x329: {  	s30 =	sadd.s32 $0x3280, s1;
	s31 =	sadd.s32 $0x5D0, s29  }
0x32a: {  	[hbm4b:s31+s3] =	stream.linear.scatter [tilespmem:s30], [sflag:$0x1], $0x80, $0x38;
	[tilespmem:$0x10680] =	vst v63  }
0x32b: {  	s30 =	sadd.s32 $0x3680, s1;
	s31 =	sadd.s32 $0x650, s29  }
0x32c: {  	[hbm4b:s31+s3] =	stream.linear.scatter [tilespmem:s30], [sflag:$0x1], $0x80, $0x38;
	[tilespmem:$0x10680] =	vst v63  }
0x32d: {  	s30 =	sadd.s32 $0x3A80, s1;
	s31 =	sadd.s32 $0x6D0, s29  }
0x32e: {  	[hbm4b:s31+s3] =	stream.linear.scatter [tilespmem:s30], [sflag:$0x1], $0x80, $0x38;
	[tilespmem:$0x10680] =	vst v63  }
0x32f: {  	s30 =	sadd.s32 $0x3E80, s1;
	s31 =	sadd.s32 $0x750, s29  }
0x330: {  	[hbm4b:s31+s3] =	stream.linear.scatter [tilespmem:s30], [sflag:$0x1], $0x80, $0x38;
	[tilespmem:$0x10680] =	vst v63  }
0x331: {  	s1 =	sadd.s32 $0x4280, s1;
	s31 =	sadd.s32 $0x7D0, s29  }
0x332: {  	[hbm4b:s31+s3] =	stream.linear.scatter [tilespmem:s1], [sflag:$0x1], $0x80, $0x38;
	[tilespmem:$0x10680] =	vst v63  }
0x333: {  	_ =	swait.ge [sflag:s24], $0x800  }
0x334: {  	(v2sf) =	vpush v0, $0x6;
	_ =	sdelay $0xe  }
0x335: {  	s1 =	spop (v2sf)  }
0x336: {  	s31 =	sshll.u32 s1, $0xB;
	s1 =	sshll.u32 s1, $0x7  }
0x337: {  	s30 =	sand.u32 $0xFFFFC000, s31;
	s1 =	sand.u32 $0x380, s1  }
0x338: {  	[sflag:s24] =	ssyncset.done $0x0;
	s1 =	sor.u32 s1, s30  }
0x339: {  	[sflag:s24] =	ssyncadd.s32 $0xFFFFF800;
	s30 =	sadd.s32 $0x60, s29;
	s31 =	sadd.s32 $0x680, s1  }
0x33a: {  	[hbm4b:s30+s3] =	stream.linear.scatter [tilespmem:s31], [sflag:$0x1], $0x80, $0x38;
	[tilespmem:$0x10680] =	vst v63  }
0x33b: {  	s30 =	sadd.s32 $0xA80, s1;
	s31 =	sadd.s32 $0xE0, s29  }
0x33c: {  	[hbm4b:s31+s3] =	stream.linear.scatter [tilespmem:s30], [sflag:$0x1], $0x80, $0x38;
	[tilespmem:$0x10680] =	vst v63  }
0x33d: {  	s30 =	sadd.s32 $0xE80, s1;
	s31 =	sadd.s32 $0x160, s29  }
0x33e: {  	[hbm4b:s31+s3] =	stream.linear.scatter [tilespmem:s30], [sflag:$0x1], $0x80, $0x38;
	[tilespmem:$0x10680] =	vst v63  }
0x33f: {  	s30 =	sadd.s32 $0x1280, s1;
	s31 =	sadd.s32 $0x1E0, s29  }
0x340: {  	[hbm4b:s31+s3] =	stream.linear.scatter [tilespmem:s30], [sflag:$0x1], $0x80, $0x38;
	[tilespmem:$0x10680] =	vst v63  }
0x341: {  	s30 =	sadd.s32 $0x1680, s1;
	s31 =	sadd.s32 $0x260, s29  }
0x342: {  	[hbm4b:s31+s3] =	stream.linear.scatter [tilespmem:s30], [sflag:$0x1], $0x80, $0x38;
	[tilespmem:$0x10680] =	vst v63  }
0x343: {  	s30 =	sadd.s32 $0x1A80, s1;
	s31 =	sadd.s32 $0x2E0, s29  }
0x344: {  	[hbm4b:s31+s3] =	stream.linear.scatter [tilespmem:s30], [sflag:$0x1], $0x80, $0x38;
	[tilespmem:$0x10680] =	vst v63  }
0x345: {  	s30 =	sadd.s32 $0x1E80, s1;
	s31 =	sadd.s32 $0x360, s29  }
0x346: {  	[hbm4b:s31+s3] =	stream.linear.scatter [tilespmem:s30], [sflag:$0x1], $0x80, $0x38;
	[tilespmem:$0x10680] =	vst v63  }
0x347: {  	s30 =	sadd.s32 $0x2280, s1;
	s31 =	sadd.s32 $0x3E0, s29  }
0x348: {  	[hbm4b:s31+s3] =	stream.linear.scatter [tilespmem:s30], [sflag:$0x1], $0x80, $0x38;
	[tilespmem:$0x10680] =	vst v63  }
0x349: {  	s30 =	sadd.s32 $0x2680, s1;
	s31 =	sadd.s32 $0x460, s29  }
0x34a: {  	[hbm4b:s31+s3] =	stream.linear.scatter [tilespmem:s30], [sflag:$0x1], $0x80, $0x38;
	[tilespmem:$0x10680] =	vst v63  }
0x34b: {  	s30 =	sadd.s32 $0x2A80, s1;
	s31 =	sadd.s32 $0x4E0, s29  }
0x34c: {  	[hbm4b:s31+s3] =	stream.linear.scatter [tilespmem:s30], [sflag:$0x1], $0x80, $0x38;
	[tilespmem:$0x10680] =	vst v63  }
0x34d: {  	s30 =	sadd.s32 $0x2E80, s1;
	s31 =	sadd.s32 $0x560, s29  }
0x34e: {  	[hbm4b:s31+s3] =	stream.linear.scatter [tilespmem:s30], [sflag:$0x1], $0x80, $0x38;
	[tilespmem:$0x10680] =	vst v63  }
0x34f: {  	s30 =	sadd.s32 $0x3280, s1;
	s31 =	sadd.s32 $0x5E0, s29  }
0x350: {  	[hbm4b:s31+s3] =	stream.linear.scatter [tilespmem:s30], [sflag:$0x1], $0x80, $0x38;
	[tilespmem:$0x10680] =	vst v63  }
0x351: {  	s30 =	sadd.s32 $0x3680, s1;
	s31 =	sadd.s32 $0x660, s29  }
0x352: {  	[hbm4b:s31+s3] =	stream.linear.scatter [tilespmem:s30], [sflag:$0x1], $0x80, $0x38;
	[tilespmem:$0x10680] =	vst v63  }
0x353: {  	s30 =	sadd.s32 $0x3A80, s1;
	s31 =	sadd.s32 $0x6E0, s29  }
0x354: {  	[hbm4b:s31+s3] =	stream.linear.scatter [tilespmem:s30], [sflag:$0x1], $0x80, $0x38;
	[tilespmem:$0x10680] =	vst v63  }
0x355: {  	s30 =	sadd.s32 $0x3E80, s1;
	s31 =	sadd.s32 $0x760, s29  }
0x356: {  	[hbm4b:s31+s3] =	stream.linear.scatter [tilespmem:s30], [sflag:$0x1], $0x80, $0x38;
	[tilespmem:$0x10680] =	vst v63  }
0x357: {  	s1 =	sadd.s32 $0x4280, s1;
	s31 =	sadd.s32 $0x7E0, s29  }
0x358: {  	[hbm4b:s31+s3] =	stream.linear.scatter [tilespmem:s1], [sflag:$0x1], $0x80, $0x38;
	[tilespmem:$0x10680] =	vst v63  }
0x359: {  	_ =	swait.ge [sflag:s24], $0x800  }
0x35a: {  	(v2sf) =	vpush v0, $0x7;
	_ =	sdelay $0xe  }
0x35b: {  	s1 =	spop (v2sf)  }
0x35c: {  	s31 =	sshll.u32 s1, $0xB;
	s1 =	sshll.u32 s1, $0x7  }
0x35d: {  	s30 =	sand.u32 $0xFFFFC000, s31;
	s1 =	sand.u32 $0x380, s1  }
0x35e: {  	[sflag:s24] =	ssyncset.done $0x0;
	s1 =	sor.u32 s1, s30  }
0x35f: {  	[sflag:s24] =	ssyncadd.s32 $0xFFFFF800;
	s30 =	sadd.s32 $0x70, s29;
	s31 =	sadd.s32 $0x680, s1  }
0x360: {  	[hbm4b:s30+s3] =	stream.linear.scatter [tilespmem:s31], [sflag:$0x1], $0x80, $0x38;
	[tilespmem:$0x10680] =	vst v63  }
0x361: {  	s30 =	sadd.s32 $0xA80, s1;
	s31 =	sadd.s32 $0xF0, s29  }
0x362: {  	[hbm4b:s31+s3] =	stream.linear.scatter [tilespmem:s30], [sflag:$0x1], $0x80, $0x38;
	[tilespmem:$0x10680] =	vst v63  }
0x363: {  	s30 =	sadd.s32 $0xE80, s1;
	s31 =	sadd.s32 $0x170, s29  }
0x364: {  	[hbm4b:s31+s3] =	stream.linear.scatter [tilespmem:s30], [sflag:$0x1], $0x80, $0x38;
	[tilespmem:$0x10680] =	vst v63  }
0x365: {  	s30 =	sadd.s32 $0x1280, s1;
	s31 =	sadd.s32 $0x1F0, s29  }
0x366: {  	[hbm4b:s31+s3] =	stream.linear.scatter [tilespmem:s30], [sflag:$0x1], $0x80, $0x38;
	[tilespmem:$0x10680] =	vst v63  }
0x367: {  	s30 =	sadd.s32 $0x1680, s1;
	s31 =	sadd.s32 $0x270, s29  }
0x368: {  	[hbm4b:s31+s3] =	stream.linear.scatter [tilespmem:s30], [sflag:$0x1], $0x80, $0x38;
	[tilespmem:$0x10680] =	vst v63  }
0x369: {  	s30 =	sadd.s32 $0x1A80, s1;
	s31 =	sadd.s32 $0x2F0, s29  }
0x36a: {  	[hbm4b:s31+s3] =	stream.linear.scatter [tilespmem:s30], [sflag:$0x1], $0x80, $0x38;
	[tilespmem:$0x10680] =	vst v63  }
0x36b: {  	s30 =	sadd.s32 $0x1E80, s1;
	s31 =	sadd.s32 $0x370, s29  }
0x36c: {  	[hbm4b:s31+s3] =	stream.linear.scatter [tilespmem:s30], [sflag:$0x1], $0x80, $0x38;
	[tilespmem:$0x10680] =	vst v63  }
0x36d: {  	s30 =	sadd.s32 $0x2280, s1;
	s31 =	sadd.s32 $0x3F0, s29  }
0x36e: {  	[hbm4b:s31+s3] =	stream.linear.scatter [tilespmem:s30], [sflag:$0x1], $0x80, $0x38;
	[tilespmem:$0x10680] =	vst v63  }
0x36f: {  	s30 =	sadd.s32 $0x2680, s1;
	s31 =	sadd.s32 $0x470, s29  }
0x370: {  	[hbm4b:s31+s3] =	stream.linear.scatter [tilespmem:s30], [sflag:$0x1], $0x80, $0x38;
	[tilespmem:$0x10680] =	vst v63  }
0x371: {  	s30 =	sadd.s32 $0x2A80, s1;
	s31 =	sadd.s32 $0x4F0, s29  }
0x372: {  	[hbm4b:s31+s3] =	stream.linear.scatter [tilespmem:s30], [sflag:$0x1], $0x80, $0x38;
	[tilespmem:$0x10680] =	vst v63  }
0x373: {  	s30 =	sadd.s32 $0x2E80, s1;
	s31 =	sadd.s32 $0x570, s29  }
0x374: {  	[hbm4b:s31+s3] =	stream.linear.scatter [tilespmem:s30], [sflag:$0x1], $0x80, $0x38;
	[tilespmem:$0x10680] =	vst v63  }
0x375: {  	s30 =	sadd.s32 $0x3280, s1;
	s31 =	sadd.s32 $0x5F0, s29  }
0x376: {  	[hbm4b:s31+s3] =	stream.linear.scatter [tilespmem:s30], [sflag:$0x1], $0x80, $0x38;
	[tilespmem:$0x10680] =	vst v63  }
0x377: {  	s30 =	sadd.s32 $0x3680, s1;
	s31 =	sadd.s32 $0x670, s29  }
0x378: {  	[hbm4b:s31+s3] =	stream.linear.scatter [tilespmem:s30], [sflag:$0x1], $0x80, $0x38;
	[tilespmem:$0x10680] =	vst v63  }
0x379: {  	s30 =	sadd.s32 $0x3A80, s1;
	s31 =	sadd.s32 $0x6F0, s29  }
0x37a: {  	[hbm4b:s31+s3] =	stream.linear.scatter [tilespmem:s30], [sflag:$0x1], $0x80, $0x38;
	[tilespmem:$0x10680] =	vst v63  }
0x37b: {  	s30 =	sadd.s32 $0x3E80, s1;
	s31 =	sadd.s32 $0x770, s29  }
0x37c: {  	[hbm4b:s31+s3] =	stream.linear.scatter [tilespmem:s30], [sflag:$0x1], $0x80, $0x38;
	[tilespmem:$0x10680] =	vst v63  }
0x37d: {  	s1 =	sadd.s32 $0x4280, s1;
	s29 =	sadd.s32 $0x7F0, s29  }
0x37e: {  	[hbm4b:s29+s3] =	stream.linear.scatter [tilespmem:s1], [sflag:$0x1], $0x80, $0x38;
	[tilespmem:$0x10680] =	vst v63  }
0x37f: {  	_ =	swait.ge [sflag:s24], $0x800  }
0x380: {  	(v2sf) =	vpush v0, $0x8;
	_ =	sdelay $0xe  }
0x381: {  	s1 =	spop (v2sf)  }
0x382: {  	s31 =	sshll.u32 s1, $0xB;
	s1 =	sshll.u32 s1, $0x7  }
0x383: {  	s30 =	sand.u32 $0xFFFFC000, s31;
	s1 =	sand.u32 $0x380, s1  }
0x384: {  	s29 =	rddreg [dreg:$0x5];
	[sflag:s24] =	ssyncset.done $0x0;
	s1 =	sor.u32 s1, s30  }
0x385: {  	[sflag:s24] =	ssyncadd.s32 $0xFFFFF800;
	s29 =	sadd.s32 s28, s29;
	s30 =	sadd.s32 $0x680, s1  }
0x386: {  	[hbm4b:s29+s3] =	stream.linear.scatter [tilespmem:s30], [sflag:$0x1], $0x80, $0x38;
	[tilespmem:$0x10680] =	vst v63  }
0x387: {  	s31 =	sadd.s32 $0x80, s29;
	s30 =	sadd.s32 $0xA80, s1  }
0x388: {  	[hbm4b:s31+s3] =	stream.linear.scatter [tilespmem:s30], [sflag:$0x1], $0x80, $0x38;
	[tilespmem:$0x10680] =	vst v63  }
0x389: {  	s30 =	sadd.s32 $0xE80, s1;
	s31 =	sadd.s32 $0x100, s29  }
0x38a: {  	[hbm4b:s31+s3] =	stream.linear.scatter [tilespmem:s30], [sflag:$0x1], $0x80, $0x38;
	[tilespmem:$0x10680] =	vst v63  }
0x38b: {  	s30 =	sadd.s32 $0x1280, s1;
	s31 =	sadd.s32 $0x180, s29  }
0x38c: {  	[hbm4b:s31+s3] =	stream.linear.scatter [tilespmem:s30], [sflag:$0x1], $0x80, $0x38;
	[tilespmem:$0x10680] =	vst v63  }
0x38d: {  	s30 =	sadd.s32 $0x1680, s1;
	s31 =	sadd.s32 $0x200, s29  }
0x38e: {  	[hbm4b:s31+s3] =	stream.linear.scatter [tilespmem:s30], [sflag:$0x1], $0x80, $0x38;
	[tilespmem:$0x10680] =	vst v63  }
0x38f: {  	s30 =	sadd.s32 $0x1A80, s1;
	s31 =	sadd.s32 $0x280, s29  }
0x390: {  	[hbm4b:s31+s3] =	stream.linear.scatter [tilespmem:s30], [sflag:$0x1], $0x80, $0x38;
	[tilespmem:$0x10680] =	vst v63  }
0x391: {  	s30 =	sadd.s32 $0x1E80, s1;
	s31 =	sadd.s32 $0x300, s29  }
0x392: {  	[hbm4b:s31+s3] =	stream.linear.scatter [tilespmem:s30], [sflag:$0x1], $0x80, $0x38;
	[tilespmem:$0x10680] =	vst v63  }
0x393: {  	s30 =	sadd.s32 $0x2280, s1;
	s31 =	sadd.s32 $0x380, s29  }
0x394: {  	[hbm4b:s31+s3] =	stream.linear.scatter [tilespmem:s30], [sflag:$0x1], $0x80, $0x38;
	[tilespmem:$0x10680] =	vst v63  }
0x395: {  	s30 =	sadd.s32 $0x2680, s1;
	s31 =	sadd.s32 $0x400, s29  }
0x396: {  	[hbm4b:s31+s3] =	stream.linear.scatter [tilespmem:s30], [sflag:$0x1], $0x80, $0x38;
	[tilespmem:$0x10680] =	vst v63  }
0x397: {  	s30 =	sadd.s32 $0x2A80, s1;
	s31 =	sadd.s32 $0x480, s29  }
0x398: {  	[hbm4b:s31+s3] =	stream.linear.scatter [tilespmem:s30], [sflag:$0x1], $0x80, $0x38;
	[tilespmem:$0x10680] =	vst v63  }
0x399: {  	s30 =	sadd.s32 $0x2E80, s1;
	s31 =	sadd.s32 $0x500, s29  }
0x39a: {  	[hbm4b:s31+s3] =	stream.linear.scatter [tilespmem:s30], [sflag:$0x1], $0x80, $0x38;
	[tilespmem:$0x10680] =	vst v63  }
0x39b: {  	s30 =	sadd.s32 $0x3280, s1;
	s31 =	sadd.s32 $0x580, s29  }
0x39c: {  	[hbm4b:s31+s3] =	stream.linear.scatter [tilespmem:s30], [sflag:$0x1], $0x80, $0x38;
	[tilespmem:$0x10680] =	vst v63  }
0x39d: {  	s30 =	sadd.s32 $0x3680, s1;
	s31 =	sadd.s32 $0x600, s29  }
0x39e: {  	[hbm4b:s31+s3] =	stream.linear.scatter [tilespmem:s30], [sflag:$0x1], $0x80, $0x38;
	[tilespmem:$0x10680] =	vst v63  }
0x39f: {  	s30 =	sadd.s32 $0x3A80, s1;
	s31 =	sadd.s32 $0x680, s29  }
0x3a0: {  	[hbm4b:s31+s3] =	stream.linear.scatter [tilespmem:s30], [sflag:$0x1], $0x80, $0x38;
	[tilespmem:$0x10680] =	vst v63  }
0x3a1: {  	s30 =	sadd.s32 $0x3E80, s1;
	s31 =	sadd.s32 $0x700, s29  }
0x3a2: {  	[hbm4b:s31+s3] =	stream.linear.scatter [tilespmem:s30], [sflag:$0x1], $0x80, $0x38;
	[tilespmem:$0x10680] =	vst v63  }
0x3a3: {  	s1 =	sadd.s32 $0x4280, s1;
	s31 =	sadd.s32 $0x780, s29  }
0x3a4: {  	[hbm4b:s31+s3] =	stream.linear.scatter [tilespmem:s1], [sflag:$0x1], $0x80, $0x38;
	[tilespmem:$0x10680] =	vst v63  }
0x3a5: {  	_ =	swait.ge [sflag:s24], $0x800  }
0x3a6: {  	(v2sf) =	vpush v0, $0x9;
	_ =	sdelay $0xe  }
0x3a7: {  	s1 =	spop (v2sf)  }
0x3a8: {  	s31 =	sshll.u32 s1, $0xB;
	s1 =	sshll.u32 s1, $0x7  }
0x3a9: {  	s30 =	sand.u32 $0xFFFFC000, s31;
	s1 =	sand.u32 $0x380, s1  }
0x3aa: {  	[sflag:s24] =	ssyncset.done $0x0;
	s1 =	sor.u32 s1, s30  }
0x3ab: {  	[sflag:s24] =	ssyncadd.s32 $0xFFFFF800;
	s30 =	sadd.s32 $0x10, s29;
	s31 =	sadd.s32 $0x680, s1  }
0x3ac: {  	[hbm4b:s30+s3] =	stream.linear.scatter [tilespmem:s31], [sflag:$0x1], $0x80, $0x38;
	[tilespmem:$0x10680] =	vst v63  }
0x3ad: {  	s30 =	sadd.s32 $0xA80, s1;
	s31 =	sadd.s32 $0x90, s29  }
0x3ae: {  	[hbm4b:s31+s3] =	stream.linear.scatter [tilespmem:s30], [sflag:$0x1], $0x80, $0x38;
	[tilespmem:$0x10680] =	vst v63  }
0x3af: {  	s30 =	sadd.s32 $0xE80, s1;
	s31 =	sadd.s32 $0x110, s29  }
0x3b0: {  	[hbm4b:s31+s3] =	stream.linear.scatter [tilespmem:s30], [sflag:$0x1], $0x80, $0x38;
	[tilespmem:$0x10680] =	vst v63  }
0x3b1: {  	s30 =	sadd.s32 $0x1280, s1;
	s31 =	sadd.s32 $0x190, s29  }
0x3b2: {  	[hbm4b:s31+s3] =	stream.linear.scatter [tilespmem:s30], [sflag:$0x1], $0x80, $0x38;
	[tilespmem:$0x10680] =	vst v63  }
0x3b3: {  	s30 =	sadd.s32 $0x1680, s1;
	s31 =	sadd.s32 $0x210, s29  }
0x3b4: {  	[hbm4b:s31+s3] =	stream.linear.scatter [tilespmem:s30], [sflag:$0x1], $0x80, $0x38;
	[tilespmem:$0x10680] =	vst v63  }
0x3b5: {  	s30 =	sadd.s32 $0x1A80, s1;
	s31 =	sadd.s32 $0x290, s29  }
0x3b6: {  	[hbm4b:s31+s3] =	stream.linear.scatter [tilespmem:s30], [sflag:$0x1], $0x80, $0x38;
	[tilespmem:$0x10680] =	vst v63  }
0x3b7: {  	s30 =	sadd.s32 $0x1E80, s1;
	s31 =	sadd.s32 $0x310, s29  }
0x3b8: {  	[hbm4b:s31+s3] =	stream.linear.scatter [tilespmem:s30], [sflag:$0x1], $0x80, $0x38;
	[tilespmem:$0x10680] =	vst v63  }
0x3b9: {  	s30 =	sadd.s32 $0x2280, s1;
	s31 =	sadd.s32 $0x390, s29  }
0x3ba: {  	[hbm4b:s31+s3] =	stream.linear.scatter [tilespmem:s30], [sflag:$0x1], $0x80, $0x38;
	[tilespmem:$0x10680] =	vst v63  }
0x3bb: {  	s30 =	sadd.s32 $0x2680, s1;
	s31 =	sadd.s32 $0x410, s29  }
0x3bc: {  	[hbm4b:s31+s3] =	stream.linear.scatter [tilespmem:s30], [sflag:$0x1], $0x80, $0x38;
	[tilespmem:$0x10680] =	vst v63  }
0x3bd: {  	s30 =	sadd.s32 $0x2A80, s1;
	s31 =	sadd.s32 $0x490, s29  }
0x3be: {  	[hbm4b:s31+s3] =	stream.linear.scatter [tilespmem:s30], [sflag:$0x1], $0x80, $0x38;
	[tilespmem:$0x10680] =	vst v63  }
0x3bf: {  	s30 =	sadd.s32 $0x2E80, s1;
	s31 =	sadd.s32 $0x510, s29  }
0x3c0: {  	[hbm4b:s31+s3] =	stream.linear.scatter [tilespmem:s30], [sflag:$0x1], $0x80, $0x38;
	[tilespmem:$0x10680] =	vst v63  }
0x3c1: {  	s30 =	sadd.s32 $0x3280, s1;
	s31 =	sadd.s32 $0x590, s29  }
0x3c2: {  	[hbm4b:s31+s3] =	stream.linear.scatter [tilespmem:s30], [sflag:$0x1], $0x80, $0x38;
	[tilespmem:$0x10680] =	vst v63  }
0x3c3: {  	s30 =	sadd.s32 $0x3680, s1;
	s31 =	sadd.s32 $0x610, s29  }
0x3c4: {  	[hbm4b:s31+s3] =	stream.linear.scatter [tilespmem:s30], [sflag:$0x1], $0x80, $0x38;
	[tilespmem:$0x10680] =	vst v63  }
0x3c5: {  	s30 =	sadd.s32 $0x3A80, s1;
	s31 =	sadd.s32 $0x690, s29  }
0x3c6: {  	[hbm4b:s31+s3] =	stream.linear.scatter [tilespmem:s30], [sflag:$0x1], $0x80, $0x38;
	[tilespmem:$0x10680] =	vst v63  }
0x3c7: {  	s30 =	sadd.s32 $0x3E80, s1;
	s31 =	sadd.s32 $0x710, s29  }
0x3c8: {  	[hbm4b:s31+s3] =	stream.linear.scatter [tilespmem:s30], [sflag:$0x1], $0x80, $0x38;
	[tilespmem:$0x10680] =	vst v63  }
0x3c9: {  	s1 =	sadd.s32 $0x4280, s1;
	s31 =	sadd.s32 $0x790, s29  }
0x3ca: {  	[hbm4b:s31+s3] =	stream.linear.scatter [tilespmem:s1], [sflag:$0x1], $0x80, $0x38;
	[tilespmem:$0x10680] =	vst v63  }
0x3cb: {  	_ =	swait.ge [sflag:s24], $0x800  }
0x3cc: {  	(v2sf) =	vpush v0, $0xA;
	_ =	sdelay $0xe  }
0x3cd: {  	s1 =	spop (v2sf)  }
0x3ce: {  	s31 =	sshll.u32 s1, $0xB;
	s1 =	sshll.u32 s1, $0x7  }
0x3cf: {  	s30 =	sand.u32 $0xFFFFC000, s31;
	s1 =	sand.u32 $0x380, s1  }
0x3d0: {  	[sflag:s24] =	ssyncset.done $0x0;
	s1 =	sor.u32 s1, s30  }
0x3d1: {  	[sflag:s24] =	ssyncadd.s32 $0xFFFFF800;
	s30 =	sadd.s32 $0x20, s29;
	s31 =	sadd.s32 $0x680, s1  }
0x3d2: {  	[hbm4b:s30+s3] =	stream.linear.scatter [tilespmem:s31], [sflag:$0x1], $0x80, $0x38;
	[tilespmem:$0x10680] =	vst v63  }
0x3d3: {  	s30 =	sadd.s32 $0xA80, s1;
	s31 =	sadd.s32 $0xA0, s29  }
0x3d4: {  	[hbm4b:s31+s3] =	stream.linear.scatter [tilespmem:s30], [sflag:$0x1], $0x80, $0x38;
	[tilespmem:$0x10680] =	vst v63  }
0x3d5: {  	s30 =	sadd.s32 $0xE80, s1;
	s31 =	sadd.s32 $0x120, s29  }
0x3d6: {  	[hbm4b:s31+s3] =	stream.linear.scatter [tilespmem:s30], [sflag:$0x1], $0x80, $0x38;
	[tilespmem:$0x10680] =	vst v63  }
0x3d7: {  	s30 =	sadd.s32 $0x1280, s1;
	s31 =	sadd.s32 $0x1A0, s29  }
0x3d8: {  	[hbm4b:s31+s3] =	stream.linear.scatter [tilespmem:s30], [sflag:$0x1], $0x80, $0x38;
	[tilespmem:$0x10680] =	vst v63  }
0x3d9: {  	s30 =	sadd.s32 $0x1680, s1;
	s31 =	sadd.s32 $0x220, s29  }
0x3da: {  	[hbm4b:s31+s3] =	stream.linear.scatter [tilespmem:s30], [sflag:$0x1], $0x80, $0x38;
	[tilespmem:$0x10680] =	vst v63  }
0x3db: {  	s30 =	sadd.s32 $0x1A80, s1;
	s31 =	sadd.s32 $0x2A0, s29  }
0x3dc: {  	[hbm4b:s31+s3] =	stream.linear.scatter [tilespmem:s30], [sflag:$0x1], $0x80, $0x38;
	[tilespmem:$0x10680] =	vst v63  }
0x3dd: {  	s30 =	sadd.s32 $0x1E80, s1;
	s31 =	sadd.s32 $0x320, s29  }
0x3de: {  	[hbm4b:s31+s3] =	stream.linear.scatter [tilespmem:s30], [sflag:$0x1], $0x80, $0x38;
	[tilespmem:$0x10680] =	vst v63  }
0x3df: {  	s30 =	sadd.s32 $0x2280, s1;
	s31 =	sadd.s32 $0x3A0, s29  }
0x3e0: {  	[hbm4b:s31+s3] =	stream.linear.scatter [tilespmem:s30], [sflag:$0x1], $0x80, $0x38;
	[tilespmem:$0x10680] =	vst v63  }
0x3e1: {  	s30 =	sadd.s32 $0x2680, s1;
	s31 =	sadd.s32 $0x420, s29  }
0x3e2: {  	[hbm4b:s31+s3] =	stream.linear.scatter [tilespmem:s30], [sflag:$0x1], $0x80, $0x38;
	[tilespmem:$0x10680] =	vst v63  }
0x3e3: {  	s30 =	sadd.s32 $0x2A80, s1;
	s31 =	sadd.s32 $0x4A0, s29  }
0x3e4: {  	[hbm4b:s31+s3] =	stream.linear.scatter [tilespmem:s30], [sflag:$0x1], $0x80, $0x38;
	[tilespmem:$0x10680] =	vst v63  }
0x3e5: {  	s30 =	sadd.s32 $0x2E80, s1;
	s31 =	sadd.s32 $0x520, s29  }
0x3e6: {  	[hbm4b:s31+s3] =	stream.linear.scatter [tilespmem:s30], [sflag:$0x1], $0x80, $0x38;
	[tilespmem:$0x10680] =	vst v63  }
0x3e7: {  	s30 =	sadd.s32 $0x3280, s1;
	s31 =	sadd.s32 $0x5A0, s29  }
0x3e8: {  	[hbm4b:s31+s3] =	stream.linear.scatter [tilespmem:s30], [sflag:$0x1], $0x80, $0x38;
	[tilespmem:$0x10680] =	vst v63  }
0x3e9: {  	s30 =	sadd.s32 $0x3680, s1;
	s31 =	sadd.s32 $0x620, s29  }
0x3ea: {  	[hbm4b:s31+s3] =	stream.linear.scatter [tilespmem:s30], [sflag:$0x1], $0x80, $0x38;
	[tilespmem:$0x10680] =	vst v63  }
0x3eb: {  	s30 =	sadd.s32 $0x3A80, s1;
	s31 =	sadd.s32 $0x6A0, s29  }
0x3ec: {  	[hbm4b:s31+s3] =	stream.linear.scatter [tilespmem:s30], [sflag:$0x1], $0x80, $0x38;
	[tilespmem:$0x10680] =	vst v63  }
0x3ed: {  	s30 =	sadd.s32 $0x3E80, s1;
	s31 =	sadd.s32 $0x720, s29  }
0x3ee: {  	[hbm4b:s31+s3] =	stream.linear.scatter [tilespmem:s30], [sflag:$0x1], $0x80, $0x38;
	[tilespmem:$0x10680] =	vst v63  }
0x3ef: {  	s1 =	sadd.s32 $0x4280, s1;
	s31 =	sadd.s32 $0x7A0, s29  }
0x3f0: {  	[hbm4b:s31+s3] =	stream.linear.scatter [tilespmem:s1], [sflag:$0x1], $0x80, $0x38;
	[tilespmem:$0x10680] =	vst v63  }
0x3f1: {  	_ =	swait.ge [sflag:s24], $0x800  }
0x3f2: {  	(v2sf) =	vpush v0, $0xB;
	_ =	sdelay $0xe  }
0x3f3: {  	s1 =	spop (v2sf)  }
0x3f4: {  	s31 =	sshll.u32 s1, $0xB;
	s1 =	sshll.u32 s1, $0x7  }
0x3f5: {  	s30 =	sand.u32 $0xFFFFC000, s31;
	s1 =	sand.u32 $0x380, s1  }
0x3f6: {  	[sflag:s24] =	ssyncset.done $0x0;
	s1 =	sor.u32 s1, s30  }
0x3f7: {  	[sflag:s24] =	ssyncadd.s32 $0xFFFFF800;
	s30 =	sadd.s32 $0x30, s29;
	s31 =	sadd.s32 $0x680, s1  }
0x3f8: {  	[hbm4b:s30+s3] =	stream.linear.scatter [tilespmem:s31], [sflag:$0x1], $0x80, $0x38;
	[tilespmem:$0x10680] =	vst v63  }
0x3f9: {  	s30 =	sadd.s32 $0xA80, s1;
	s31 =	sadd.s32 $0xB0, s29  }
0x3fa: {  	[hbm4b:s31+s3] =	stream.linear.scatter [tilespmem:s30], [sflag:$0x1], $0x80, $0x38;
	[tilespmem:$0x10680] =	vst v63  }
0x3fb: {  	s30 =	sadd.s32 $0xE80, s1;
	s31 =	sadd.s32 $0x130, s29  }
0x3fc: {  	[hbm4b:s31+s3] =	stream.linear.scatter [tilespmem:s30], [sflag:$0x1], $0x80, $0x38;
	[tilespmem:$0x10680] =	vst v63  }
0x3fd: {  	s30 =	sadd.s32 $0x1280, s1;
	s31 =	sadd.s32 $0x1B0, s29  }
0x3fe: {  	[hbm4b:s31+s3] =	stream.linear.scatter [tilespmem:s30], [sflag:$0x1], $0x80, $0x38;
	[tilespmem:$0x10680] =	vst v63  }
0x3ff: {  	s30 =	sadd.s32 $0x1680, s1;
	s31 =	sadd.s32 $0x230, s29  }
0x400: {  	[hbm4b:s31+s3] =	stream.linear.scatter [tilespmem:s30], [sflag:$0x1], $0x80, $0x38;
	[tilespmem:$0x10680] =	vst v63  }
0x401: {  	s30 =	sadd.s32 $0x1A80, s1;
	s31 =	sadd.s32 $0x2B0, s29  }
0x402: {  	[hbm4b:s31+s3] =	stream.linear.scatter [tilespmem:s30], [sflag:$0x1], $0x80, $0x38;
	[tilespmem:$0x10680] =	vst v63  }
0x403: {  	s30 =	sadd.s32 $0x1E80, s1;
	s31 =	sadd.s32 $0x330, s29  }
0x404: {  	[hbm4b:s31+s3] =	stream.linear.scatter [tilespmem:s30], [sflag:$0x1], $0x80, $0x38;
	[tilespmem:$0x10680] =	vst v63  }
0x405: {  	s30 =	sadd.s32 $0x2280, s1;
	s31 =	sadd.s32 $0x3B0, s29  }
0x406: {  	[hbm4b:s31+s3] =	stream.linear.scatter [tilespmem:s30], [sflag:$0x1], $0x80, $0x38;
	[tilespmem:$0x10680] =	vst v63  }
0x407: {  	s30 =	sadd.s32 $0x2680, s1;
	s31 =	sadd.s32 $0x430, s29  }
0x408: {  	[hbm4b:s31+s3] =	stream.linear.scatter [tilespmem:s30], [sflag:$0x1], $0x80, $0x38;
	[tilespmem:$0x10680] =	vst v63  }
0x409: {  	s30 =	sadd.s32 $0x2A80, s1;
	s31 =	sadd.s32 $0x4B0, s29  }
0x40a: {  	[hbm4b:s31+s3] =	stream.linear.scatter [tilespmem:s30], [sflag:$0x1], $0x80, $0x38;
	[tilespmem:$0x10680] =	vst v63  }
0x40b: {  	s30 =	sadd.s32 $0x2E80, s1;
	s31 =	sadd.s32 $0x530, s29  }
0x40c: {  	[hbm4b:s31+s3] =	stream.linear.scatter [tilespmem:s30], [sflag:$0x1], $0x80, $0x38;
	[tilespmem:$0x10680] =	vst v63  }
0x40d: {  	s30 =	sadd.s32 $0x3280, s1;
	s31 =	sadd.s32 $0x5B0, s29  }
0x40e: {  	[hbm4b:s31+s3] =	stream.linear.scatter [tilespmem:s30], [sflag:$0x1], $0x80, $0x38;
	[tilespmem:$0x10680] =	vst v63  }
0x40f: {  	s30 =	sadd.s32 $0x3680, s1;
	s31 =	sadd.s32 $0x630, s29  }
0x410: {  	[hbm4b:s31+s3] =	stream.linear.scatter [tilespmem:s30], [sflag:$0x1], $0x80, $0x38;
	[tilespmem:$0x10680] =	vst v63  }
0x411: {  	s30 =	sadd.s32 $0x3A80, s1;
	s31 =	sadd.s32 $0x6B0, s29  }
0x412: {  	[hbm4b:s31+s3] =	stream.linear.scatter [tilespmem:s30], [sflag:$0x1], $0x80, $0x38;
	[tilespmem:$0x10680] =	vst v63  }
0x413: {  	s30 =	sadd.s32 $0x3E80, s1;
	s31 =	sadd.s32 $0x730, s29  }
0x414: {  	[hbm4b:s31+s3] =	stream.linear.scatter [tilespmem:s30], [sflag:$0x1], $0x80, $0x38;
	[tilespmem:$0x10680] =	vst v63  }
0x415: {  	s1 =	sadd.s32 $0x4280, s1;
	s31 =	sadd.s32 $0x7B0, s29  }
0x416: {  	[hbm4b:s31+s3] =	stream.linear.scatter [tilespmem:s1], [sflag:$0x1], $0x80, $0x38;
	[tilespmem:$0x10680] =	vst v63  }
0x417: {  	_ =	swait.ge [sflag:s24], $0x800  }
0x418: {  	(v2sf) =	vpush v0, $0xC;
	_ =	sdelay $0xe  }
0x419: {  	s1 =	spop (v2sf)  }
0x41a: {  	s31 =	sshll.u32 s1, $0xB;
	s1 =	sshll.u32 s1, $0x7  }
0x41b: {  	s30 =	sand.u32 $0xFFFFC000, s31;
	s1 =	sand.u32 $0x380, s1  }
0x41c: {  	[sflag:s24] =	ssyncset.done $0x0;
	s1 =	sor.u32 s1, s30  }
0x41d: {  	[sflag:s24] =	ssyncadd.s32 $0xFFFFF800;
	s30 =	sadd.s32 $0x40, s29;
	s31 =	sadd.s32 $0x680, s1  }
0x41e: {  	[hbm4b:s30+s3] =	stream.linear.scatter [tilespmem:s31], [sflag:$0x1], $0x80, $0x38;
	[tilespmem:$0x10680] =	vst v63  }
0x41f: {  	s30 =	sadd.s32 $0xA80, s1;
	s31 =	sadd.s32 $0xC0, s29  }
0x420: {  	[hbm4b:s31+s3] =	stream.linear.scatter [tilespmem:s30], [sflag:$0x1], $0x80, $0x38;
	[tilespmem:$0x10680] =	vst v63  }
0x421: {  	s30 =	sadd.s32 $0xE80, s1;
	s31 =	sadd.s32 $0x140, s29  }
0x422: {  	[hbm4b:s31+s3] =	stream.linear.scatter [tilespmem:s30], [sflag:$0x1], $0x80, $0x38;
	[tilespmem:$0x10680] =	vst v63  }
0x423: {  	s30 =	sadd.s32 $0x1280, s1;
	s31 =	sadd.s32 $0x1C0, s29  }
0x424: {  	[hbm4b:s31+s3] =	stream.linear.scatter [tilespmem:s30], [sflag:$0x1], $0x80, $0x38;
	[tilespmem:$0x10680] =	vst v63  }
0x425: {  	s30 =	sadd.s32 $0x1680, s1;
	s31 =	sadd.s32 $0x240, s29  }
0x426: {  	[hbm4b:s31+s3] =	stream.linear.scatter [tilespmem:s30], [sflag:$0x1], $0x80, $0x38;
	[tilespmem:$0x10680] =	vst v63  }
0x427: {  	s30 =	sadd.s32 $0x1A80, s1;
	s31 =	sadd.s32 $0x2C0, s29  }
0x428: {  	[hbm4b:s31+s3] =	stream.linear.scatter [tilespmem:s30], [sflag:$0x1], $0x80, $0x38;
	[tilespmem:$0x10680] =	vst v63  }
0x429: {  	s30 =	sadd.s32 $0x1E80, s1;
	s31 =	sadd.s32 $0x340, s29  }
0x42a: {  	[hbm4b:s31+s3] =	stream.linear.scatter [tilespmem:s30], [sflag:$0x1], $0x80, $0x38;
	[tilespmem:$0x10680] =	vst v63  }
0x42b: {  	s30 =	sadd.s32 $0x2280, s1;
	s31 =	sadd.s32 $0x3C0, s29  }
0x42c: {  	[hbm4b:s31+s3] =	stream.linear.scatter [tilespmem:s30], [sflag:$0x1], $0x80, $0x38;
	[tilespmem:$0x10680] =	vst v63  }
0x42d: {  	s30 =	sadd.s32 $0x2680, s1;
	s31 =	sadd.s32 $0x440, s29  }
0x42e: {  	[hbm4b:s31+s3] =	stream.linear.scatter [tilespmem:s30], [sflag:$0x1], $0x80, $0x38;
	[tilespmem:$0x10680] =	vst v63  }
0x42f: {  	s30 =	sadd.s32 $0x2A80, s1;
	s31 =	sadd.s32 $0x4C0, s29  }
0x430: {  	[hbm4b:s31+s3] =	stream.linear.scatter [tilespmem:s30], [sflag:$0x1], $0x80, $0x38;
	[tilespmem:$0x10680] =	vst v63  }
0x431: {  	s30 =	sadd.s32 $0x2E80, s1;
	s31 =	sadd.s32 $0x540, s29  }
0x432: {  	[hbm4b:s31+s3] =	stream.linear.scatter [tilespmem:s30], [sflag:$0x1], $0x80, $0x38;
	[tilespmem:$0x10680] =	vst v63  }
0x433: {  	s30 =	sadd.s32 $0x3280, s1;
	s31 =	sadd.s32 $0x5C0, s29  }
0x434: {  	[hbm4b:s31+s3] =	stream.linear.scatter [tilespmem:s30], [sflag:$0x1], $0x80, $0x38;
	[tilespmem:$0x10680] =	vst v63  }
0x435: {  	s30 =	sadd.s32 $0x3680, s1;
	s31 =	sadd.s32 $0x640, s29  }
0x436: {  	[hbm4b:s31+s3] =	stream.linear.scatter [tilespmem:s30], [sflag:$0x1], $0x80, $0x38;
	[tilespmem:$0x10680] =	vst v63  }
0x437: {  	s30 =	sadd.s32 $0x3A80, s1;
	s31 =	sadd.s32 $0x6C0, s29  }
0x438: {  	[hbm4b:s31+s3] =	stream.linear.scatter [tilespmem:s30], [sflag:$0x1], $0x80, $0x38;
	[tilespmem:$0x10680] =	vst v63  }
0x439: {  	s30 =	sadd.s32 $0x3E80, s1;
	s31 =	sadd.s32 $0x740, s29  }
0x43a: {  	[hbm4b:s31+s3] =	stream.linear.scatter [tilespmem:s30], [sflag:$0x1], $0x80, $0x38;
	[tilespmem:$0x10680] =	vst v63  }
0x43b: {  	s1 =	sadd.s32 $0x4280, s1;
	s31 =	sadd.s32 $0x7C0, s29  }
0x43c: {  	[hbm4b:s31+s3] =	stream.linear.scatter [tilespmem:s1], [sflag:$0x1], $0x80, $0x38;
	[tilespmem:$0x10680] =	vst v63  }
0x43d: {  	_ =	swait.ge [sflag:s24], $0x800  }
0x43e: {  	(v2sf) =	vpush v0, $0xD;
	_ =	sdelay $0xe  }
0x43f: {  	s1 =	spop (v2sf)  }
0x440: {  	s31 =	sshll.u32 s1, $0xB;
	s1 =	sshll.u32 s1, $0x7  }
0x441: {  	s30 =	sand.u32 $0xFFFFC000, s31;
	s1 =	sand.u32 $0x380, s1  }
0x442: {  	[sflag:s24] =	ssyncset.done $0x0;
	s1 =	sor.u32 s1, s30  }
0x443: {  	[sflag:s24] =	ssyncadd.s32 $0xFFFFF800;
	s30 =	sadd.s32 $0x50, s29;
	s31 =	sadd.s32 $0x680, s1  }
0x444: {  	[hbm4b:s30+s3] =	stream.linear.scatter [tilespmem:s31], [sflag:$0x1], $0x80, $0x38;
	[tilespmem:$0x10680] =	vst v63  }
0x445: {  	s30 =	sadd.s32 $0xA80, s1;
	s31 =	sadd.s32 $0xD0, s29  }
0x446: {  	[hbm4b:s31+s3] =	stream.linear.scatter [tilespmem:s30], [sflag:$0x1], $0x80, $0x38;
	[tilespmem:$0x10680] =	vst v63  }
0x447: {  	s30 =	sadd.s32 $0xE80, s1;
	s31 =	sadd.s32 $0x150, s29  }
0x448: {  	[hbm4b:s31+s3] =	stream.linear.scatter [tilespmem:s30], [sflag:$0x1], $0x80, $0x38;
	[tilespmem:$0x10680] =	vst v63  }
0x449: {  	s30 =	sadd.s32 $0x1280, s1;
	s31 =	sadd.s32 $0x1D0, s29  }
0x44a: {  	[hbm4b:s31+s3] =	stream.linear.scatter [tilespmem:s30], [sflag:$0x1], $0x80, $0x38;
	[tilespmem:$0x10680] =	vst v63  }
0x44b: {  	s30 =	sadd.s32 $0x1680, s1;
	s31 =	sadd.s32 $0x250, s29  }
0x44c: {  	[hbm4b:s31+s3] =	stream.linear.scatter [tilespmem:s30], [sflag:$0x1], $0x80, $0x38;
	[tilespmem:$0x10680] =	vst v63  }
0x44d: {  	s30 =	sadd.s32 $0x1A80, s1;
	s31 =	sadd.s32 $0x2D0, s29  }
0x44e: {  	[hbm4b:s31+s3] =	stream.linear.scatter [tilespmem:s30], [sflag:$0x1], $0x80, $0x38;
	[tilespmem:$0x10680] =	vst v63  }
0x44f: {  	s30 =	sadd.s32 $0x1E80, s1;
	s31 =	sadd.s32 $0x350, s29  }
0x450: {  	[hbm4b:s31+s3] =	stream.linear.scatter [tilespmem:s30], [sflag:$0x1], $0x80, $0x38;
	[tilespmem:$0x10680] =	vst v63  }
0x451: {  	s30 =	sadd.s32 $0x2280, s1;
	s31 =	sadd.s32 $0x3D0, s29  }
0x452: {  	[hbm4b:s31+s3] =	stream.linear.scatter [tilespmem:s30], [sflag:$0x1], $0x80, $0x38;
	[tilespmem:$0x10680] =	vst v63  }
0x453: {  	s30 =	sadd.s32 $0x2680, s1;
	s31 =	sadd.s32 $0x450, s29  }
0x454: {  	[hbm4b:s31+s3] =	stream.linear.scatter [tilespmem:s30], [sflag:$0x1], $0x80, $0x38;
	[tilespmem:$0x10680] =	vst v63  }
0x455: {  	s30 =	sadd.s32 $0x2A80, s1;
	s31 =	sadd.s32 $0x4D0, s29  }
0x456: {  	[hbm4b:s31+s3] =	stream.linear.scatter [tilespmem:s30], [sflag:$0x1], $0x80, $0x38;
	[tilespmem:$0x10680] =	vst v63  }
0x457: {  	s30 =	sadd.s32 $0x2E80, s1;
	s31 =	sadd.s32 $0x550, s29  }
0x458: {  	[hbm4b:s31+s3] =	stream.linear.scatter [tilespmem:s30], [sflag:$0x1], $0x80, $0x38;
	[tilespmem:$0x10680] =	vst v63  }
0x459: {  	s30 =	sadd.s32 $0x3280, s1;
	s31 =	sadd.s32 $0x5D0, s29  }
0x45a: {  	[hbm4b:s31+s3] =	stream.linear.scatter [tilespmem:s30], [sflag:$0x1], $0x80, $0x38;
	[tilespmem:$0x10680] =	vst v63  }
0x45b: {  	s30 =	sadd.s32 $0x3680, s1;
	s31 =	sadd.s32 $0x650, s29  }
0x45c: {  	[hbm4b:s31+s3] =	stream.linear.scatter [tilespmem:s30], [sflag:$0x1], $0x80, $0x38;
	[tilespmem:$0x10680] =	vst v63  }
0x45d: {  	s30 =	sadd.s32 $0x3A80, s1;
	s31 =	sadd.s32 $0x6D0, s29  }
0x45e: {  	[hbm4b:s31+s3] =	stream.linear.scatter [tilespmem:s30], [sflag:$0x1], $0x80, $0x38;
	[tilespmem:$0x10680] =	vst v63  }
0x45f: {  	s30 =	sadd.s32 $0x3E80, s1;
	s31 =	sadd.s32 $0x750, s29  }
0x460: {  	[hbm4b:s31+s3] =	stream.linear.scatter [tilespmem:s30], [sflag:$0x1], $0x80, $0x38;
	[tilespmem:$0x10680] =	vst v63  }
0x461: {  	s1 =	sadd.s32 $0x4280, s1;
	s31 =	sadd.s32 $0x7D0, s29  }
0x462: {  	[hbm4b:s31+s3] =	stream.linear.scatter [tilespmem:s1], [sflag:$0x1], $0x80, $0x38;
	[tilespmem:$0x10680] =	vst v63  }
0x463: {  	_ =	swait.ge [sflag:s24], $0x800  }
0x464: {  	(v2sf) =	vpush v0, $0xE;
	_ =	sdelay $0xe  }
0x465: {  	s1 =	spop (v2sf)  }
0x466: {  	s31 =	sshll.u32 s1, $0xB;
	s1 =	sshll.u32 s1, $0x7  }
0x467: {  	s30 =	sand.u32 $0xFFFFC000, s31;
	s1 =	sand.u32 $0x380, s1  }
0x468: {  	[sflag:s24] =	ssyncset.done $0x0;
	s1 =	sor.u32 s1, s30  }
0x469: {  	[sflag:s24] =	ssyncadd.s32 $0xFFFFF800;
	s30 =	sadd.s32 $0x60, s29;
	s31 =	sadd.s32 $0x680, s1  }
0x46a: {  	[hbm4b:s30+s3] =	stream.linear.scatter [tilespmem:s31], [sflag:$0x1], $0x80, $0x38;
	[tilespmem:$0x10680] =	vst v63  }
0x46b: {  	s30 =	sadd.s32 $0xA80, s1;
	s31 =	sadd.s32 $0xE0, s29  }
0x46c: {  	[hbm4b:s31+s3] =	stream.linear.scatter [tilespmem:s30], [sflag:$0x1], $0x80, $0x38;
	[tilespmem:$0x10680] =	vst v63  }
0x46d: {  	s30 =	sadd.s32 $0xE80, s1;
	s31 =	sadd.s32 $0x160, s29  }
0x46e: {  	[hbm4b:s31+s3] =	stream.linear.scatter [tilespmem:s30], [sflag:$0x1], $0x80, $0x38;
	[tilespmem:$0x10680] =	vst v63  }
0x46f: {  	s30 =	sadd.s32 $0x1280, s1;
	s31 =	sadd.s32 $0x1E0, s29  }
0x470: {  	[hbm4b:s31+s3] =	stream.linear.scatter [tilespmem:s30], [sflag:$0x1], $0x80, $0x38;
	[tilespmem:$0x10680] =	vst v63  }
0x471: {  	s30 =	sadd.s32 $0x1680, s1;
	s31 =	sadd.s32 $0x260, s29  }
0x472: {  	[hbm4b:s31+s3] =	stream.linear.scatter [tilespmem:s30], [sflag:$0x1], $0x80, $0x38;
	[tilespmem:$0x10680] =	vst v63  }
0x473: {  	s30 =	sadd.s32 $0x1A80, s1;
	s31 =	sadd.s32 $0x2E0, s29  }
0x474: {  	[hbm4b:s31+s3] =	stream.linear.scatter [tilespmem:s30], [sflag:$0x1], $0x80, $0x38;
	[tilespmem:$0x10680] =	vst v63  }
0x475: {  	s30 =	sadd.s32 $0x1E80, s1;
	s31 =	sadd.s32 $0x360, s29  }
0x476: {  	[hbm4b:s31+s3] =	stream.linear.scatter [tilespmem:s30], [sflag:$0x1], $0x80, $0x38;
	[tilespmem:$0x10680] =	vst v63  }
0x477: {  	s30 =	sadd.s32 $0x2280, s1;
	s31 =	sadd.s32 $0x3E0, s29  }
0x478: {  	[hbm4b:s31+s3] =	stream.linear.scatter [tilespmem:s30], [sflag:$0x1], $0x80, $0x38;
	[tilespmem:$0x10680] =	vst v63  }
0x479: {  	s30 =	sadd.s32 $0x2680, s1;
	s31 =	sadd.s32 $0x460, s29  }
0x47a: {  	[hbm4b:s31+s3] =	stream.linear.scatter [tilespmem:s30], [sflag:$0x1], $0x80, $0x38;
	[tilespmem:$0x10680] =	vst v63  }
0x47b: {  	s30 =	sadd.s32 $0x2A80, s1;
	s31 =	sadd.s32 $0x4E0, s29  }
0x47c: {  	[hbm4b:s31+s3] =	stream.linear.scatter [tilespmem:s30], [sflag:$0x1], $0x80, $0x38;
	[tilespmem:$0x10680] =	vst v63  }
0x47d: {  	s30 =	sadd.s32 $0x2E80, s1;
	s31 =	sadd.s32 $0x560, s29  }
0x47e: {  	[hbm4b:s31+s3] =	stream.linear.scatter [tilespmem:s30], [sflag:$0x1], $0x80, $0x38;
	[tilespmem:$0x10680] =	vst v63  }
0x47f: {  	s30 =	sadd.s32 $0x3280, s1;
	s31 =	sadd.s32 $0x5E0, s29  }
0x480: {  	[hbm4b:s31+s3] =	stream.linear.scatter [tilespmem:s30], [sflag:$0x1], $0x80, $0x38;
	[tilespmem:$0x10680] =	vst v63  }
0x481: {  	s30 =	sadd.s32 $0x3680, s1;
	s31 =	sadd.s32 $0x660, s29  }
0x482: {  	[hbm4b:s31+s3] =	stream.linear.scatter [tilespmem:s30], [sflag:$0x1], $0x80, $0x38;
	[tilespmem:$0x10680] =	vst v63  }
0x483: {  	s30 =	sadd.s32 $0x3A80, s1;
	s31 =	sadd.s32 $0x6E0, s29  }
0x484: {  	[hbm4b:s31+s3] =	stream.linear.scatter [tilespmem:s30], [sflag:$0x1], $0x80, $0x38;
	[tilespmem:$0x10680] =	vst v63  }
0x485: {  	s30 =	sadd.s32 $0x3E80, s1;
	s31 =	sadd.s32 $0x760, s29  }
0x486: {  	[hbm4b:s31+s3] =	stream.linear.scatter [tilespmem:s30], [sflag:$0x1], $0x80, $0x38;
	[tilespmem:$0x10680] =	vst v63  }
0x487: {  	s1 =	sadd.s32 $0x4280, s1;
	s31 =	sadd.s32 $0x7E0, s29  }
0x488: {  	[hbm4b:s31+s3] =	stream.linear.scatter [tilespmem:s1], [sflag:$0x1], $0x80, $0x38;
	[tilespmem:$0x10680] =	vst v63  }
0x489: {  	_ =	swait.ge [sflag:s24], $0x800  }
0x48a: {  	(v2sf) =	vpush v0, $0xF;
	_ =	sdelay $0xe  }
0x48b: {  	s1 =	spop (v2sf)  }
0x48c: {  	s31 =	sshll.u32 s1, $0xB;
	s1 =	sshll.u32 s1, $0x7  }
0x48d: {  	s30 =	sand.u32 $0xFFFFC000, s31;
	s1 =	sand.u32 $0x380, s1  }
0x48e: {  	[sflag:s24] =	ssyncset.done $0x0;
	s1 =	sor.u32 s1, s30  }
0x48f: {  	[sflag:s24] =	ssyncadd.s32 $0xFFFFF800;
	s30 =	sadd.s32 $0x70, s29;
	s31 =	sadd.s32 $0x680, s1  }
0x490: {  	[hbm4b:s30+s3] =	stream.linear.scatter [tilespmem:s31], [sflag:$0x1], $0x80, $0x38;
	[tilespmem:$0x10680] =	vst v63  }
0x491: {  	s30 =	sadd.s32 $0xA80, s1;
	s31 =	sadd.s32 $0xF0, s29  }
0x492: {  	[hbm4b:s31+s3] =	stream.linear.scatter [tilespmem:s30], [sflag:$0x1], $0x80, $0x38;
	[tilespmem:$0x10680] =	vst v63  }
0x493: {  	s30 =	sadd.s32 $0xE80, s1;
	s31 =	sadd.s32 $0x170, s29  }
0x494: {  	[hbm4b:s31+s3] =	stream.linear.scatter [tilespmem:s30], [sflag:$0x1], $0x80, $0x38;
	[tilespmem:$0x10680] =	vst v63  }
0x495: {  	s30 =	sadd.s32 $0x1280, s1;
	s31 =	sadd.s32 $0x1F0, s29  }
0x496: {  	[hbm4b:s31+s3] =	stream.linear.scatter [tilespmem:s30], [sflag:$0x1], $0x80, $0x38;
	[tilespmem:$0x10680] =	vst v63  }
0x497: {  	s30 =	sadd.s32 $0x1680, s1;
	s31 =	sadd.s32 $0x270, s29  }
0x498: {  	[hbm4b:s31+s3] =	stream.linear.scatter [tilespmem:s30], [sflag:$0x1], $0x80, $0x38;
	[tilespmem:$0x10680] =	vst v63  }
0x499: {  	s30 =	sadd.s32 $0x1A80, s1;
	s31 =	sadd.s32 $0x2F0, s29  }
0x49a: {  	[hbm4b:s31+s3] =	stream.linear.scatter [tilespmem:s30], [sflag:$0x1], $0x80, $0x38;
	[tilespmem:$0x10680] =	vst v63  }
0x49b: {  	s30 =	sadd.s32 $0x1E80, s1;
	s31 =	sadd.s32 $0x370, s29  }
0x49c: {  	[hbm4b:s31+s3] =	stream.linear.scatter [tilespmem:s30], [sflag:$0x1], $0x80, $0x38;
	[tilespmem:$0x10680] =	vst v63  }
0x49d: {  	s30 =	sadd.s32 $0x2280, s1;
	s31 =	sadd.s32 $0x3F0, s29  }
0x49e: {  	[hbm4b:s31+s3] =	stream.linear.scatter [tilespmem:s30], [sflag:$0x1], $0x80, $0x38;
	[tilespmem:$0x10680] =	vst v63  }
0x49f: {  	s30 =	sadd.s32 $0x2680, s1;
	s31 =	sadd.s32 $0x470, s29  }
0x4a0: {  	[hbm4b:s31+s3] =	stream.linear.scatter [tilespmem:s30], [sflag:$0x1], $0x80, $0x38;
	[tilespmem:$0x10680] =	vst v63  }
0x4a1: {  	s30 =	sadd.s32 $0x2A80, s1;
	s31 =	sadd.s32 $0x4F0, s29  }
0x4a2: {  	[hbm4b:s31+s3] =	stream.linear.scatter [tilespmem:s30], [sflag:$0x1], $0x80, $0x38;
	[tilespmem:$0x10680] =	vst v63  }
0x4a3: {  	s30 =	sadd.s32 $0x2E80, s1;
	s31 =	sadd.s32 $0x570, s29  }
0x4a4: {  	[hbm4b:s31+s3] =	stream.linear.scatter [tilespmem:s30], [sflag:$0x1], $0x80, $0x38;
	[tilespmem:$0x10680] =	vst v63  }
0x4a5: {  	s30 =	sadd.s32 $0x3280, s1;
	s31 =	sadd.s32 $0x5F0, s29  }
0x4a6: {  	[hbm4b:s31+s3] =	stream.linear.scatter [tilespmem:s30], [sflag:$0x1], $0x80, $0x38;
	[tilespmem:$0x10680] =	vst v63  }
0x4a7: {  	s30 =	sadd.s32 $0x3680, s1;
	s31 =	sadd.s32 $0x670, s29  }
0x4a8: {  	[hbm4b:s31+s3] =	stream.linear.scatter [tilespmem:s30], [sflag:$0x1], $0x80, $0x38;
	[tilespmem:$0x10680] =	vst v63  }
0x4a9: {  	p0 =	sne.s32 s28, $0x62000;
	s30 =	sadd.s32 $0x3A80, s1;
	s31 =	sadd.s32 $0x6F0, s29  }
0x4aa: {  	[hbm4b:s31+s3] =	stream.linear.scatter [tilespmem:s30], [sflag:$0x1], $0x80, $0x38;
	[tilespmem:$0x10680] =	vst v63  }
.Ltmp0:
0x4ab: {  	_ = 	snop;
	(pc) =	sbr.rel @p0 .LBB2_2-.Ltmp0, $4  }
0x4ac: {  	s26 =	sadd.s32 $0x10, s26;
	s30 =	sadd.s32 $0x3E80, s1;
	s31 =	sadd.s32 $0x770, s29  }
0x4ad: {  	[hbm4b:s31+s3] =	stream.linear.scatter [tilespmem:s30], [sflag:$0x1], $0x80, $0x38;
	[tilespmem:$0x10680] =	vst v63  }
0x4ae: {  	s28 =	sadd.s32 $0x1000, s28;
	s1 =	sadd.s32 $0x4280, s1;
	s29 =	sadd.s32 $0x7F0, s29  }
0x4af: {  	[hbm4b:s29+s3] =	stream.linear.scatter [tilespmem:s1], [sflag:$0x1], $0x80, $0x38;
	[tilespmem:$0x10680] =	vst v63  }
0x4b0: {  	_ =	swait.ge [sflag:s24], $0x800  }
0x4b1: {  	[sflag:s24] =	ssyncset.done $0x0  }
0x4b2: {  	[sflag:s24] =	ssyncadd.s32 $0xFFFFF800  }
0x4b3: {  	_ =	swait.ge [sflag:s24], $0x800  }
0x4b4: {  	[sflag:s24] =	ssyncset.done $0x0  }
0x4b5: {  	[sflag:s24] =	ssyncadd.s32 $0xFFFFF800  }
0x4b6: {  	_ =	swait.ge [sflag:s24], $0x800  }
0x4b7: {  	[sflag:s24] =	ssyncset.done $0x0  }
0x4b8: {  	[sflag:s24] =	ssyncadd.s32 $0xFFFFF800  }
0x4b9: {  	_ =	swait.ge [sflag:s24], $0x800  }
0x4ba: {  	[sflag:s24] =	ssyncset.done $0x0  }
0x4bb: {  	[sflag:s24] =	ssyncadd.s32 $0xFFFFF800  }
0x4bc: {  	_ =	swait.ge [sflag:s24], $0x800  }
0x4bd: {  	[sflag:s24] =	ssyncset.done $0x0  }
0x4be: {  	[sflag:s24] =	ssyncadd.s32 $0xFFFFF800  }
0x4bf: {  	_ =	swait.ge [sflag:s24], $0x800  }
0x4c0: {  	[sflag:s24] =	ssyncset.done $0x0  }
0x4c1: {  	[sflag:s24] =	ssyncadd.s32 $0xFFFFF800  }
0x4c2: {  	_ =	swait.ge [sflag:s24], $0x800  }
0x4c3: {  	[sflag:s24] =	ssyncset.done $0x0  }
0x4c4: {  	[sflag:s24] =	ssyncadd.s32 $0xFFFFF800  }
0x4c5: {  	_ =	swait.ge [sflag:s24], $0x800  }
0x4c6: {  	[sflag:s24] =	ssyncset.done $0x0  }
0x4c7: {  	[sflag:s24] =	ssyncadd.s32 $0xFFFFF800  }
0x4c8: {  	_ =	swait.ge [sflag:s24], $0x800  }
0x4c9: {  	[sflag:s24] =	ssyncset.done $0x0  }
0x4ca: {  	[sflag:s24] =	ssyncadd.s32 $0xFFFFF800  }
0x4cb: {  	_ =	swait.ge [sflag:s24], $0x800  }
0x4cc: {  	[sflag:s24] =	ssyncset.done $0x0  }
0x4cd: {  	[sflag:s24] =	ssyncadd.s32 $0xFFFFF800  }
0x4ce: {  	_ =	swait.ge [sflag:s24], $0x800  }
0x4cf: {  	[sflag:s24] =	ssyncset.done $0x0  }
0x4d0: {  	[sflag:s24] =	ssyncadd.s32 $0xFFFFF800  }
0x4d1: {  	_ =	swait.ge [sflag:s24], $0x800  }
0x4d2: {  	[sflag:s24] =	ssyncset.done $0x0  }
0x4d3: {  	[sflag:s24] =	ssyncadd.s32 $0xFFFFF800  }
0x4d4: {  	_ =	swait.ge [sflag:s24], $0x800  }
0x4d5: {  	[sflag:s24] =	ssyncset.done $0x0  }
0x4d6: {  	[sflag:s24] =	ssyncadd.s32 $0xFFFFF800  }
0x4d7: {  	_ =	swait.ge [sflag:s24], $0x800  }
0x4d8: {  	[sflag:s24] =	ssyncset.done $0x0  }
0x4d9: {  	s25 =	sadd.s32 $0x1, s25;
	[sflag:s24] =	ssyncadd.s32 $0xFFFFF800  }
0x4da: {  	p0 =	sne.s32 s25, s21;
	_ =	swait.ge [sflag:s24], $0x800  }
.Ltmp1:
0x4db: {  	[sflag:s24] =	ssyncset.done $0x0;
	(pc) =	sbr.rel @p0 .LBB2_1-.Ltmp1, $4  }
0x4dc: {  	[sflag:s24] =	ssyncadd.s32 $0xFFFFF800  }
0x4dd: {  	_ =	swait.ge [sflag:s24], $0x800  }
0x4de: {  	[sflag:s24] =	ssyncset.done $0x0  }
0x4df: {  	[sflag:s24] =	ssyncadd.s32 $0xFFFFF800  }
0x4e0: {  	_ =	sfence.sel $0x180000  }
0x4e1: {  	[bflag:$0x0] =	sbarrier.arrive $0xFFFF  }
0x4e2: {  	_ =	strace $0x90000047  }
0x4e3: {  	[bflag:$0x2] =	sbarrier.arrive $0xFFFF  }
0x4e4: {  	p0 =	sne.s32 s0, $0x0;
	s0 =	rddreg [dreg:$0x3]  }
0x4e5: {  	s0 =	sadd.s32 @!p0 $0x100000, s0  }
0x4e6: {  	[sflag:s0] =	ssyncadd.tile.s32 @!p0 $0x1;
	_ =	shalt  }
.Lfunc_end2:
_tile_overlayer_lowered:
.L_overlay_start_2:
0x4e7: {  	(tag) =	ssettag $0x2  }
0x4e8: {  	s0 =	rddreg [dreg:$0x0];
	s2 =	stileid.u32  }
0x4e9: {  	s1 =	rddreg [dreg:$0x1];
	p0 =	sne.s32 s2, $0x0  }
0x4ea: {  	s3 =	rddreg [dreg:$0x2];
	[bflag:$0x3] =	sbarrier.arrive $0xFFFF;
	s2 =	simm.s32 @!p0 $0x1C02  }
0x4eb: {  	[timem:s3], [sflag:s2] =	dma.local @!p0 [hbm:s0], s1  }
0x4ec: {  	s0 =	simm.s32 @!p0 $0x2  }
0x4ed: {  	_ =	swait.ge @!p0 [sflag:s0], s1  }
0x4ee: {  	s1 =	ssub.s32 @!p0 $0x0, s1;
	[sflag:s0] =	ssyncset.done @!p0 $0x0  }
0x4ef: {  	[sflag:s0] =	ssyncadd.s32 @!p0 s1  }
0x4f0: {  	[bflag:$0x3] =	sbarrier.arrive $0xFFFF  }
0x4f1: {  	_ =	shalt  }

</sc_bundles>
